<compile_context>
chip_gen: v7x
topology: tpu7x:2x2x1
jax: 0.10.2.dev20260603
libtpu: 0.0.44.dev20260713+nightly
codegen_flags: <defaults>
</compile_context>

<pallas_src>
import functools

import jax
import jax.numpy as jnp
from jax import lax
from jax.experimental import pallas as pl
from jax.experimental.pallas import tpu as pltpu
from jax.experimental.pallas import tpu_sc as plsc

N_PAD = 10240
D = 128
NW = 32
K = 128
IDXB = 16
ROWS_PER_TILE = N_PAD // 16
TC_BLK = 256

_MESH = dict(core_axis_name="c", subcore_axis_name="s", num_cores=2,
             num_subcores=16)


def _sc_deg_body(nchunks, col_hbm, ew_hbm, out_hbm, colb, ewb, zv, deg_sh):
    c = lax.axis_index("c")
    s = lax.axis_index("s")
    wid = s * 2 + c

    zero16 = jnp.zeros((16,), jnp.float32)

    def zbody(i, _):
        zv[pl.ds(i * 16, 16)] = zero16
        return 0

    lax.fori_loop(0, ROWS_PER_TILE // 16, zbody, 0, unroll=8)
    pltpu.sync_copy(zv, deg_sh.at[pl.ds(s * ROWS_PER_TILE, ROWS_PER_TILE)])
    plsc.subcore_barrier()

    def block(bi, _):
        pltpu.sync_copy(col_hbm.at[wid, pl.ds(bi * IDXB, IDXB)], colb)
        pltpu.sync_copy(ew_hbm.at[wid, pl.ds(bi * IDXB * K, IDXB * K)], ewb)

        def chunk(jj, _):
            pltpu.sync_copy(ewb.at[pl.ds(jj * K, K)], deg_sh.at[colb.at[jj]],
                            add=True)
            return 0

        lax.fori_loop(0, IDXB, chunk, 0)
        return 0

    lax.fori_loop(0, nchunks // IDXB, block, 0)
    plsc.subcore_barrier()
    pltpu.sync_copy(deg_sh.at[pl.ds(s * ROWS_PER_TILE, ROWS_PER_TILE)],
                    out_hbm.at[c, pl.ds(s * ROWS_PER_TILE, ROWS_PER_TILE)])


def _sc_deg(col3, ew2):
    nchunks = col3.shape[1]
    kern = pl.kernel(
        functools.partial(_sc_deg_body, nchunks),
        out_type=jax.ShapeDtypeStruct((2, N_PAD), jnp.float32),
        mesh=plsc.VectorSubcoreMesh(**_MESH),
        compiler_params=pltpu.CompilerParams(needs_layout_passes=False),
        scratch_types=[
            pltpu.VMEM((IDXB, K), jnp.int32),
            pltpu.VMEM((IDXB * K,), jnp.float32),
            pltpu.VMEM((ROWS_PER_TILE,), jnp.float32),
            pltpu.VMEM_SHARED((N_PAD,), jnp.float32),
        ],
    )
    return kern(col3, ew2)


def _sc_layer_body(nchunks, h_hbm, row_hbm, col_hbm, ew_hbm, out_hbm,
                   rowb, colb, ewb, gbuf, sbuf, acc_sh):
    c = lax.axis_index("c")
    s = lax.axis_index("s")
    wid = s * 2 + c

    zero16 = jnp.zeros((16,), jnp.float32)

    def zbody(r, _):
        for i in range(8):
            gbuf[r, pl.ds(16 * i, 16)] = zero16
        return 0

    lax.fori_loop(0, K, zbody, 0)
    for k in range(ROWS_PER_TILE // K):
        pltpu.sync_copy(gbuf, acc_sh.at[pl.ds(s * ROWS_PER_TILE + k * K, K)])
    plsc.subcore_barrier()

    def block(bi, _):
        pltpu.sync_copy(row_hbm.at[wid, pl.ds(bi * IDXB, IDXB)], rowb)
        pltpu.sync_copy(col_hbm.at[wid, pl.ds(bi * IDXB, IDXB)], colb)
        pltpu.sync_copy(ew_hbm.at[wid, pl.ds(bi * IDXB * K, IDXB * K)], ewb)

        def chunk(jj, _):
            pltpu.sync_copy(h_hbm.at[rowb.at[jj]], gbuf)

            def edge(e, _):
                ewbc = plsc.load_gather(
                    ewb, [jnp.full((16,), jj * K + e, jnp.int32)])
                for i in range(8):
                    sbuf[e, pl.ds(16 * i, 16)] = gbuf[e, pl.ds(16 * i, 16)] * ewbc
                return 0

            lax.fori_loop(0, K, edge, 0, unroll=2)
            pltpu.sync_copy(sbuf, acc_sh.at[colb.at[jj]], add=True)
            return 0

        lax.fori_loop(0, IDXB, chunk, 0)
        return 0

    lax.fori_loop(0, nchunks // IDXB, block, 0)
    plsc.subcore_barrier()
    pltpu.sync_copy(acc_sh.at[pl.ds(s * ROWS_PER_TILE, ROWS_PER_TILE)],
                    out_hbm.at[c, pl.ds(s * ROWS_PER_TILE, ROWS_PER_TILE)])


def _sc_layer(h, row3, col3, ew2):
    nchunks = row3.shape[1]
    kern = pl.kernel(
        functools.partial(_sc_layer_body, nchunks),
        out_type=jax.ShapeDtypeStruct((2, N_PAD, D), jnp.float32),
        mesh=plsc.VectorSubcoreMesh(**_MESH),
        compiler_params=pltpu.CompilerParams(needs_layout_passes=False),
        scratch_types=[
            pltpu.VMEM((IDXB, K), jnp.int32),
            pltpu.VMEM((IDXB, K), jnp.int32),
            pltpu.VMEM((IDXB * K,), jnp.float32),
            pltpu.VMEM((K, D), jnp.float32),
            pltpu.VMEM((K, D), jnp.float32),
            pltpu.VMEM_SHARED((N_PAD, D), jnp.float32),
        ],
    )
    return kern(h, row3, col3, ew2)


def _dotT(x, w):
    return lax.dot_general(x, w, (((1,), (1,)), ((), ())),
                           preferred_element_type=jnp.float32)


def _tc_first_body(x_ref, w_ref, deg_ref, h_ref, dinv_ref):
    deg = deg_ref[0] + deg_ref[1] + 1.0
    dinv = jnp.where(deg > 0.0, lax.rsqrt(deg), 0.0)
    h_ref[...] = dinv * _dotT(x_ref[...], w_ref[...])
    dinv_ref[...] = dinv


def _tc_first(x, w, deg2):
    grid = (N_PAD // TC_BLK,)
    return pl.pallas_call(
        _tc_first_body,
        grid=grid,
        in_specs=[
            pl.BlockSpec((TC_BLK, D), lambda i: (i, 0)),
            pl.BlockSpec((D, D), lambda i: (0, 0)),
            pl.BlockSpec((2, TC_BLK, 1), lambda i: (0, i, 0)),
        ],
        out_specs=[
            pl.BlockSpec((TC_BLK, D), lambda i: (i, 0)),
            pl.BlockSpec((TC_BLK, 1), lambda i: (i, 0)),
        ],
        out_shape=[
            jax.ShapeDtypeStruct((N_PAD, D), jnp.float32),
            jax.ShapeDtypeStruct((N_PAD, 1), jnp.float32),
        ],
    )(x, w, deg2)


def _tc_mid_body(acc_ref, h_ref, dinv_ref, b_ref, w_ref, out_ref):
    dinv = dinv_ref[...]
    o = dinv * (acc_ref[0] + acc_ref[1] + h_ref[...]) + b_ref[...]
    o = jnp.maximum(o, 0.0)
    out_ref[...] = dinv * _dotT(o, w_ref[...])


def _tc_mid(acc, h, dinv, b, w):
    grid = (N_PAD // TC_BLK,)
    return pl.pallas_call(
        _tc_mid_body,
        grid=grid,
        in_specs=[
            pl.BlockSpec((2, TC_BLK, D), lambda i: (0, i, 0)),
            pl.BlockSpec((TC_BLK, D), lambda i: (i, 0)),
            pl.BlockSpec((TC_BLK, 1), lambda i: (i, 0)),
            pl.BlockSpec((1, D), lambda i: (0, 0)),
            pl.BlockSpec((D, D), lambda i: (0, 0)),
        ],
        out_specs=pl.BlockSpec((TC_BLK, D), lambda i: (i, 0)),
        out_shape=jax.ShapeDtypeStruct((N_PAD, D), jnp.float32),
    )(acc, h, dinv, b, w)


def _tc_last_body(acc_ref, h_ref, dinv_ref, b_ref, out_ref):
    dinv = dinv_ref[...]
    out_ref[...] = dinv * (acc_ref[0] + acc_ref[1] + h_ref[...]) + b_ref[...]


def _tc_last(acc, h, dinv, b):
    grid = (N_PAD // TC_BLK,)
    return pl.pallas_call(
        _tc_last_body,
        grid=grid,
        in_specs=[
            pl.BlockSpec((2, TC_BLK, D), lambda i: (0, i, 0)),
            pl.BlockSpec((TC_BLK, D), lambda i: (i, 0)),
            pl.BlockSpec((TC_BLK, 1), lambda i: (i, 0)),
            pl.BlockSpec((1, D), lambda i: (0, 0)),
        ],
        out_specs=pl.BlockSpec((TC_BLK, D), lambda i: (i, 0)),
        out_shape=jax.ShapeDtypeStruct((N_PAD, D), jnp.float32),
    )(acc, h, dinv, b)


def kernel(X, edge_index, edge_weight, W1, b1, W2, b2, W3, b3):
    n, d = X.shape
    e = edge_weight.shape[0]
    nchunks = -(-e // (NW * K * IDXB)) * IDXB
    e_pad = NW * nchunks * K
    extra = e_pad - e

    xp = jnp.pad(X, ((0, N_PAD - n), (0, 0)))

    ar = jnp.arange(extra, dtype=jnp.int32)
    row = jnp.concatenate([edge_index[0], ar % n])
    col = jnp.concatenate([edge_index[1], n + ar % (N_PAD - n)])
    ew = jnp.concatenate([edge_weight, jnp.zeros((extra,), jnp.float32)])
    row3 = row.reshape(NW, nchunks, K)
    col3 = col.reshape(NW, nchunks, K)
    ew2 = ew.reshape(NW, nchunks * K)

    deg2 = _sc_deg(col3, ew2).reshape(2, N_PAD, 1)

    h1, dinv = _tc_first(xp, W1, deg2)
    acc1 = _sc_layer(h1, row3, col3, ew2)
    h2 = _tc_mid(acc1, h1, dinv, b1.reshape(1, D), W2)
    acc2 = _sc_layer(h2, row3, col3, ew2)
    h3 = _tc_mid(acc2, h2, dinv, b2.reshape(1, D), W3)
    acc3 = _sc_layer(h3, row3, col3, ew2)
    out = _tc_last(acc3, h3, dinv, b3.reshape(1, D))
    return out[:n]

# --- scband reference (transcript-rebuilt; emitter-appended) ---
"""Pipeline reference for scband-gcn-weighted-56057913147713 (READ-ONLY COPY).

The authoritative reference and input builder live on the scoring server;
editing this copy changes nothing except your own understanding.
"""

import jax, jax.numpy as jnp
import numpy as np

N = 10000
E = 320000
D_IN = 128
D_HID = 128
D_OUT = 128


def setup_inputs(seed: int = 0) -> dict:
    key = jax.random.key(seed)
    ks = jax.random.split(key, 10)
    X = jax.random.normal(ks[0], (N, D_IN), dtype=jnp.float32)
    edge_index = jax.random.randint(ks[1], (2, E), 0, N, dtype=jnp.int32)
    edge_weight = jax.random.uniform(ks[2], (E,), dtype=jnp.float32)
    def glorot(k, fan_out, fan_in):
        lim = (6.0 / (fan_in + fan_out)) ** 0.5
        return jax.random.uniform(k, (fan_out, fan_in), dtype=jnp.float32, minval=-lim, maxval=lim)
    W1 = glorot(ks[3], D_HID, D_IN)
    b1 = jnp.zeros((D_HID,), dtype=jnp.float32)
    W2 = glorot(ks[4], D_HID, D_HID)
    b2 = jnp.zeros((D_HID,), dtype=jnp.float32)
    W3 = glorot(ks[5], D_OUT, D_HID)
    b3 = jnp.zeros((D_OUT,), dtype=jnp.float32)
    return {"X": X, "edge_index": edge_index, "edge_weight": edge_weight,
            "W1": W1, "b1": b1, "W2": W2, "b2": b2, "W3": W3, "b3": b3}


def _gcn_norm(edge_index, edge_weight, num_nodes):
    # PyG gcn_norm: add self-loops with weight 1, symmetric deg normalization
    loop = jnp.arange(num_nodes, dtype=edge_index.dtype)
    row = jnp.concatenate([edge_index[0], loop])
    col = jnp.concatenate([edge_index[1], loop])
    ew = jnp.concatenate([edge_weight, jnp.ones((num_nodes,), dtype=edge_weight.dtype)])
    deg = jnp.zeros((num_nodes,), dtype=edge_weight.dtype).at[col].add(ew)
    deg_inv_sqrt = jnp.where(deg > 0, deg ** -0.5, 0.0)
    norm = deg_inv_sqrt[row] * ew * deg_inv_sqrt[col]
    return row, col, norm


def _gcn_layer(x, row, col, norm, W, b):
    h = x @ W.T  # PyG Linear (no bias inside lin)
    msg = norm[:, None] * jnp.take(h, row, axis=0)
    out = jnp.zeros((x.shape[0], h.shape[1]), dtype=h.dtype).at[col].add(msg)
    return out + b


def reference(X, edge_index, edge_weight, W1, b1, W2, b2, W3, b3):
    num_nodes = X.shape[0]
    row, col, norm = _gcn_norm(edge_index, edge_weight, num_nodes)
    h = _gcn_layer(X, row, col, norm, W1, b1)
    h = jax.nn.relu(h)
    h = _gcn_layer(h, row, col, norm, W2, b2)
    h = jax.nn.relu(h)
    out = _gcn_layer(h, row, col, norm, W3, b3)
    return out

if __name__ == "__main__":
    import jax
    _d = setup_inputs()
    print(jax.jit(kernel)(*tuple(_d.values())))

</pallas_src>

<mosaic_0001>
#map = affine_map<(d0, d1) -> (0, 0, 0)>
#map1 = affine_map<(d0, d1) -> (0, 0)>
module attributes {stable_mosaic.version = 14 : i64} {
  func.func @_sc_deg_body(%arg0: i32, %arg1: i32, %arg2: memref<32x80x128xi32, #tpu.memory_space<hbm>>, %arg3: memref<32x10240xf32, #tpu.memory_space<hbm>>, %arg4: memref<2x10240xf32, #tpu.memory_space<hbm>>, %arg5: memref<16x128xi32, #tpu.memory_space<vmem>>, %arg6: memref<2048xf32, #tpu.memory_space<vmem>>, %arg7: memref<640xf32, #tpu.memory_space<vmem>>, %arg8: memref<10240xf32, #tpu.memory_space<vmem_shared>>) attributes {dimension_semantics = [#tpu.dimension_semantics<core_parallel>, #tpu.dimension_semantics<subcore_parallel>], iteration_bounds = array<i64: 2, 16>, scalar_prefetch = 0 : i64, scratch_operands = 4 : i64, tpu.core_type = #tpu.core_type<sc_vector_subcore>, window_params = [{transform_indices = #map}, {transform_indices = #map1}, {transform_indices = #map1}]} {
    %mul3A = arith.constant 2 : i32
    %mul3A_0 = arith.muli %arg1, %mul3A : i32
    %add3A = arith.addi %mul3A_0, %arg0 : i32
    %broadcast_in_dim3A = arith.constant 0.000000e+00 : f32
    %broadcast_in_dim3A_1 = vector.broadcast %broadcast_in_dim3A : f32 to vector<16xf32>
    %scan3A = arith.constant 0 : i32
    %scan3A_2 = arith.constant 0 : i32
    %scan3A_3 = arith.constant 40 : i32
    %scan3A_4 = arith.addi %scan3A_2, %scan3A_3 : i32
    %scan3A_5 = arith.constant 8 : i32
    %scan3A_6 = scf.for %scan3A_22 = %scan3A_2 to %scan3A_4 step %scan3A_5 iter_args(%scan3A_23 = %scan3A) -> (i32)  : i32 {
      %mul3A_24 = arith.constant 16 : i32
      %mul3A_25 = arith.muli %scan3A_22, %mul3A_24 : i32
      %swap3A = arith.index_cast %mul3A_25 : i32 to index
      %swap3A_26 = tpu.vector_load %arg7[%swap3A] {strides = array<i32>} : memref<640xf32, #tpu.memory_space<vmem>>, vector<16xf32>,
      tpu.vector_store %arg7[%swap3A], %broadcast_in_dim3A_1 {strides = array<i32>} : memref<640xf32, #tpu.memory_space<vmem>>, vector<16xf32>,
      %scan3A_27 = arith.constant 0 : i32
      %scan3A_28 = arith.constant 1 : i32
      %scan3A_29 = arith.addi %scan3A_22, %scan3A_28 : i32
      %mul3A_30 = arith.constant 16 : i32
      %mul3A_31 = arith.muli %scan3A_29, %mul3A_30 : i32
      %swap3A_32 = arith.index_cast %mul3A_31 : i32 to index
      %swap3A_33 = tpu.vector_load %arg7[%swap3A_32] {strides = array<i32>} : memref<640xf32, #tpu.memory_space<vmem>>, vector<16xf32>,
      tpu.vector_store %arg7[%swap3A_32], %broadcast_in_dim3A_1 {strides = array<i32>} : memref<640xf32, #tpu.memory_space<vmem>>, vector<16xf32>,
      %scan3A_34 = arith.constant 0 : i32
      %scan3A_35 = arith.constant 2 : i32
      %scan3A_36 = arith.addi %scan3A_22, %scan3A_35 : i32
      %mul3A_37 = arith.constant 16 : i32
      %mul3A_38 = arith.muli %scan3A_36, %mul3A_37 : i32
      %swap3A_39 = arith.index_cast %mul3A_38 : i32 to index
      %swap3A_40 = tpu.vector_load %arg7[%swap3A_39] {strides = array<i32>} : memref<640xf32, #tpu.memory_space<vmem>>, vector<16xf32>,
      tpu.vector_store %arg7[%swap3A_39], %broadcast_in_dim3A_1 {strides = array<i32>} : memref<640xf32, #tpu.memory_space<vmem>>, vector<16xf32>,
      %scan3A_41 = arith.constant 0 : i32
      %scan3A_42 = arith.constant 3 : i32
      %scan3A_43 = arith.addi %scan3A_22, %scan3A_42 : i32
      %mul3A_44 = arith.constant 16 : i32
      %mul3A_45 = arith.muli %scan3A_43, %mul3A_44 : i32
      %swap3A_46 = arith.index_cast %mul3A_45 : i32 to index
      %swap3A_47 = tpu.vector_load %arg7[%swap3A_46] {strides = array<i32>} : memref<640xf32, #tpu.memory_space<vmem>>, vector<16xf32>,
      tpu.vector_store %arg7[%swap3A_46], %broadcast_in_dim3A_1 {strides = array<i32>} : memref<640xf32, #tpu.memory_space<vmem>>, vector<16xf32>,
      %scan3A_48 = arith.constant 0 : i32
      %scan3A_49 = arith.constant 4 : i32
      %scan3A_50 = arith.addi %scan3A_22, %scan3A_49 : i32
      %mul3A_51 = arith.constant 16 : i32
      %mul3A_52 = arith.muli %scan3A_50, %mul3A_51 : i32
      %swap3A_53 = arith.index_cast %mul3A_52 : i32 to index
      %swap3A_54 = tpu.vector_load %arg7[%swap3A_53] {strides = array<i32>} : memref<640xf32, #tpu.memory_space<vmem>>, vector<16xf32>,
      tpu.vector_store %arg7[%swap3A_53], %broadcast_in_dim3A_1 {strides = array<i32>} : memref<640xf32, #tpu.memory_space<vmem>>, vector<16xf32>,
      %scan3A_55 = arith.constant 0 : i32
      %scan3A_56 = arith.constant 5 : i32
      %scan3A_57 = arith.addi %scan3A_22, %scan3A_56 : i32
      %mul3A_58 = arith.constant 16 : i32
      %mul3A_59 = arith.muli %scan3A_57, %mul3A_58 : i32
      %swap3A_60 = arith.index_cast %mul3A_59 : i32 to index
      %swap3A_61 = tpu.vector_load %arg7[%swap3A_60] {strides = array<i32>} : memref<640xf32, #tpu.memory_space<vmem>>, vector<16xf32>,
      tpu.vector_store %arg7[%swap3A_60], %broadcast_in_dim3A_1 {strides = array<i32>} : memref<640xf32, #tpu.memory_space<vmem>>, vector<16xf32>,
      %scan3A_62 = arith.constant 0 : i32
      %scan3A_63 = arith.constant 6 : i32
      %scan3A_64 = arith.addi %scan3A_22, %scan3A_63 : i32
      %mul3A_65 = arith.constant 16 : i32
      %mul3A_66 = arith.muli %scan3A_64, %mul3A_65 : i32
      %swap3A_67 = arith.index_cast %mul3A_66 : i32 to index
      %swap3A_68 = tpu.vector_load %arg7[%swap3A_67] {strides = array<i32>} : memref<640xf32, #tpu.memory_space<vmem>>, vector<16xf32>,
      tpu.vector_store %arg7[%swap3A_67], %broadcast_in_dim3A_1 {strides = array<i32>} : memref<640xf32, #tpu.memory_space<vmem>>, vector<16xf32>,
      %scan3A_69 = arith.constant 0 : i32
      %scan3A_70 = arith.constant 7 : i32
      %scan3A_71 = arith.addi %scan3A_22, %scan3A_70 : i32
      %mul3A_72 = arith.constant 16 : i32
      %mul3A_73 = arith.muli %scan3A_71, %mul3A_72 : i32
      %swap3A_74 = arith.index_cast %mul3A_73 : i32 to index
      %swap3A_75 = tpu.vector_load %arg7[%swap3A_74] {strides = array<i32>} : memref<640xf32, #tpu.memory_space<vmem>>, vector<16xf32>,
      tpu.vector_store %arg7[%swap3A_74], %broadcast_in_dim3A_1 {strides = array<i32>} : memref<640xf32, #tpu.memory_space<vmem>>, vector<16xf32>,
      %scan3A_76 = arith.constant 0 : i32
      scf.yield %scan3A_76 : i32
    }
    %scan3A_7 = arith.constant 40 : i32
    %mul3A_8 = arith.constant 640 : i32
    %mul3A_9 = arith.muli %arg1, %mul3A_8 : i32
    "tpu.region"() ({
      %run_scoped3A = tpu.sem_alloc : memref<!tpu.dma_semaphore, #tpu.memory_space<semaphore_mem>>
      %dma_start3A = tpu.memref_slice %arg8[%mul3A_9] : memref<10240xf32, #tpu.memory_space<vmem_shared>> -> memref<640xf32, #tpu.memory_space<vmem_shared>>
      %dma_start3A_22 = tpu.memref_slice %arg8[%mul3A_9] : memref<10240xf32, #tpu.memory_space<vmem_shared>> -> memref<640xf32, #tpu.memory_space<vmem_shared>>
      tpu.enqueue_dma source(%arg7 : memref<640xf32, #tpu.memory_space<vmem>>) target(%dma_start3A_22 : memref<640xf32, #tpu.memory_space<vmem_shared>>) target_semaphore(%run_scoped3A : memref<!tpu.dma_semaphore, #tpu.memory_space<semaphore_mem>>)
      %dma_wait3A = tpu.memref_slice %arg8[%mul3A_9] : memref<10240xf32, #tpu.memory_space<vmem_shared>> -> memref<640xf32, #tpu.memory_space<vmem_shared>>
      %dma_wait3A_23 = tpu.memref_slice %arg8[%mul3A_9] : memref<10240xf32, #tpu.memory_space<vmem_shared>> -> memref<640xf32, #tpu.memory_space<vmem_shared>>
      tpu.wait_dma2 semaphore(%run_scoped3A : memref<!tpu.dma_semaphore, #tpu.memory_space<semaphore_mem>>) src(%arg7 : memref<640xf32, #tpu.memory_space<vmem>>) dst(%dma_wait3A_23 : memref<640xf32, #tpu.memory_space<vmem_shared>>)
      tpu.yield
    }) : () -> ()
    %barrier3A = arith.constant 0 : index
    tpu.barrier barrier_id(%barrier3A)
    %scan3A_10 = arith.constant 0 : i32
    %scan3A_11 = arith.constant 0 : i32
    %scan3A_12 = arith.constant 5 : i32
    %scan3A_13 = arith.addi %scan3A_11, %scan3A_12 : i32
    %scan3A_14 = arith.constant 1 : i32
    %scan3A_15 = scf.for %scan3A_22 = %scan3A_11 to %scan3A_13 step %scan3A_14 iter_args(%scan3A_23 = %scan3A_10) -> (i32)  : i32 {
      %mul3A_24 = arith.constant 16 : i32
      %mul3A_25 = arith.muli %scan3A_22, %mul3A_24 : i32
      "tpu.region"() ({
        %run_scoped3A = tpu.sem_alloc : memref<!tpu.dma_semaphore, #tpu.memory_space<semaphore_mem>>
        %dma_start3A = arith.constant 0 : i32
        %dma_start3A_38 = tpu.memref_slice %arg2[%add3A, %mul3A_25, %dma_start3A] : memref<32x80x128xi32, #tpu.memory_space<hbm>> -> memref<1x16x128xi32, #tpu.memory_space<hbm>>
        %dma_start3A_39 = tpu.memref_squeeze %dma_start3A_38 : memref<1x16x128xi32, #tpu.memory_space<hbm>> -> memref<16x128xi32, #tpu.memory_space<hbm>>
        %dma_start3A_40 = arith.constant 0 : i32
        %dma_start3A_41 = tpu.memref_slice %arg2[%add3A, %mul3A_25, %dma_start3A_40] : memref<32x80x128xi32, #tpu.memory_space<hbm>> -> memref<1x16x128xi32, #tpu.memory_space<hbm>>
        %dma_start3A_42 = tpu.memref_squeeze %dma_start3A_41 : memref<1x16x128xi32, #tpu.memory_space<hbm>> -> memref<16x128xi32, #tpu.memory_space<hbm>>
        tpu.enqueue_dma source(%dma_start3A_42 : memref<16x128xi32, #tpu.memory_space<hbm>>) target(%arg5 : memref<16x128xi32, #tpu.memory_space<vmem>>) target_semaphore(%run_scoped3A : memref<!tpu.dma_semaphore, #tpu.memory_space<semaphore_mem>>)
        %dma_wait3A = arith.constant 0 : i32
        %dma_wait3A_43 = tpu.memref_slice %arg2[%add3A, %mul3A_25, %dma_wait3A] : memref<32x80x128xi32, #tpu.memory_space<hbm>> -> memref<1x16x128xi32, #tpu.memory_space<hbm>>
        %dma_wait3A_44 = tpu.memref_squeeze %dma_wait3A_43 : memref<1x16x128xi32, #tpu.memory_space<hbm>> -> memref<16x128xi32, #tpu.memory_space<hbm>>
        %dma_wait3A_45 = arith.constant 0 : i32
        %dma_wait3A_46 = tpu.memref_slice %arg2[%add3A, %mul3A_25, %dma_wait3A_45] : memref<32x80x128xi32, #tpu.memory_space<hbm>> -> memref<1x16x128xi32, #tpu.memory_space<hbm>>
        %dma_wait3A_47 = tpu.memref_squeeze %dma_wait3A_46 : memref<1x16x128xi32, #tpu.memory_space<hbm>> -> memref<16x128xi32, #tpu.memory_space<hbm>>
        tpu.wait_dma2 semaphore(%run_scoped3A : memref<!tpu.dma_semaphore, #tpu.memory_space<semaphore_mem>>) src(%dma_wait3A_47 : memref<16x128xi32, #tpu.memory_space<hbm>>) dst(%arg5 : memref<16x128xi32, #tpu.memory_space<vmem>>)
        tpu.yield
      }) : () -> ()
      %mul3A_26 = arith.constant 16 : i32
      %mul3A_27 = arith.muli %scan3A_22, %mul3A_26 : i32
      %mul3A_28 = arith.constant 128 : i32
      %mul3A_29 = arith.muli %mul3A_27, %mul3A_28 : i32
      "tpu.region"() ({
        %run_scoped3A = tpu.sem_alloc : memref<!tpu.dma_semaphore, #tpu.memory_space<semaphore_mem>>
        %dma_start3A = tpu.memref_slice %arg3[%add3A, %mul3A_29] : memref<32x10240xf32, #tpu.memory_space<hbm>> -> memref<1x2048xf32, #tpu.memory_space<hbm>>
        %dma_start3A_38 = tpu.memref_squeeze %dma_start3A : memref<1x2048xf32, #tpu.memory_space<hbm>> -> memref<2048xf32, #tpu.memory_space<hbm>>
        %dma_start3A_39 = tpu.memref_slice %arg3[%add3A, %mul3A_29] : memref<32x10240xf32, #tpu.memory_space<hbm>> -> memref<1x2048xf32, #tpu.memory_space<hbm>>
        %dma_start3A_40 = tpu.memref_squeeze %dma_start3A_39 : memref<1x2048xf32, #tpu.memory_space<hbm>> -> memref<2048xf32, #tpu.memory_space<hbm>>
        tpu.enqueue_dma source(%dma_start3A_40 : memref<2048xf32, #tpu.memory_space<hbm>>) target(%arg6 : memref<2048xf32, #tpu.memory_space<vmem>>) target_semaphore(%run_scoped3A : memref<!tpu.dma_semaphore, #tpu.memory_space<semaphore_mem>>)
        %dma_wait3A = tpu.memref_slice %arg3[%add3A, %mul3A_29] : memref<32x10240xf32, #tpu.memory_space<hbm>> -> memref<1x2048xf32, #tpu.memory_space<hbm>>
        %dma_wait3A_41 = tpu.memref_squeeze %dma_wait3A : memref<1x2048xf32, #tpu.memory_space<hbm>> -> memref<2048xf32, #tpu.memory_space<hbm>>
        %dma_wait3A_42 = tpu.memref_slice %arg3[%add3A, %mul3A_29] : memref<32x10240xf32, #tpu.memory_space<hbm>> -> memref<1x2048xf32, #tpu.memory_space<hbm>>
        %dma_wait3A_43 = tpu.memref_squeeze %dma_wait3A_42 : memref<1x2048xf32, #tpu.memory_space<hbm>> -> memref<2048xf32, #tpu.memory_space<hbm>>
        tpu.wait_dma2 semaphore(%run_scoped3A : memref<!tpu.dma_semaphore, #tpu.memory_space<semaphore_mem>>) src(%dma_wait3A_43 : memref<2048xf32, #tpu.memory_space<hbm>>) dst(%arg6 : memref<2048xf32, #tpu.memory_space<vmem>>)
        tpu.yield
      }) : () -> ()
      %scan3A_30 = arith.constant 0 : i32
      %scan3A_31 = arith.constant 0 : i32
      %scan3A_32 = arith.constant 16 : i32
      %scan3A_33 = arith.addi %scan3A_31, %scan3A_32 : i32
      %scan3A_34 = arith.constant 1 : i32
      %scan3A_35 = scf.for %scan3A_38 = %scan3A_31 to %scan3A_33 step %scan3A_34 iter_args(%scan3A_39 = %scan3A_30) -> (i32)  : i32 {
        %mul3A_40 = arith.constant 128 : i32
        %mul3A_41 = arith.muli %scan3A_38, %mul3A_40 : i32
        "tpu.region"() ({
          %run_scoped3A = tpu.sem_alloc : memref<!tpu.dma_semaphore, #tpu.memory_space<semaphore_mem>>
          %dma_start3A = tpu.memref_slice %arg6[%mul3A_41] : memref<2048xf32, #tpu.memory_space<vmem>> -> memref<128xf32, #tpu.memory_space<vmem>>
          %dma_start3A_43 = arith.constant 0 : i32
          %dma_start3A_44 = tpu.memref_slice %arg5[%scan3A_38, %dma_start3A_43] : memref<16x128xi32, #tpu.memory_space<vmem>> -> memref<1x128xi32, #tpu.memory_space<vmem>>
          %dma_start3A_45 = tpu.memref_squeeze %dma_start3A_44 : memref<1x128xi32, #tpu.memory_space<vmem>> -> memref<128xi32, #tpu.memory_space<vmem>>
          %dma_start3A_46 = arith.constant 0 : i32
          %dma_start3A_47 = tpu.memref_slice %arg8[%dma_start3A_46] : memref<10240xf32, #tpu.memory_space<vmem_shared>> -> memref<10240xf32, #tpu.memory_space<vmem_shared>>
          tpu.enqueue_indirect_dma source(%dma_start3A : memref<128xf32, #tpu.memory_space<vmem>>) target(%dma_start3A_47 : memref<10240xf32, #tpu.memory_space<vmem_shared>>) offsets(%dma_start3A_45 : memref<128xi32, #tpu.memory_space<vmem>>) semaphore(%run_scoped3A : memref<!tpu.dma_semaphore, #tpu.memory_space<semaphore_mem>>) {add = true}
          %dma_wait3A = tpu.memref_slice %arg6[%mul3A_41] : memref<2048xf32, #tpu.memory_space<vmem>> -> memref<128xf32, #tpu.memory_space<vmem>>
          %dma_wait3A_48 = arith.constant 0 : i32
          %dma_wait3A_49 = tpu.memref_slice %arg5[%scan3A_38, %dma_wait3A_48] : memref<16x128xi32, #tpu.memory_space<vmem>> -> memref<1x128xi32, #tpu.memory_space<vmem>>
          %dma_wait3A_50 = tpu.memref_squeeze %dma_wait3A_49 : memref<1x128xi32, #tpu.memory_space<vmem>> -> memref<128xi32, #tpu.memory_space<vmem>>
          %dma_wait3A_51 = arith.constant 0 : i32
          %dma_wait3A_52 = tpu.memref_slice %arg8[%dma_wait3A_51] : memref<10240xf32, #tpu.memory_space<vmem_shared>> -> memref<10240xf32, #tpu.memory_space<vmem_shared>>
          tpu.wait_indirect_dma semaphore(%run_scoped3A : memref<!tpu.dma_semaphore, #tpu.memory_space<semaphore_mem>>) src(%dma_wait3A : memref<128xf32, #tpu.memory_space<vmem>>) dst(%dma_wait3A_52 : memref<10240xf32, #tpu.memory_space<vmem_shared>>)
          tpu.yield
        }) : () -> ()
        %scan3A_42 = arith.constant 0 : i32
        scf.yield %scan3A_42 : i32
      }
      %scan3A_36 = arith.constant 16 : i32
      %scan3A_37 = arith.constant 0 : i32
      scf.yield %scan3A_37 : i32
    }
    %scan3A_16 = arith.constant 5 : i32
    %barrier3A_17 = arith.constant 0 : index
    tpu.barrier barrier_id(%barrier3A_17)
    %mul3A_18 = arith.constant 640 : i32
    %mul3A_19 = arith.muli %arg1, %mul3A_18 : i32
    %mul3A_20 = arith.constant 640 : i32
    %mul3A_21 = arith.muli %arg1, %mul3A_20 : i32
    "tpu.region"() ({
      %run_scoped3A = tpu.sem_alloc : memref<!tpu.dma_semaphore, #tpu.memory_space<semaphore_mem>>
      %dma_start3A = tpu.memref_slice %arg4[%arg0, %mul3A_21] : memref<2x10240xf32, #tpu.memory_space<hbm>> -> memref<1x640xf32, #tpu.memory_space<hbm>>
      %dma_start3A_22 = tpu.memref_squeeze %dma_start3A : memref<1x640xf32, #tpu.memory_space<hbm>> -> memref<640xf32, #tpu.memory_space<hbm>>
      %dma_start3A_23 = tpu.memref_slice %arg8[%mul3A_19] : memref<10240xf32, #tpu.memory_space<vmem_shared>> -> memref<640xf32, #tpu.memory_space<vmem_shared>>
      tpu.enqueue_dma source(%dma_start3A_23 : memref<640xf32, #tpu.memory_space<vmem_shared>>) target(%dma_start3A_22 : memref<640xf32, #tpu.memory_space<hbm>>) target_semaphore(%run_scoped3A : memref<!tpu.dma_semaphore, #tpu.memory_space<semaphore_mem>>)
      %dma_wait3A = tpu.memref_slice %arg4[%arg0, %mul3A_21] : memref<2x10240xf32, #tpu.memory_space<hbm>> -> memref<1x640xf32, #tpu.memory_space<hbm>>
      %dma_wait3A_24 = tpu.memref_squeeze %dma_wait3A : memref<1x640xf32, #tpu.memory_space<hbm>> -> memref<640xf32, #tpu.memory_space<hbm>>
      %dma_wait3A_25 = tpu.memref_slice %arg8[%mul3A_19] : memref<10240xf32, #tpu.memory_space<vmem_shared>> -> memref<640xf32, #tpu.memory_space<vmem_shared>>
      tpu.wait_dma2 semaphore(%run_scoped3A : memref<!tpu.dma_semaphore, #tpu.memory_space<semaphore_mem>>) src(%dma_wait3A_25 : memref<640xf32, #tpu.memory_space<vmem_shared>>) dst(%dma_wait3A_24 : memref<640xf32, #tpu.memory_space<hbm>>)
      tpu.yield
    }) : () -> ()
    return
  }
}

#map = affine_map<(d0, d1) -> (0, 0)>
#map1 = affine_map<(d0, d1) -> (0, 0, 0)>
module attributes {stable_mosaic.version = 14 : i64} {
  func.func @_sc_layer_body(%arg0: i32, %arg1: i32, %arg2: memref<10240x128xf32, #tpu.memory_space<hbm>>, %arg3: memref<32x80x128xi32, #tpu.memory_space<hbm>>, %arg4: memref<32x80x128xi32, #tpu.memory_space<hbm>>, %arg5: memref<32x10240xf32, #tpu.memory_space<hbm>>, %arg6: memref<2x10240x128xf32, #tpu.memory_space<hbm>>, %arg7: memref<16x128xi32, #tpu.memory_space<vmem>>, %arg8: memref<16x128xi32, #tpu.memory_space<vmem>>, %arg9: memref<2048xf32, #tpu.memory_space<vmem>>, %arg10: memref<128x128xf32, #tpu.memory_space<vmem>>, %arg11: memref<128x128xf32, #tpu.memory_space<vmem>>, %arg12: memref<10240x128xf32, #tpu.memory_space<vmem_shared>>) attributes {dimension_semantics = [#tpu.dimension_semantics<core_parallel>, #tpu.dimension_semantics<subcore_parallel>], iteration_bounds = array<i64: 2, 16>, scalar_prefetch = 0 : i64, scratch_operands = 6 : i64, tpu.core_type = #tpu.core_type<sc_vector_subcore>, window_params = [{transform_indices = #map}, {transform_indices = #map1}, {transform_indices = #map1}, {transform_indices = #map}, {transform_indices = #map1}]} {
    %mul3A = arith.constant 2 : i32
    %mul3A_0 = arith.muli %arg1, %mul3A : i32
    %add3A = arith.addi %mul3A_0, %arg0 : i32
    %broadcast_in_dim3A = arith.constant 0.000000e+00 : f32
    %broadcast_in_dim3A_1 = vector.broadcast %broadcast_in_dim3A : f32 to vector<16xf32>
    %scan3A = arith.constant 0 : i32
    %scan3A_2 = arith.constant 0 : i32
    %scan3A_3 = arith.constant 128 : i32
    %scan3A_4 = arith.addi %scan3A_2, %scan3A_3 : i32
    %scan3A_5 = arith.constant 1 : i32
    %scan3A_6 = scf.for %scan3A_40 = %scan3A_2 to %scan3A_4 step %scan3A_5 iter_args(%scan3A_41 = %scan3A) -> (i32)  : i32 {
      %swap3A = arith.index_cast %scan3A_40 : i32 to index
      %swap3A_42 = arith.constant 0 : index
      %swap3A_43 = tpu.vector_load %arg10[%swap3A, %swap3A_42] {strides = array<i32>} : memref<128x128xf32, #tpu.memory_space<vmem>>, vector<16xf32>,
      tpu.vector_store %arg10[%swap3A, %swap3A_42], %broadcast_in_dim3A_1 {strides = array<i32>} : memref<128x128xf32, #tpu.memory_space<vmem>>, vector<16xf32>,
      %swap3A_44 = arith.index_cast %scan3A_40 : i32 to index
      %swap3A_45 = arith.constant 16 : index
      %swap3A_46 = tpu.vector_load %arg10[%swap3A_44, %swap3A_45] {strides = array<i32>} : memref<128x128xf32, #tpu.memory_space<vmem>>, vector<16xf32>,
      tpu.vector_store %arg10[%swap3A_44, %swap3A_45], %broadcast_in_dim3A_1 {strides = array<i32>} : memref<128x128xf32, #tpu.memory_space<vmem>>, vector<16xf32>,
      %swap3A_47 = arith.index_cast %scan3A_40 : i32 to index
      %swap3A_48 = arith.constant 32 : index
      %swap3A_49 = tpu.vector_load %arg10[%swap3A_47, %swap3A_48] {strides = array<i32>} : memref<128x128xf32, #tpu.memory_space<vmem>>, vector<16xf32>,
      tpu.vector_store %arg10[%swap3A_47, %swap3A_48], %broadcast_in_dim3A_1 {strides = array<i32>} : memref<128x128xf32, #tpu.memory_space<vmem>>, vector<16xf32>,
      %swap3A_50 = arith.index_cast %scan3A_40 : i32 to index
      %swap3A_51 = arith.constant 48 : index
      %swap3A_52 = tpu.vector_load %arg10[%swap3A_50, %swap3A_51] {strides = array<i32>} : memref<128x128xf32, #tpu.memory_space<vmem>>, vector<16xf32>,
      tpu.vector_store %arg10[%swap3A_50, %swap3A_51], %broadcast_in_dim3A_1 {strides = array<i32>} : memref<128x128xf32, #tpu.memory_space<vmem>>, vector<16xf32>,
      %swap3A_53 = arith.index_cast %scan3A_40 : i32 to index
      %swap3A_54 = arith.constant 64 : index
      %swap3A_55 = tpu.vector_load %arg10[%swap3A_53, %swap3A_54] {strides = array<i32>} : memref<128x128xf32, #tpu.memory_space<vmem>>, vector<16xf32>,
      tpu.vector_store %arg10[%swap3A_53, %swap3A_54], %broadcast_in_dim3A_1 {strides = array<i32>} : memref<128x128xf32, #tpu.memory_space<vmem>>, vector<16xf32>,
      %swap3A_56 = arith.index_cast %scan3A_40 : i32 to index
      %swap3A_57 = arith.constant 80 : index
      %swap3A_58 = tpu.vector_load %arg10[%swap3A_56, %swap3A_57] {strides = array<i32>} : memref<128x128xf32, #tpu.memory_space<vmem>>, vector<16xf32>,
      tpu.vector_store %arg10[%swap3A_56, %swap3A_57], %broadcast_in_dim3A_1 {strides = array<i32>} : memref<128x128xf32, #tpu.memory_space<vmem>>, vector<16xf32>,
      %swap3A_59 = arith.index_cast %scan3A_40 : i32 to index
      %swap3A_60 = arith.constant 96 : index
      %swap3A_61 = tpu.vector_load %arg10[%swap3A_59, %swap3A_60] {strides = array<i32>} : memref<128x128xf32, #tpu.memory_space<vmem>>, vector<16xf32>,
      tpu.vector_store %arg10[%swap3A_59, %swap3A_60], %broadcast_in_dim3A_1 {strides = array<i32>} : memref<128x128xf32, #tpu.memory_space<vmem>>, vector<16xf32>,
      %swap3A_62 = arith.index_cast %scan3A_40 : i32 to index
      %swap3A_63 = arith.constant 112 : index
      %swap3A_64 = tpu.vector_load %arg10[%swap3A_62, %swap3A_63] {strides = array<i32>} : memref<128x128xf32, #tpu.memory_space<vmem>>, vector<16xf32>,
      tpu.vector_store %arg10[%swap3A_62, %swap3A_63], %broadcast_in_dim3A_1 {strides = array<i32>} : memref<128x128xf32, #tpu.memory_space<vmem>>, vector<16xf32>,
      %scan3A_65 = arith.constant 0 : i32
      scf.yield %scan3A_65 : i32
    }
    %scan3A_7 = arith.constant 128 : i32
    %mul3A_8 = arith.constant 640 : i32
    %mul3A_9 = arith.muli %arg1, %mul3A_8 : i32
    %add3A_10 = arith.constant 0 : i32
    %add3A_11 = arith.addi %mul3A_9, %add3A_10 : i32
    "tpu.region"() ({
      %run_scoped3A = tpu.sem_alloc : memref<!tpu.dma_semaphore, #tpu.memory_space<semaphore_mem>>
      %dma_start3A = arith.constant 0 : i32
      %dma_start3A_40 = tpu.memref_slice %arg12[%add3A_11, %dma_start3A] : memref<10240x128xf32, #tpu.memory_space<vmem_shared>> -> memref<128x128xf32, #tpu.memory_space<vmem_shared>>
      %dma_start3A_41 = arith.constant 0 : i32
      %dma_start3A_42 = tpu.memref_slice %arg12[%add3A_11, %dma_start3A_41] : memref<10240x128xf32, #tpu.memory_space<vmem_shared>> -> memref<128x128xf32, #tpu.memory_space<vmem_shared>>
      tpu.enqueue_dma source(%arg10 : memref<128x128xf32, #tpu.memory_space<vmem>>) target(%dma_start3A_42 : memref<128x128xf32, #tpu.memory_space<vmem_shared>>) target_semaphore(%run_scoped3A : memref<!tpu.dma_semaphore, #tpu.memory_space<semaphore_mem>>)
      %dma_wait3A = arith.constant 0 : i32
      %dma_wait3A_43 = tpu.memref_slice %arg12[%add3A_11, %dma_wait3A] : memref<10240x128xf32, #tpu.memory_space<vmem_shared>> -> memref<128x128xf32, #tpu.memory_space<vmem_shared>>
      %dma_wait3A_44 = arith.constant 0 : i32
      %dma_wait3A_45 = tpu.memref_slice %arg12[%add3A_11, %dma_wait3A_44] : memref<10240x128xf32, #tpu.memory_space<vmem_shared>> -> memref<128x128xf32, #tpu.memory_space<vmem_shared>>
      tpu.wait_dma2 semaphore(%run_scoped3A : memref<!tpu.dma_semaphore, #tpu.memory_space<semaphore_mem>>) src(%arg10 : memref<128x128xf32, #tpu.memory_space<vmem>>) dst(%dma_wait3A_45 : memref<128x128xf32, #tpu.memory_space<vmem_shared>>)
      tpu.yield
    }) : () -> ()
    %mul3A_12 = arith.constant 640 : i32
    %mul3A_13 = arith.muli %arg1, %mul3A_12 : i32
    %add3A_14 = arith.constant 128 : i32
    %add3A_15 = arith.addi %mul3A_13, %add3A_14 : i32
    "tpu.region"() ({
      %run_scoped3A = tpu.sem_alloc : memref<!tpu.dma_semaphore, #tpu.memory_space<semaphore_mem>>
      %dma_start3A = arith.constant 0 : i32
      %dma_start3A_40 = tpu.memref_slice %arg12[%add3A_15, %dma_start3A] : memref<10240x128xf32, #tpu.memory_space<vmem_shared>> -> memref<128x128xf32, #tpu.memory_space<vmem_shared>>
      %dma_start3A_41 = arith.constant 0 : i32
      %dma_start3A_42 = tpu.memref_slice %arg12[%add3A_15, %dma_start3A_41] : memref<10240x128xf32, #tpu.memory_space<vmem_shared>> -> memref<128x128xf32, #tpu.memory_space<vmem_shared>>
      tpu.enqueue_dma source(%arg10 : memref<128x128xf32, #tpu.memory_space<vmem>>) target(%dma_start3A_42 : memref<128x128xf32, #tpu.memory_space<vmem_shared>>) target_semaphore(%run_scoped3A : memref<!tpu.dma_semaphore, #tpu.memory_space<semaphore_mem>>)
      %dma_wait3A = arith.constant 0 : i32
      %dma_wait3A_43 = tpu.memref_slice %arg12[%add3A_15, %dma_wait3A] : memref<10240x128xf32, #tpu.memory_space<vmem_shared>> -> memref<128x128xf32, #tpu.memory_space<vmem_shared>>
      %dma_wait3A_44 = arith.constant 0 : i32
      %dma_wait3A_45 = tpu.memref_slice %arg12[%add3A_15, %dma_wait3A_44] : memref<10240x128xf32, #tpu.memory_space<vmem_shared>> -> memref<128x128xf32, #tpu.memory_space<vmem_shared>>
      tpu.wait_dma2 semaphore(%run_scoped3A : memref<!tpu.dma_semaphore, #tpu.memory_space<semaphore_mem>>) src(%arg10 : memref<128x128xf32, #tpu.memory_space<vmem>>) dst(%dma_wait3A_45 : memref<128x128xf32, #tpu.memory_space<vmem_shared>>)
      tpu.yield
    }) : () -> ()
    %mul3A_16 = arith.constant 640 : i32
    %mul3A_17 = arith.muli %arg1, %mul3A_16 : i32
    %add3A_18 = arith.constant 256 : i32
    %add3A_19 = arith.addi %mul3A_17, %add3A_18 : i32
    "tpu.region"() ({
      %run_scoped3A = tpu.sem_alloc : memref<!tpu.dma_semaphore, #tpu.memory_space<semaphore_mem>>
      %dma_start3A = arith.constant 0 : i32
      %dma_start3A_40 = tpu.memref_slice %arg12[%add3A_19, %dma_start3A] : memref<10240x128xf32, #tpu.memory_space<vmem_shared>> -> memref<128x128xf32, #tpu.memory_space<vmem_shared>>
      %dma_start3A_41 = arith.constant 0 : i32
      %dma_start3A_42 = tpu.memref_slice %arg12[%add3A_19, %dma_start3A_41] : memref<10240x128xf32, #tpu.memory_space<vmem_shared>> -> memref<128x128xf32, #tpu.memory_space<vmem_shared>>
      tpu.enqueue_dma source(%arg10 : memref<128x128xf32, #tpu.memory_space<vmem>>) target(%dma_start3A_42 : memref<128x128xf32, #tpu.memory_space<vmem_shared>>) target_semaphore(%run_scoped3A : memref<!tpu.dma_semaphore, #tpu.memory_space<semaphore_mem>>)
      %dma_wait3A = arith.constant 0 : i32
      %dma_wait3A_43 = tpu.memref_slice %arg12[%add3A_19, %dma_wait3A] : memref<10240x128xf32, #tpu.memory_space<vmem_shared>> -> memref<128x128xf32, #tpu.memory_space<vmem_shared>>
      %dma_wait3A_44 = arith.constant 0 : i32
      %dma_wait3A_45 = tpu.memref_slice %arg12[%add3A_19, %dma_wait3A_44] : memref<10240x128xf32, #tpu.memory_space<vmem_shared>> -> memref<128x128xf32, #tpu.memory_space<vmem_shared>>
      tpu.wait_dma2 semaphore(%run_scoped3A : memref<!tpu.dma_semaphore, #tpu.memory_space<semaphore_mem>>) src(%arg10 : memref<128x128xf32, #tpu.memory_space<vmem>>) dst(%dma_wait3A_45 : memref<128x128xf32, #tpu.memory_space<vmem_shared>>)
      tpu.yield
    }) : () -> ()
    %mul3A_20 = arith.constant 640 : i32
    %mul3A_21 = arith.muli %arg1, %mul3A_20 : i32
    %add3A_22 = arith.constant 384 : i32
    %add3A_23 = arith.addi %mul3A_21, %add3A_22 : i32
    "tpu.region"() ({
      %run_scoped3A = tpu.sem_alloc : memref<!tpu.dma_semaphore, #tpu.memory_space<semaphore_mem>>
      %dma_start3A = arith.constant 0 : i32
      %dma_start3A_40 = tpu.memref_slice %arg12[%add3A_23, %dma_start3A] : memref<10240x128xf32, #tpu.memory_space<vmem_shared>> -> memref<128x128xf32, #tpu.memory_space<vmem_shared>>
      %dma_start3A_41 = arith.constant 0 : i32
      %dma_start3A_42 = tpu.memref_slice %arg12[%add3A_23, %dma_start3A_41] : memref<10240x128xf32, #tpu.memory_space<vmem_shared>> -> memref<128x128xf32, #tpu.memory_space<vmem_shared>>
      tpu.enqueue_dma source(%arg10 : memref<128x128xf32, #tpu.memory_space<vmem>>) target(%dma_start3A_42 : memref<128x128xf32, #tpu.memory_space<vmem_shared>>) target_semaphore(%run_scoped3A : memref<!tpu.dma_semaphore, #tpu.memory_space<semaphore_mem>>)
      %dma_wait3A = arith.constant 0 : i32
      %dma_wait3A_43 = tpu.memref_slice %arg12[%add3A_23, %dma_wait3A] : memref<10240x128xf32, #tpu.memory_space<vmem_shared>> -> memref<128x128xf32, #tpu.memory_space<vmem_shared>>
      %dma_wait3A_44 = arith.constant 0 : i32
      %dma_wait3A_45 = tpu.memref_slice %arg12[%add3A_23, %dma_wait3A_44] : memref<10240x128xf32, #tpu.memory_space<vmem_shared>> -> memref<128x128xf32, #tpu.memory_space<vmem_shared>>
      tpu.wait_dma2 semaphore(%run_scoped3A : memref<!tpu.dma_semaphore, #tpu.memory_space<semaphore_mem>>) src(%arg10 : memref<128x128xf32, #tpu.memory_space<vmem>>) dst(%dma_wait3A_45 : memref<128x128xf32, #tpu.memory_space<vmem_shared>>)
      tpu.yield
    }) : () -> ()
    %mul3A_24 = arith.constant 640 : i32
    %mul3A_25 = arith.muli %arg1, %mul3A_24 : i32
    %add3A_26 = arith.constant 512 : i32
    %add3A_27 = arith.addi %mul3A_25, %add3A_26 : i32
    "tpu.region"() ({
      %run_scoped3A = tpu.sem_alloc : memref<!tpu.dma_semaphore, #tpu.memory_space<semaphore_mem>>
      %dma_start3A = arith.constant 0 : i32
      %dma_start3A_40 = tpu.memref_slice %arg12[%add3A_27, %dma_start3A] : memref<10240x128xf32, #tpu.memory_space<vmem_shared>> -> memref<128x128xf32, #tpu.memory_space<vmem_shared>>
      %dma_start3A_41 = arith.constant 0 : i32
      %dma_start3A_42 = tpu.memref_slice %arg12[%add3A_27, %dma_start3A_41] : memref<10240x128xf32, #tpu.memory_space<vmem_shared>> -> memref<128x128xf32, #tpu.memory_space<vmem_shared>>
      tpu.enqueue_dma source(%arg10 : memref<128x128xf32, #tpu.memory_space<vmem>>) target(%dma_start3A_42 : memref<128x128xf32, #tpu.memory_space<vmem_shared>>) target_semaphore(%run_scoped3A : memref<!tpu.dma_semaphore, #tpu.memory_space<semaphore_mem>>)
      %dma_wait3A = arith.constant 0 : i32
      %dma_wait3A_43 = tpu.memref_slice %arg12[%add3A_27, %dma_wait3A] : memref<10240x128xf32, #tpu.memory_space<vmem_shared>> -> memref<128x128xf32, #tpu.memory_space<vmem_shared>>
      %dma_wait3A_44 = arith.constant 0 : i32
      %dma_wait3A_45 = tpu.memref_slice %arg12[%add3A_27, %dma_wait3A_44] : memref<10240x128xf32, #tpu.memory_space<vmem_shared>> -> memref<128x128xf32, #tpu.memory_space<vmem_shared>>
      tpu.wait_dma2 semaphore(%run_scoped3A : memref<!tpu.dma_semaphore, #tpu.memory_space<semaphore_mem>>) src(%arg10 : memref<128x128xf32, #tpu.memory_space<vmem>>) dst(%dma_wait3A_45 : memref<128x128xf32, #tpu.memory_space<vmem_shared>>)
      tpu.yield
    }) : () -> ()
    %barrier3A = arith.constant 0 : index
    tpu.barrier barrier_id(%barrier3A)
    %scan3A_28 = arith.constant 0 : i32
    %scan3A_29 = arith.constant 0 : i32
    %scan3A_30 = arith.constant 5 : i32
    %scan3A_31 = arith.addi %scan3A_29, %scan3A_30 : i32
    %scan3A_32 = arith.constant 1 : i32
    %scan3A_33 = scf.for %scan3A_40 = %scan3A_29 to %scan3A_31 step %scan3A_32 iter_args(%scan3A_41 = %scan3A_28) -> (i32)  : i32 {
      %mul3A_42 = arith.constant 16 : i32
      %mul3A_43 = arith.muli %scan3A_40, %mul3A_42 : i32
      "tpu.region"() ({
        %run_scoped3A = tpu.sem_alloc : memref<!tpu.dma_semaphore, #tpu.memory_space<semaphore_mem>>
        %dma_start3A = arith.constant 0 : i32
        %dma_start3A_58 = tpu.memref_slice %arg3[%add3A, %mul3A_43, %dma_start3A] : memref<32x80x128xi32, #tpu.memory_space<hbm>> -> memref<1x16x128xi32, #tpu.memory_space<hbm>>
        %dma_start3A_59 = tpu.memref_squeeze %dma_start3A_58 : memref<1x16x128xi32, #tpu.memory_space<hbm>> -> memref<16x128xi32, #tpu.memory_space<hbm>>
        %dma_start3A_60 = arith.constant 0 : i32
        %dma_start3A_61 = tpu.memref_slice %arg3[%add3A, %mul3A_43, %dma_start3A_60] : memref<32x80x128xi32, #tpu.memory_space<hbm>> -> memref<1x16x128xi32, #tpu.memory_space<hbm>>
        %dma_start3A_62 = tpu.memref_squeeze %dma_start3A_61 : memref<1x16x128xi32, #tpu.memory_space<hbm>> -> memref<16x128xi32, #tpu.memory_space<hbm>>
        tpu.enqueue_dma source(%dma_start3A_62 : memref<16x128xi32, #tpu.memory_space<hbm>>) target(%arg7 : memref<16x128xi32, #tpu.memory_space<vmem>>) target_semaphore(%run_scoped3A : memref<!tpu.dma_semaphore, #tpu.memory_space<semaphore_mem>>)
        %dma_wait3A = arith.constant 0 : i32
        %dma_wait3A_63 = tpu.memref_slice %arg3[%add3A, %mul3A_43, %dma_wait3A] : memref<32x80x128xi32, #tpu.memory_space<hbm>> -> memref<1x16x128xi32, #tpu.memory_space<hbm>>
        %dma_wait3A_64 = tpu.memref_squeeze %dma_wait3A_63 : memref<1x16x128xi32, #tpu.memory_space<hbm>> -> memref<16x128xi32, #tpu.memory_space<hbm>>
        %dma_wait3A_65 = arith.constant 0 : i32
        %dma_wait3A_66 = tpu.memref_slice %arg3[%add3A, %mul3A_43, %dma_wait3A_65] : memref<32x80x128xi32, #tpu.memory_space<hbm>> -> memref<1x16x128xi32, #tpu.memory_space<hbm>>
        %dma_wait3A_67 = tpu.memref_squeeze %dma_wait3A_66 : memref<1x16x128xi32, #tpu.memory_space<hbm>> -> memref<16x128xi32, #tpu.memory_space<hbm>>
        tpu.wait_dma2 semaphore(%run_scoped3A : memref<!tpu.dma_semaphore, #tpu.memory_space<semaphore_mem>>) src(%dma_wait3A_67 : memref<16x128xi32, #tpu.memory_space<hbm>>) dst(%arg7 : memref<16x128xi32, #tpu.memory_space<vmem>>)
        tpu.yield
      }) : () -> ()
      %mul3A_44 = arith.constant 16 : i32
      %mul3A_45 = arith.muli %scan3A_40, %mul3A_44 : i32
      "tpu.region"() ({
        %run_scoped3A = tpu.sem_alloc : memref<!tpu.dma_semaphore, #tpu.memory_space<semaphore_mem>>
        %dma_start3A = arith.constant 0 : i32
        %dma_start3A_58 = tpu.memref_slice %arg4[%add3A, %mul3A_45, %dma_start3A] : memref<32x80x128xi32, #tpu.memory_space<hbm>> -> memref<1x16x128xi32, #tpu.memory_space<hbm>>
        %dma_start3A_59 = tpu.memref_squeeze %dma_start3A_58 : memref<1x16x128xi32, #tpu.memory_space<hbm>> -> memref<16x128xi32, #tpu.memory_space<hbm>>
        %dma_start3A_60 = arith.constant 0 : i32
        %dma_start3A_61 = tpu.memref_slice %arg4[%add3A, %mul3A_45, %dma_start3A_60] : memref<32x80x128xi32, #tpu.memory_space<hbm>> -> memref<1x16x128xi32, #tpu.memory_space<hbm>>
        %dma_start3A_62 = tpu.memref_squeeze %dma_start3A_61 : memref<1x16x128xi32, #tpu.memory_space<hbm>> -> memref<16x128xi32, #tpu.memory_space<hbm>>
        tpu.enqueue_dma source(%dma_start3A_62 : memref<16x128xi32, #tpu.memory_space<hbm>>) target(%arg8 : memref<16x128xi32, #tpu.memory_space<vmem>>) target_semaphore(%run_scoped3A : memref<!tpu.dma_semaphore, #tpu.memory_space<semaphore_mem>>)
        %dma_wait3A = arith.constant 0 : i32
        %dma_wait3A_63 = tpu.memref_slice %arg4[%add3A, %mul3A_45, %dma_wait3A] : memref<32x80x128xi32, #tpu.memory_space<hbm>> -> memref<1x16x128xi32, #tpu.memory_space<hbm>>
        %dma_wait3A_64 = tpu.memref_squeeze %dma_wait3A_63 : memref<1x16x128xi32, #tpu.memory_space<hbm>> -> memref<16x128xi32, #tpu.memory_space<hbm>>
        %dma_wait3A_65 = arith.constant 0 : i32
        %dma_wait3A_66 = tpu.memref_slice %arg4[%add3A, %mul3A_45, %dma_wait3A_65] : memref<32x80x128xi32, #tpu.memory_space<hbm>> -> memref<1x16x128xi32, #tpu.memory_space<hbm>>
        %dma_wait3A_67 = tpu.memref_squeeze %dma_wait3A_66 : memref<1x16x128xi32, #tpu.memory_space<hbm>> -> memref<16x128xi32, #tpu.memory_space<hbm>>
        tpu.wait_dma2 semaphore(%run_scoped3A : memref<!tpu.dma_semaphore, #tpu.memory_space<semaphore_mem>>) src(%dma_wait3A_67 : memref<16x128xi32, #tpu.memory_space<hbm>>) dst(%arg8 : memref<16x128xi32, #tpu.memory_space<vmem>>)
        tpu.yield
      }) : () -> ()
      %mul3A_46 = arith.constant 16 : i32
      %mul3A_47 = arith.muli %scan3A_40, %mul3A_46 : i32
      %mul3A_48 = arith.constant 128 : i32
      %mul3A_49 = arith.muli %mul3A_47, %mul3A_48 : i32
      "tpu.region"() ({
        %run_scoped3A = tpu.sem_alloc : memref<!tpu.dma_semaphore, #tpu.memory_space<semaphore_mem>>
        %dma_start3A = tpu.memref_slice %arg5[%add3A, %mul3A_49] : memref<32x10240xf32, #tpu.memory_space<hbm>> -> memref<1x2048xf32, #tpu.memory_space<hbm>>
        %dma_start3A_58 = tpu.memref_squeeze %dma_start3A : memref<1x2048xf32, #tpu.memory_space<hbm>> -> memref<2048xf32, #tpu.memory_space<hbm>>
        %dma_start3A_59 = tpu.memref_slice %arg5[%add3A, %mul3A_49] : memref<32x10240xf32, #tpu.memory_space<hbm>> -> memref<1x2048xf32, #tpu.memory_space<hbm>>
        %dma_start3A_60 = tpu.memref_squeeze %dma_start3A_59 : memref<1x2048xf32, #tpu.memory_space<hbm>> -> memref<2048xf32, #tpu.memory_space<hbm>>
        tpu.enqueue_dma source(%dma_start3A_60 : memref<2048xf32, #tpu.memory_space<hbm>>) target(%arg9 : memref<2048xf32, #tpu.memory_space<vmem>>) target_semaphore(%run_scoped3A : memref<!tpu.dma_semaphore, #tpu.memory_space<semaphore_mem>>)
        %dma_wait3A = tpu.memref_slice %arg5[%add3A, %mul3A_49] : memref<32x10240xf32, #tpu.memory_space<hbm>> -> memref<1x2048xf32, #tpu.memory_space<hbm>>
        %dma_wait3A_61 = tpu.memref_squeeze %dma_wait3A : memref<1x2048xf32, #tpu.memory_space<hbm>> -> memref<2048xf32, #tpu.memory_space<hbm>>
        %dma_wait3A_62 = tpu.memref_slice %arg5[%add3A, %mul3A_49] : memref<32x10240xf32, #tpu.memory_space<hbm>> -> memref<1x2048xf32, #tpu.memory_space<hbm>>
        %dma_wait3A_63 = tpu.memref_squeeze %dma_wait3A_62 : memref<1x2048xf32, #tpu.memory_space<hbm>> -> memref<2048xf32, #tpu.memory_space<hbm>>
        tpu.wait_dma2 semaphore(%run_scoped3A : memref<!tpu.dma_semaphore, #tpu.memory_space<semaphore_mem>>) src(%dma_wait3A_63 : memref<2048xf32, #tpu.memory_space<hbm>>) dst(%arg9 : memref<2048xf32, #tpu.memory_space<vmem>>)
        tpu.yield
      }) : () -> ()
      %scan3A_50 = arith.constant 0 : i32
      %scan3A_51 = arith.constant 0 : i32
      %scan3A_52 = arith.constant 16 : i32
      %scan3A_53 = arith.addi %scan3A_51, %scan3A_52 : i32
      %scan3A_54 = arith.constant 1 : i32
      %scan3A_55 = scf.for %scan3A_58 = %scan3A_51 to %scan3A_53 step %scan3A_54 iter_args(%scan3A_59 = %scan3A_50) -> (i32)  : i32 {
        "tpu.region"() ({
          %run_scoped3A = tpu.sem_alloc : memref<!tpu.dma_semaphore, #tpu.memory_space<semaphore_mem>>
          %dma_start3A = arith.constant 0 : i32
          %dma_start3A_68 = tpu.memref_slice %arg7[%scan3A_58, %dma_start3A] : memref<16x128xi32, #tpu.memory_space<vmem>> -> memref<1x128xi32, #tpu.memory_space<vmem>>
          %dma_start3A_69 = tpu.memref_squeeze %dma_start3A_68 : memref<1x128xi32, #tpu.memory_space<vmem>> -> memref<128xi32, #tpu.memory_space<vmem>>
          %dma_start3A_70 = arith.constant 0 : i32
          %dma_start3A_71 = arith.constant 0 : i32
          %dma_start3A_72 = tpu.memref_slice %arg2[%dma_start3A_70, %dma_start3A_71] : memref<10240x128xf32, #tpu.memory_space<hbm>> -> memref<10240x128xf32, #tpu.memory_space<hbm>>
          tpu.enqueue_indirect_dma source(%dma_start3A_72 : memref<10240x128xf32, #tpu.memory_space<hbm>>) target(%arg10 : memref<128x128xf32, #tpu.memory_space<vmem>>) offsets(%dma_start3A_69 : memref<128xi32, #tpu.memory_space<vmem>>) semaphore(%run_scoped3A : memref<!tpu.dma_semaphore, #tpu.memory_space<semaphore_mem>>)
          %dma_wait3A = arith.constant 0 : i32
          %dma_wait3A_73 = tpu.memref_slice %arg7[%scan3A_58, %dma_wait3A] : memref<16x128xi32, #tpu.memory_space<vmem>> -> memref<1x128xi32, #tpu.memory_space<vmem>>
          %dma_wait3A_74 = tpu.memref_squeeze %dma_wait3A_73 : memref<1x128xi32, #tpu.memory_space<vmem>> -> memref<128xi32, #tpu.memory_space<vmem>>
          %dma_wait3A_75 = arith.constant 0 : i32
          %dma_wait3A_76 = arith.constant 0 : i32
          %dma_wait3A_77 = tpu.memref_slice %arg2[%dma_wait3A_75, %dma_wait3A_76] : memref<10240x128xf32, #tpu.memory_space<hbm>> -> memref<10240x128xf32, #tpu.memory_space<hbm>>
          tpu.wait_indirect_dma semaphore(%run_scoped3A : memref<!tpu.dma_semaphore, #tpu.memory_space<semaphore_mem>>) src(%dma_wait3A_77 : memref<10240x128xf32, #tpu.memory_space<hbm>>) dst(%arg10 : memref<128x128xf32, #tpu.memory_space<vmem>>)
          tpu.yield
        }) : () -> ()
        %scan3A_60 = arith.constant 0 : i32
        %scan3A_61 = arith.constant 0 : i32
        %scan3A_62 = arith.constant 128 : i32
        %scan3A_63 = arith.addi %scan3A_61, %scan3A_62 : i32
        %scan3A_64 = arith.constant 2 : i32
        %scan3A_65 = scf.for %scan3A_68 = %scan3A_61 to %scan3A_63 step %scan3A_64 iter_args(%scan3A_69 = %scan3A_60) -> (i32)  : i32 {
          %mul3A_70 = arith.constant 128 : i32
          %mul3A_71 = arith.muli %scan3A_58, %mul3A_70 : i32
          %add3A_72 = arith.addi %mul3A_71, %scan3A_68 : i32
          %broadcast_in_dim3A_73 = vector.broadcast %add3A_72 : i32 to vector<16xi32>
          %gather3A = tpu.vector_load_idx %arg9[%broadcast_in_dim3A_73] : memref<2048xf32, #tpu.memory_space<vmem>>[vector<16xi32>], vector<16xf32>,
          %get3A = arith.index_cast %scan3A_68 : i32 to index
          %get3A_74 = arith.constant 0 : index
          %get3A_75 = tpu.vector_load %arg10[%get3A, %get3A_74] {strides = array<i32>} : memref<128x128xf32, #tpu.memory_space<vmem>>, vector<16xf32>,
          %mul3A_76 = arith.mulf %get3A_75, %gather3A : vector<16xf32>
          %swap3A = arith.index_cast %scan3A_68 : i32 to index
          %swap3A_77 = arith.constant 0 : index
          %swap3A_78 = tpu.vector_load %arg11[%swap3A, %swap3A_77] {strides = array<i32>} : memref<128x128xf32, #tpu.memory_space<vmem>>, vector<16xf32>,
          tpu.vector_store %arg11[%swap3A, %swap3A_77], %mul3A_76 {strides = array<i32>} : memref<128x128xf32, #tpu.memory_space<vmem>>, vector<16xf32>,
          %get3A_79 = arith.index_cast %scan3A_68 : i32 to index
          %get3A_80 = arith.constant 16 : index
          %get3A_81 = tpu.vector_load %arg10[%get3A_79, %get3A_80] {strides = array<i32>} : memref<128x128xf32, #tpu.memory_space<vmem>>, vector<16xf32>,
          %mul3A_82 = arith.mulf %get3A_81, %gather3A : vector<16xf32>
          %swap3A_83 = arith.index_cast %scan3A_68 : i32 to index
          %swap3A_84 = arith.constant 16 : index
          %swap3A_85 = tpu.vector_load %arg11[%swap3A_83, %swap3A_84] {strides = array<i32>} : memref<128x128xf32, #tpu.memory_space<vmem>>, vector<16xf32>,
          tpu.vector_store %arg11[%swap3A_83, %swap3A_84], %mul3A_82 {strides = array<i32>} : memref<128x128xf32, #tpu.memory_space<vmem>>, vector<16xf32>,
          %get3A_86 = arith.index_cast %scan3A_68 : i32 to index
          %get3A_87 = arith.constant 32 : index
          %get3A_88 = tpu.vector_load %arg10[%get3A_86, %get3A_87] {strides = array<i32>} : memref<128x128xf32, #tpu.memory_space<vmem>>, vector<16xf32>,
          %mul3A_89 = arith.mulf %get3A_88, %gather3A : vector<16xf32>
          %swap3A_90 = arith.index_cast %scan3A_68 : i32 to index
          %swap3A_91 = arith.constant 32 : index
          %swap3A_92 = tpu.vector_load %arg11[%swap3A_90, %swap3A_91] {strides = array<i32>} : memref<128x128xf32, #tpu.memory_space<vmem>>, vector<16xf32>,
          tpu.vector_store %arg11[%swap3A_90, %swap3A_91], %mul3A_89 {strides = array<i32>} : memref<128x128xf32, #tpu.memory_space<vmem>>, vector<16xf32>,
          %get3A_93 = arith.index_cast %scan3A_68 : i32 to index
          %get3A_94 = arith.constant 48 : index
          %get3A_95 = tpu.vector_load %arg10[%get3A_93, %get3A_94] {strides = array<i32>} : memref<128x128xf32, #tpu.memory_space<vmem>>, vector<16xf32>,
          %mul3A_96 = arith.mulf %get3A_95, %gather3A : vector<16xf32>
          %swap3A_97 = arith.index_cast %scan3A_68 : i32 to index
          %swap3A_98 = arith.constant 48 : index
          %swap3A_99 = tpu.vector_load %arg11[%swap3A_97, %swap3A_98] {strides = array<i32>} : memref<128x128xf32, #tpu.memory_space<vmem>>, vector<16xf32>,
          tpu.vector_store %arg11[%swap3A_97, %swap3A_98], %mul3A_96 {strides = array<i32>} : memref<128x128xf32, #tpu.memory_space<vmem>>, vector<16xf32>,
          %get3A_100 = arith.index_cast %scan3A_68 : i32 to index
          %get3A_101 = arith.constant 64 : index
          %get3A_102 = tpu.vector_load %arg10[%get3A_100, %get3A_101] {strides = array<i32>} : memref<128x128xf32, #tpu.memory_space<vmem>>, vector<16xf32>,
          %mul3A_103 = arith.mulf %get3A_102, %gather3A : vector<16xf32>
          %swap3A_104 = arith.index_cast %scan3A_68 : i32 to index
          %swap3A_105 = arith.constant 64 : index
          %swap3A_106 = tpu.vector_load %arg11[%swap3A_104, %swap3A_105] {strides = array<i32>} : memref<128x128xf32, #tpu.memory_space<vmem>>, vector<16xf32>,
          tpu.vector_store %arg11[%swap3A_104, %swap3A_105], %mul3A_103 {strides = array<i32>} : memref<128x128xf32, #tpu.memory_space<vmem>>, vector<16xf32>,
          %get3A_107 = arith.index_cast %scan3A_68 : i32 to index
          %get3A_108 = arith.constant 80 : index
          %get3A_109 = tpu.vector_load %arg10[%get3A_107, %get3A_108] {strides = array<i32>} : memref<128x128xf32, #tpu.memory_space<vmem>>, vector<16xf32>,
          %mul3A_110 = arith.mulf %get3A_109, %gather3A : vector<16xf32>
          %swap3A_111 = arith.index_cast %scan3A_68 : i32 to index
          %swap3A_112 = arith.constant 80 : index
          %swap3A_113 = tpu.vector_load %arg11[%swap3A_111, %swap3A_112] {strides = array<i32>} : memref<128x128xf32, #tpu.memory_space<vmem>>, vector<16xf32>,
          tpu.vector_store %arg11[%swap3A_111, %swap3A_112], %mul3A_110 {strides = array<i32>} : memref<128x128xf32, #tpu.memory_space<vmem>>, vector<16xf32>,
          %get3A_114 = arith.index_cast %scan3A_68 : i32 to index
          %get3A_115 = arith.constant 96 : index
          %get3A_116 = tpu.vector_load %arg10[%get3A_114, %get3A_115] {strides = array<i32>} : memref<128x128xf32, #tpu.memory_space<vmem>>, vector<16xf32>,
          %mul3A_117 = arith.mulf %get3A_116, %gather3A : vector<16xf32>
          %swap3A_118 = arith.index_cast %scan3A_68 : i32 to index
          %swap3A_119 = arith.constant 96 : index
          %swap3A_120 = tpu.vector_load %arg11[%swap3A_118, %swap3A_119] {strides = array<i32>} : memref<128x128xf32, #tpu.memory_space<vmem>>, vector<16xf32>,
          tpu.vector_store %arg11[%swap3A_118, %swap3A_119], %mul3A_117 {strides = array<i32>} : memref<128x128xf32, #tpu.memory_space<vmem>>, vector<16xf32>,
          %get3A_121 = arith.index_cast %scan3A_68 : i32 to index
          %get3A_122 = arith.constant 112 : index
          %get3A_123 = tpu.vector_load %arg10[%get3A_121, %get3A_122] {strides = array<i32>} : memref<128x128xf32, #tpu.memory_space<vmem>>, vector<16xf32>,
          %mul3A_124 = arith.mulf %get3A_123, %gather3A : vector<16xf32>
          %swap3A_125 = arith.index_cast %scan3A_68 : i32 to index
          %swap3A_126 = arith.constant 112 : index
          %swap3A_127 = tpu.vector_load %arg11[%swap3A_125, %swap3A_126] {strides = array<i32>} : memref<128x128xf32, #tpu.memory_space<vmem>>, vector<16xf32>,
          tpu.vector_store %arg11[%swap3A_125, %swap3A_126], %mul3A_124 {strides = array<i32>} : memref<128x128xf32, #tpu.memory_space<vmem>>, vector<16xf32>,
          %scan3A_128 = arith.constant 0 : i32
          %scan3A_129 = arith.constant 1 : i32
          %scan3A_130 = arith.addi %scan3A_68, %scan3A_129 : i32
          %mul3A_131 = arith.constant 128 : i32
          %mul3A_132 = arith.muli %scan3A_58, %mul3A_131 : i32
          %add3A_133 = arith.addi %mul3A_132, %scan3A_130 : i32
          %broadcast_in_dim3A_134 = vector.broadcast %add3A_133 : i32 to vector<16xi32>
          %gather3A_135 = tpu.vector_load_idx %arg9[%broadcast_in_dim3A_134] : memref<2048xf32, #tpu.memory_space<vmem>>[vector<16xi32>], vector<16xf32>,
          %get3A_136 = arith.index_cast %scan3A_130 : i32 to index
          %get3A_137 = arith.constant 0 : index
          %get3A_138 = tpu.vector_load %arg10[%get3A_136, %get3A_137] {strides = array<i32>} : memref<128x128xf32, #tpu.memory_space<vmem>>, vector<16xf32>,
          %mul3A_139 = arith.mulf %get3A_138, %gather3A_135 : vector<16xf32>
          %swap3A_140 = arith.index_cast %scan3A_130 : i32 to index
          %swap3A_141 = arith.constant 0 : index
          %swap3A_142 = tpu.vector_load %arg11[%swap3A_140, %swap3A_141] {strides = array<i32>} : memref<128x128xf32, #tpu.memory_space<vmem>>, vector<16xf32>,
          tpu.vector_store %arg11[%swap3A_140, %swap3A_141], %mul3A_139 {strides = array<i32>} : memref<128x128xf32, #tpu.memory_space<vmem>>, vector<16xf32>,
          %get3A_143 = arith.index_cast %scan3A_130 : i32 to index
          %get3A_144 = arith.constant 16 : index
          %get3A_145 = tpu.vector_load %arg10[%get3A_143, %get3A_144] {strides = array<i32>} : memref<128x128xf32, #tpu.memory_space<vmem>>, vector<16xf32>,
          %mul3A_146 = arith.mulf %get3A_145, %gather3A_135 : vector<16xf32>
          %swap3A_147 = arith.index_cast %scan3A_130 : i32 to index
          %swap3A_148 = arith.constant 16 : index
          %swap3A_149 = tpu.vector_load %arg11[%swap3A_147, %swap3A_148] {strides = array<i32>} : memref<128x128xf32, #tpu.memory_space<vmem>>, vector<16xf32>,
          tpu.vector_store %arg11[%swap3A_147, %swap3A_148], %mul3A_146 {strides = array<i32>} : memref<128x128xf32, #tpu.memory_space<vmem>>, vector<16xf32>,
          %get3A_150 = arith.index_cast %scan3A_130 : i32 to index
          %get3A_151 = arith.constant 32 : index
          %get3A_152 = tpu.vector_load %arg10[%get3A_150, %get3A_151] {strides = array<i32>} : memref<128x128xf32, #tpu.memory_space<vmem>>, vector<16xf32>,
          %mul3A_153 = arith.mulf %get3A_152, %gather3A_135 : vector<16xf32>
          %swap3A_154 = arith.index_cast %scan3A_130 : i32 to index
          %swap3A_155 = arith.constant 32 : index
          %swap3A_156 = tpu.vector_load %arg11[%swap3A_154, %swap3A_155] {strides = array<i32>} : memref<128x128xf32, #tpu.memory_space<vmem>>, vector<16xf32>,
          tpu.vector_store %arg11[%swap3A_154, %swap3A_155], %mul3A_153 {strides = array<i32>} : memref<128x128xf32, #tpu.memory_space<vmem>>, vector<16xf32>,
          %get3A_157 = arith.index_cast %scan3A_130 : i32 to index
          %get3A_158 = arith.constant 48 : index
          %get3A_159 = tpu.vector_load %arg10[%get3A_157, %get3A_158] {strides = array<i32>} : memref<128x128xf32, #tpu.memory_space<vmem>>, vector<16xf32>,
          %mul3A_160 = arith.mulf %get3A_159, %gather3A_135 : vector<16xf32>
          %swap3A_161 = arith.index_cast %scan3A_130 : i32 to index
          %swap3A_162 = arith.constant 48 : index
          %swap3A_163 = tpu.vector_load %arg11[%swap3A_161, %swap3A_162] {strides = array<i32>} : memref<128x128xf32, #tpu.memory_space<vmem>>, vector<16xf32>,
          tpu.vector_store %arg11[%swap3A_161, %swap3A_162], %mul3A_160 {strides = array<i32>} : memref<128x128xf32, #tpu.memory_space<vmem>>, vector<16xf32>,
          %get3A_164 = arith.index_cast %scan3A_130 : i32 to index
          %get3A_165 = arith.constant 64 : index
          %get3A_166 = tpu.vector_load %arg10[%get3A_164, %get3A_165] {strides = array<i32>} : memref<128x128xf32, #tpu.memory_space<vmem>>, vector<16xf32>,
          %mul3A_167 = arith.mulf %get3A_166, %gather3A_135 : vector<16xf32>
          %swap3A_168 = arith.index_cast %scan3A_130 : i32 to index
          %swap3A_169 = arith.constant 64 : index
          %swap3A_170 = tpu.vector_load %arg11[%swap3A_168, %swap3A_169] {strides = array<i32>} : memref<128x128xf32, #tpu.memory_space<vmem>>, vector<16xf32>,
          tpu.vector_store %arg11[%swap3A_168, %swap3A_169], %mul3A_167 {strides = array<i32>} : memref<128x128xf32, #tpu.memory_space<vmem>>, vector<16xf32>,
          %get3A_171 = arith.index_cast %scan3A_130 : i32 to index
          %get3A_172 = arith.constant 80 : index
          %get3A_173 = tpu.vector_load %arg10[%get3A_171, %get3A_172] {strides = array<i32>} : memref<128x128xf32, #tpu.memory_space<vmem>>, vector<16xf32>,
          %mul3A_174 = arith.mulf %get3A_173, %gather3A_135 : vector<16xf32>
          %swap3A_175 = arith.index_cast %scan3A_130 : i32 to index
          %swap3A_176 = arith.constant 80 : index
          %swap3A_177 = tpu.vector_load %arg11[%swap3A_175, %swap3A_176] {strides = array<i32>} : memref<128x128xf32, #tpu.memory_space<vmem>>, vector<16xf32>,
          tpu.vector_store %arg11[%swap3A_175, %swap3A_176], %mul3A_174 {strides = array<i32>} : memref<128x128xf32, #tpu.memory_space<vmem>>, vector<16xf32>,
          %get3A_178 = arith.index_cast %scan3A_130 : i32 to index
          %get3A_179 = arith.constant 96 : index
          %get3A_180 = tpu.vector_load %arg10[%get3A_178, %get3A_179] {strides = array<i32>} : memref<128x128xf32, #tpu.memory_space<vmem>>, vector<16xf32>,
          %mul3A_181 = arith.mulf %get3A_180, %gather3A_135 : vector<16xf32>
          %swap3A_182 = arith.index_cast %scan3A_130 : i32 to index
          %swap3A_183 = arith.constant 96 : index
          %swap3A_184 = tpu.vector_load %arg11[%swap3A_182, %swap3A_183] {strides = array<i32>} : memref<128x128xf32, #tpu.memory_space<vmem>>, vector<16xf32>,
          tpu.vector_store %arg11[%swap3A_182, %swap3A_183], %mul3A_181 {strides = array<i32>} : memref<128x128xf32, #tpu.memory_space<vmem>>, vector<16xf32>,
          %get3A_185 = arith.index_cast %scan3A_130 : i32 to index
          %get3A_186 = arith.constant 112 : index
          %get3A_187 = tpu.vector_load %arg10[%get3A_185, %get3A_186] {strides = array<i32>} : memref<128x128xf32, #tpu.memory_space<vmem>>, vector<16xf32>,
          %mul3A_188 = arith.mulf %get3A_187, %gather3A_135 : vector<16xf32>
          %swap3A_189 = arith.index_cast %scan3A_130 : i32 to index
          %swap3A_190 = arith.constant 112 : index
          %swap3A_191 = tpu.vector_load %arg11[%swap3A_189, %swap3A_190] {strides = array<i32>} : memref<128x128xf32, #tpu.memory_space<vmem>>, vector<16xf32>,
          tpu.vector_store %arg11[%swap3A_189, %swap3A_190], %mul3A_188 {strides = array<i32>} : memref<128x128xf32, #tpu.memory_space<vmem>>, vector<16xf32>,
          %scan3A_192 = arith.constant 0 : i32
          scf.yield %scan3A_192 : i32
        }
        %scan3A_66 = arith.constant 128 : i32
        "tpu.region"() ({
          %run_scoped3A = tpu.sem_alloc : memref<!tpu.dma_semaphore, #tpu.memory_space<semaphore_mem>>
          %dma_start3A = arith.constant 0 : i32
          %dma_start3A_68 = tpu.memref_slice %arg8[%scan3A_58, %dma_start3A] : memref<16x128xi32, #tpu.memory_space<vmem>> -> memref<1x128xi32, #tpu.memory_space<vmem>>
          %dma_start3A_69 = tpu.memref_squeeze %dma_start3A_68 : memref<1x128xi32, #tpu.memory_space<vmem>> -> memref<128xi32, #tpu.memory_space<vmem>>
          %dma_start3A_70 = arith.constant 0 : i32
          %dma_start3A_71 = arith.constant 0 : i32
          %dma_start3A_72 = tpu.memref_slice %arg12[%dma_start3A_70, %dma_start3A_71] : memref<10240x128xf32, #tpu.memory_space<vmem_shared>> -> memref<10240x128xf32, #tpu.memory_space<vmem_shared>>
          tpu.enqueue_indirect_dma source(%arg11 : memref<128x128xf32, #tpu.memory_space<vmem>>) target(%dma_start3A_72 : memref<10240x128xf32, #tpu.memory_space<vmem_shared>>) offsets(%dma_start3A_69 : memref<128xi32, #tpu.memory_space<vmem>>) semaphore(%run_scoped3A : memref<!tpu.dma_semaphore, #tpu.memory_space<semaphore_mem>>) {add = true}
          %dma_wait3A = arith.constant 0 : i32
          %dma_wait3A_73 = tpu.memref_slice %arg8[%scan3A_58, %dma_wait3A] : memref<16x128xi32, #tpu.memory_space<vmem>> -> memref<1x128xi32, #tpu.memory_space<vmem>>
          %dma_wait3A_74 = tpu.memref_squeeze %dma_wait3A_73 : memref<1x128xi32, #tpu.memory_space<vmem>> -> memref<128xi32, #tpu.memory_space<vmem>>
          %dma_wait3A_75 = arith.constant 0 : i32
          %dma_wait3A_76 = arith.constant 0 : i32
          %dma_wait3A_77 = tpu.memref_slice %arg12[%dma_wait3A_75, %dma_wait3A_76] : memref<10240x128xf32, #tpu.memory_space<vmem_shared>> -> memref<10240x128xf32, #tpu.memory_space<vmem_shared>>
          tpu.wait_indirect_dma semaphore(%run_scoped3A : memref<!tpu.dma_semaphore, #tpu.memory_space<semaphore_mem>>) src(%arg11 : memref<128x128xf32, #tpu.memory_space<vmem>>) dst(%dma_wait3A_77 : memref<10240x128xf32, #tpu.memory_space<vmem_shared>>)
          tpu.yield
        }) : () -> ()
        %scan3A_67 = arith.constant 0 : i32
        scf.yield %scan3A_67 : i32
      }
      %scan3A_56 = arith.constant 16 : i32
      %scan3A_57 = arith.constant 0 : i32
      scf.yield %scan3A_57 : i32
    }
    %scan3A_34 = arith.constant 5 : i32
    %barrier3A_35 = arith.constant 0 : index
    tpu.barrier barrier_id(%barrier3A_35)
    %mul3A_36 = arith.constant 640 : i32
    %mul3A_37 = arith.muli %arg1, %mul3A_36 : i32
    %mul3A_38 = arith.constant 640 : i32
    %mul3A_39 = arith.muli %arg1, %mul3A_38 : i32
    "tpu.region"() ({
      %run_scoped3A = tpu.sem_alloc : memref<!tpu.dma_semaphore, #tpu.memory_space<semaphore_mem>>
      %dma_start3A = arith.constant 0 : i32
      %dma_start3A_40 = tpu.memref_slice %arg6[%arg0, %mul3A_39, %dma_start3A] : memref<2x10240x128xf32, #tpu.memory_space<hbm>> -> memref<1x640x128xf32, #tpu.memory_space<hbm>>
      %dma_start3A_41 = tpu.memref_squeeze %dma_start3A_40 : memref<1x640x128xf32, #tpu.memory_space<hbm>> -> memref<640x128xf32, #tpu.memory_space<hbm>>
      %dma_start3A_42 = arith.constant 0 : i32
      %dma_start3A_43 = tpu.memref_slice %arg12[%mul3A_37, %dma_start3A_42] : memref<10240x128xf32, #tpu.memory_space<vmem_shared>> -> memref<640x128xf32, #tpu.memory_space<vmem_shared>>
      tpu.enqueue_dma source(%dma_start3A_43 : memref<640x128xf32, #tpu.memory_space<vmem_shared>>) target(%dma_start3A_41 : memref<640x128xf32, #tpu.memory_space<hbm>>) target_semaphore(%run_scoped3A : memref<!tpu.dma_semaphore, #tpu.memory_space<semaphore_mem>>)
      %dma_wait3A = arith.constant 0 : i32
      %dma_wait3A_44 = tpu.memref_slice %arg6[%arg0, %mul3A_39, %dma_wait3A] : memref<2x10240x128xf32, #tpu.memory_space<hbm>> -> memref<1x640x128xf32, #tpu.memory_space<hbm>>
      %dma_wait3A_45 = tpu.memref_squeeze %dma_wait3A_44 : memref<1x640x128xf32, #tpu.memory_space<hbm>> -> memref<640x128xf32, #tpu.memory_space<hbm>>
      %dma_wait3A_46 = arith.constant 0 : i32
      %dma_wait3A_47 = tpu.memref_slice %arg12[%mul3A_37, %dma_wait3A_46] : memref<10240x128xf32, #tpu.memory_space<vmem_shared>> -> memref<640x128xf32, #tpu.memory_space<vmem_shared>>
      tpu.wait_dma2 semaphore(%run_scoped3A : memref<!tpu.dma_semaphore, #tpu.memory_space<semaphore_mem>>) src(%dma_wait3A_47 : memref<640x128xf32, #tpu.memory_space<vmem_shared>>) dst(%dma_wait3A_45 : memref<640x128xf32, #tpu.memory_space<hbm>>)
      tpu.yield
    }) : () -> ()
    return
  }
}

#map = affine_map<(d0, d1) -> (0, 0)>
#map1 = affine_map<(d0, d1) -> (0, 0, 0)>
module attributes {stable_mosaic.version = 14 : i64} {
  func.func @_sc_layer_body(%arg0: i32, %arg1: i32, %arg2: memref<10240x128xf32, #tpu.memory_space<hbm>>, %arg3: memref<32x80x128xi32, #tpu.memory_space<hbm>>, %arg4: memref<32x80x128xi32, #tpu.memory_space<hbm>>, %arg5: memref<32x10240xf32, #tpu.memory_space<hbm>>, %arg6: memref<2x10240x128xf32, #tpu.memory_space<hbm>>, %arg7: memref<16x128xi32, #tpu.memory_space<vmem>>, %arg8: memref<16x128xi32, #tpu.memory_space<vmem>>, %arg9: memref<2048xf32, #tpu.memory_space<vmem>>, %arg10: memref<128x128xf32, #tpu.memory_space<vmem>>, %arg11: memref<128x128xf32, #tpu.memory_space<vmem>>, %arg12: memref<10240x128xf32, #tpu.memory_space<vmem_shared>>) attributes {dimension_semantics = [#tpu.dimension_semantics<core_parallel>, #tpu.dimension_semantics<subcore_parallel>], iteration_bounds = array<i64: 2, 16>, scalar_prefetch = 0 : i64, scratch_operands = 6 : i64, tpu.core_type = #tpu.core_type<sc_vector_subcore>, window_params = [{transform_indices = #map}, {transform_indices = #map1}, {transform_indices = #map1}, {transform_indices = #map}, {transform_indices = #map1}]} {
    %mul3A = arith.constant 2 : i32
    %mul3A_0 = arith.muli %arg1, %mul3A : i32
    %add3A = arith.addi %mul3A_0, %arg0 : i32
    %broadcast_in_dim3A = arith.constant 0.000000e+00 : f32
    %broadcast_in_dim3A_1 = vector.broadcast %broadcast_in_dim3A : f32 to vector<16xf32>
    %scan3A = arith.constant 0 : i32
    %scan3A_2 = arith.constant 0 : i32
    %scan3A_3 = arith.constant 128 : i32
    %scan3A_4 = arith.addi %scan3A_2, %scan3A_3 : i32
    %scan3A_5 = arith.constant 1 : i32
    %scan3A_6 = scf.for %scan3A_40 = %scan3A_2 to %scan3A_4 step %scan3A_5 iter_args(%scan3A_41 = %scan3A) -> (i32)  : i32 {
      %swap3A = arith.index_cast %scan3A_40 : i32 to index
      %swap3A_42 = arith.constant 0 : index
      %swap3A_43 = tpu.vector_load %arg10[%swap3A, %swap3A_42] {strides = array<i32>} : memref<128x128xf32, #tpu.memory_space<vmem>>, vector<16xf32>,
      tpu.vector_store %arg10[%swap3A, %swap3A_42], %broadcast_in_dim3A_1 {strides = array<i32>} : memref<128x128xf32, #tpu.memory_space<vmem>>, vector<16xf32>,
      %swap3A_44 = arith.index_cast %scan3A_40 : i32 to index
      %swap3A_45 = arith.constant 16 : index
      %swap3A_46 = tpu.vector_load %arg10[%swap3A_44, %swap3A_45] {strides = array<i32>} : memref<128x128xf32, #tpu.memory_space<vmem>>, vector<16xf32>,
      tpu.vector_store %arg10[%swap3A_44, %swap3A_45], %broadcast_in_dim3A_1 {strides = array<i32>} : memref<128x128xf32, #tpu.memory_space<vmem>>, vector<16xf32>,
      %swap3A_47 = arith.index_cast %scan3A_40 : i32 to index
      %swap3A_48 = arith.constant 32 : index
      %swap3A_49 = tpu.vector_load %arg10[%swap3A_47, %swap3A_48] {strides = array<i32>} : memref<128x128xf32, #tpu.memory_space<vmem>>, vector<16xf32>,
      tpu.vector_store %arg10[%swap3A_47, %swap3A_48], %broadcast_in_dim3A_1 {strides = array<i32>} : memref<128x128xf32, #tpu.memory_space<vmem>>, vector<16xf32>,
      %swap3A_50 = arith.index_cast %scan3A_40 : i32 to index
      %swap3A_51 = arith.constant 48 : index
      %swap3A_52 = tpu.vector_load %arg10[%swap3A_50, %swap3A_51] {strides = array<i32>} : memref<128x128xf32, #tpu.memory_space<vmem>>, vector<16xf32>,
      tpu.vector_store %arg10[%swap3A_50, %swap3A_51], %broadcast_in_dim3A_1 {strides = array<i32>} : memref<128x128xf32, #tpu.memory_space<vmem>>, vector<16xf32>,
      %swap3A_53 = arith.index_cast %scan3A_40 : i32 to index
      %swap3A_54 = arith.constant 64 : index
      %swap3A_55 = tpu.vector_load %arg10[%swap3A_53, %swap3A_54] {strides = array<i32>} : memref<128x128xf32, #tpu.memory_space<vmem>>, vector<16xf32>,
      tpu.vector_store %arg10[%swap3A_53, %swap3A_54], %broadcast_in_dim3A_1 {strides = array<i32>} : memref<128x128xf32, #tpu.memory_space<vmem>>, vector<16xf32>,
      %swap3A_56 = arith.index_cast %scan3A_40 : i32 to index
      %swap3A_57 = arith.constant 80 : index
      %swap3A_58 = tpu.vector_load %arg10[%swap3A_56, %swap3A_57] {strides = array<i32>} : memref<128x128xf32, #tpu.memory_space<vmem>>, vector<16xf32>,
      tpu.vector_store %arg10[%swap3A_56, %swap3A_57], %broadcast_in_dim3A_1 {strides = array<i32>} : memref<128x128xf32, #tpu.memory_space<vmem>>, vector<16xf32>,
      %swap3A_59 = arith.index_cast %scan3A_40 : i32 to index
      %swap3A_60 = arith.constant 96 : index
      %swap3A_61 = tpu.vector_load %arg10[%swap3A_59, %swap3A_60] {strides = array<i32>} : memref<128x128xf32, #tpu.memory_space<vmem>>, vector<16xf32>,
      tpu.vector_store %arg10[%swap3A_59, %swap3A_60], %broadcast_in_dim3A_1 {strides = array<i32>} : memref<128x128xf32, #tpu.memory_space<vmem>>, vector<16xf32>,
      %swap3A_62 = arith.index_cast %scan3A_40 : i32 to index
      %swap3A_63 = arith.constant 112 : index
      %swap3A_64 = tpu.vector_load %arg10[%swap3A_62, %swap3A_63] {strides = array<i32>} : memref<128x128xf32, #tpu.memory_space<vmem>>, vector<16xf32>,
      tpu.vector_store %arg10[%swap3A_62, %swap3A_63], %broadcast_in_dim3A_1 {strides = array<i32>} : memref<128x128xf32, #tpu.memory_space<vmem>>, vector<16xf32>,
      %scan3A_65 = arith.constant 0 : i32
      scf.yield %scan3A_65 : i32
    }
    %scan3A_7 = arith.constant 128 : i32
    %mul3A_8 = arith.constant 640 : i32
    %mul3A_9 = arith.muli %arg1, %mul3A_8 : i32
    %add3A_10 = arith.constant 0 : i32
    %add3A_11 = arith.addi %mul3A_9, %add3A_10 : i32
    "tpu.region"() ({
      %run_scoped3A = tpu.sem_alloc : memref<!tpu.dma_semaphore, #tpu.memory_space<semaphore_mem>>
      %dma_start3A = arith.constant 0 : i32
      %dma_start3A_40 = tpu.memref_slice %arg12[%add3A_11, %dma_start3A] : memref<10240x128xf32, #tpu.memory_space<vmem_shared>> -> memref<128x128xf32, #tpu.memory_space<vmem_shared>>
      %dma_start3A_41 = arith.constant 0 : i32
      %dma_start3A_42 = tpu.memref_slice %arg12[%add3A_11, %dma_start3A_41] : memref<10240x128xf32, #tpu.memory_space<vmem_shared>> -> memref<128x128xf32, #tpu.memory_space<vmem_shared>>
      tpu.enqueue_dma source(%arg10 : memref<128x128xf32, #tpu.memory_space<vmem>>) target(%dma_start3A_42 : memref<128x128xf32, #tpu.memory_space<vmem_shared>>) target_semaphore(%run_scoped3A : memref<!tpu.dma_semaphore, #tpu.memory_space<semaphore_mem>>)
      %dma_wait3A = arith.constant 0 : i32
      %dma_wait3A_43 = tpu.memref_slice %arg12[%add3A_11, %dma_wait3A] : memref<10240x128xf32, #tpu.memory_space<vmem_shared>> -> memref<128x128xf32, #tpu.memory_space<vmem_shared>>
      %dma_wait3A_44 = arith.constant 0 : i32
      %dma_wait3A_45 = tpu.memref_slice %arg12[%add3A_11, %dma_wait3A_44] : memref<10240x128xf32, #tpu.memory_space<vmem_shared>> -> memref<128x128xf32, #tpu.memory_space<vmem_shared>>
      tpu.wait_dma2 semaphore(%run_scoped3A : memref<!tpu.dma_semaphore, #tpu.memory_space<semaphore_mem>>) src(%arg10 : memref<128x128xf32, #tpu.memory_space<vmem>>) dst(%dma_wait3A_45 : memref<128x128xf32, #tpu.memory_space<vmem_shared>>)
      tpu.yield
    }) : () -> ()
    %mul3A_12 = arith.constant 640 : i32
    %mul3A_13 = arith.muli %arg1, %mul3A_12 : i32
    %add3A_14 = arith.constant 128 : i32
    %add3A_15 = arith.addi %mul3A_13, %add3A_14 : i32
    "tpu.region"() ({
      %run_scoped3A = tpu.sem_alloc : memref<!tpu.dma_semaphore, #tpu.memory_space<semaphore_mem>>
      %dma_start3A = arith.constant 0 : i32
      %dma_start3A_40 = tpu.memref_slice %arg12[%add3A_15, %dma_start3A] : memref<10240x128xf32, #tpu.memory_space<vmem_shared>> -> memref<128x128xf32, #tpu.memory_space<vmem_shared>>
      %dma_start3A_41 = arith.constant 0 : i32
      %dma_start3A_42 = tpu.memref_slice %arg12[%add3A_15, %dma_start3A_41] : memref<10240x128xf32, #tpu.memory_space<vmem_shared>> -> memref<128x128xf32, #tpu.memory_space<vmem_shared>>
      tpu.enqueue_dma source(%arg10 : memref<128x128xf32, #tpu.memory_space<vmem>>) target(%dma_start3A_42 : memref<128x128xf32, #tpu.memory_space<vmem_shared>>) target_semaphore(%run_scoped3A : memref<!tpu.dma_semaphore, #tpu.memory_space<semaphore_mem>>)
      %dma_wait3A = arith.constant 0 : i32
      %dma_wait3A_43 = tpu.memref_slice %arg12[%add3A_15, %dma_wait3A] : memref<10240x128xf32, #tpu.memory_space<vmem_shared>> -> memref<128x128xf32, #tpu.memory_space<vmem_shared>>
      %dma_wait3A_44 = arith.constant 0 : i32
      %dma_wait3A_45 = tpu.memref_slice %arg12[%add3A_15, %dma_wait3A_44] : memref<10240x128xf32, #tpu.memory_space<vmem_shared>> -> memref<128x128xf32, #tpu.memory_space<vmem_shared>>
      tpu.wait_dma2 semaphore(%run_scoped3A : memref<!tpu.dma_semaphore, #tpu.memory_space<semaphore_mem>>) src(%arg10 : memref<128x128xf32, #tpu.memory_space<vmem>>) dst(%dma_wait3A_45 : memref<128x128xf32, #tpu.memory_space<vmem_shared>>)
      tpu.yield
    }) : () -> ()
    %mul3A_16 = arith.constant 640 : i32
    %mul3A_17 = arith.muli %arg1, %mul3A_16 : i32
    %add3A_18 = arith.constant 256 : i32
    %add3A_19 = arith.addi %mul3A_17, %add3A_18 : i32
    "tpu.region"() ({
      %run_scoped3A = tpu.sem_alloc : memref<!tpu.dma_semaphore, #tpu.memory_space<semaphore_mem>>
      %dma_start3A = arith.constant 0 : i32
      %dma_start3A_40 = tpu.memref_slice %arg12[%add3A_19, %dma_start3A] : memref<10240x128xf32, #tpu.memory_space<vmem_shared>> -> memref<128x128xf32, #tpu.memory_space<vmem_shared>>
      %dma_start3A_41 = arith.constant 0 : i32
      %dma_start3A_42 = tpu.memref_slice %arg12[%add3A_19, %dma_start3A_41] : memref<10240x128xf32, #tpu.memory_space<vmem_shared>> -> memref<128x128xf32, #tpu.memory_space<vmem_shared>>
      tpu.enqueue_dma source(%arg10 : memref<128x128xf32, #tpu.memory_space<vmem>>) target(%dma_start3A_42 : memref<128x128xf32, #tpu.memory_space<vmem_shared>>) target_semaphore(%run_scoped3A : memref<!tpu.dma_semaphore, #tpu.memory_space<semaphore_mem>>)
      %dma_wait3A = arith.constant 0 : i32
      %dma_wait3A_43 = tpu.memref_slice %arg12[%add3A_19, %dma_wait3A] : memref<10240x128xf32, #tpu.memory_space<vmem_shared>> -> memref<128x128xf32, #tpu.memory_space<vmem_shared>>
      %dma_wait3A_44 = arith.constant 0 : i32
      %dma_wait3A_45 = tpu.memref_slice %arg12[%add3A_19, %dma_wait3A_44] : memref<10240x128xf32, #tpu.memory_space<vmem_shared>> -> memref<128x128xf32, #tpu.memory_space<vmem_shared>>
      tpu.wait_dma2 semaphore(%run_scoped3A : memref<!tpu.dma_semaphore, #tpu.memory_space<semaphore_mem>>) src(%arg10 : memref<128x128xf32, #tpu.memory_space<vmem>>) dst(%dma_wait3A_45 : memref<128x128xf32, #tpu.memory_space<vmem_shared>>)
      tpu.yield
    }) : () -> ()
    %mul3A_20 = arith.constant 640 : i32
    %mul3A_21 = arith.muli %arg1, %mul3A_20 : i32
    %add3A_22 = arith.constant 384 : i32
    %add3A_23 = arith.addi %mul3A_21, %add3A_22 : i32
    "tpu.region"() ({
      %run_scoped3A = tpu.sem_alloc : memref<!tpu.dma_semaphore, #tpu.memory_space<semaphore_mem>>
      %dma_start3A = arith.constant 0 : i32
      %dma_start3A_40 = tpu.memref_slice %arg12[%add3A_23, %dma_start3A] : memref<10240x128xf32, #tpu.memory_space<vmem_shared>> -> memref<128x128xf32, #tpu.memory_space<vmem_shared>>
      %dma_start3A_41 = arith.constant 0 : i32
      %dma_start3A_42 = tpu.memref_slice %arg12[%add3A_23, %dma_start3A_41] : memref<10240x128xf32, #tpu.memory_space<vmem_shared>> -> memref<128x128xf32, #tpu.memory_space<vmem_shared>>
      tpu.enqueue_dma source(%arg10 : memref<128x128xf32, #tpu.memory_space<vmem>>) target(%dma_start3A_42 : memref<128x128xf32, #tpu.memory_space<vmem_shared>>) target_semaphore(%run_scoped3A : memref<!tpu.dma_semaphore, #tpu.memory_space<semaphore_mem>>)
      %dma_wait3A = arith.constant 0 : i32
      %dma_wait3A_43 = tpu.memref_slice %arg12[%add3A_23, %dma_wait3A] : memref<10240x128xf32, #tpu.memory_space<vmem_shared>> -> memref<128x128xf32, #tpu.memory_space<vmem_shared>>
      %dma_wait3A_44 = arith.constant 0 : i32
      %dma_wait3A_45 = tpu.memref_slice %arg12[%add3A_23, %dma_wait3A_44] : memref<10240x128xf32, #tpu.memory_space<vmem_shared>> -> memref<128x128xf32, #tpu.memory_space<vmem_shared>>
      tpu.wait_dma2 semaphore(%run_scoped3A : memref<!tpu.dma_semaphore, #tpu.memory_space<semaphore_mem>>) src(%arg10 : memref<128x128xf32, #tpu.memory_space<vmem>>) dst(%dma_wait3A_45 : memref<128x128xf32, #tpu.memory_space<vmem_shared>>)
      tpu.yield
    }) : () -> ()
    %mul3A_24 = arith.constant 640 : i32
    %mul3A_25 = arith.muli %arg1, %mul3A_24 : i32
    %add3A_26 = arith.constant 512 : i32
    %add3A_27 = arith.addi %mul3A_25, %add3A_26 : i32
    "tpu.region"() ({
      %run_scoped3A = tpu.sem_alloc : memref<!tpu.dma_semaphore, #tpu.memory_space<semaphore_mem>>
      %dma_start3A = arith.constant 0 : i32
      %dma_start3A_40 = tpu.memref_slice %arg12[%add3A_27, %dma_start3A] : memref<10240x128xf32, #tpu.memory_space<vmem_shared>> -> memref<128x128xf32, #tpu.memory_space<vmem_shared>>
      %dma_start3A_41 = arith.constant 0 : i32
      %dma_start3A_42 = tpu.memref_slice %arg12[%add3A_27, %dma_start3A_41] : memref<10240x128xf32, #tpu.memory_space<vmem_shared>> -> memref<128x128xf32, #tpu.memory_space<vmem_shared>>
      tpu.enqueue_dma source(%arg10 : memref<128x128xf32, #tpu.memory_space<vmem>>) target(%dma_start3A_42 : memref<128x128xf32, #tpu.memory_space<vmem_shared>>) target_semaphore(%run_scoped3A : memref<!tpu.dma_semaphore, #tpu.memory_space<semaphore_mem>>)
      %dma_wait3A = arith.constant 0 : i32
      %dma_wait3A_43 = tpu.memref_slice %arg12[%add3A_27, %dma_wait3A] : memref<10240x128xf32, #tpu.memory_space<vmem_shared>> -> memref<128x128xf32, #tpu.memory_space<vmem_shared>>
      %dma_wait3A_44 = arith.constant 0 : i32
      %dma_wait3A_45 = tpu.memref_slice %arg12[%add3A_27, %dma_wait3A_44] : memref<10240x128xf32, #tpu.memory_space<vmem_shared>> -> memref<128x128xf32, #tpu.memory_space<vmem_shared>>
      tpu.wait_dma2 semaphore(%run_scoped3A : memref<!tpu.dma_semaphore, #tpu.memory_space<semaphore_mem>>) src(%arg10 : memref<128x128xf32, #tpu.memory_space<vmem>>) dst(%dma_wait3A_45 : memref<128x128xf32, #tpu.memory_space<vmem_shared>>)
      tpu.yield
    }) : () -> ()
    %barrier3A = arith.constant 0 : index
    tpu.barrier barrier_id(%barrier3A)
    %scan3A_28 = arith.constant 0 : i32
    %scan3A_29 = arith.constant 0 : i32
    %scan3A_30 = arith.constant 5 : i32
    %scan3A_31 = arith.addi %scan3A_29, %scan3A_30 : i32
    %scan3A_32 = arith.constant 1 : i32
    %scan3A_33 = scf.for %scan3A_40 = %scan3A_29 to %scan3A_31 step %scan3A_32 iter_args(%scan3A_41 = %scan3A_28) -> (i32)  : i32 {
      %mul3A_42 = arith.constant 16 : i32
      %mul3A_43 = arith.muli %scan3A_40, %mul3A_42 : i32
      "tpu.region"() ({
        %run_scoped3A = tpu.sem_alloc : memref<!tpu.dma_semaphore, #tpu.memory_space<semaphore_mem>>
        %dma_start3A = arith.constant 0 : i32
        %dma_start3A_58 = tpu.memref_slice %arg3[%add3A, %mul3A_43, %dma_start3A] : memref<32x80x128xi32, #tpu.memory_space<hbm>> -> memref<1x16x128xi32, #tpu.memory_space<hbm>>
        %dma_start3A_59 = tpu.memref_squeeze %dma_start3A_58 : memref<1x16x128xi32, #tpu.memory_space<hbm>> -> memref<16x128xi32, #tpu.memory_space<hbm>>
        %dma_start3A_60 = arith.constant 0 : i32
        %dma_start3A_61 = tpu.memref_slice %arg3[%add3A, %mul3A_43, %dma_start3A_60] : memref<32x80x128xi32, #tpu.memory_space<hbm>> -> memref<1x16x128xi32, #tpu.memory_space<hbm>>
        %dma_start3A_62 = tpu.memref_squeeze %dma_start3A_61 : memref<1x16x128xi32, #tpu.memory_space<hbm>> -> memref<16x128xi32, #tpu.memory_space<hbm>>
        tpu.enqueue_dma source(%dma_start3A_62 : memref<16x128xi32, #tpu.memory_space<hbm>>) target(%arg7 : memref<16x128xi32, #tpu.memory_space<vmem>>) target_semaphore(%run_scoped3A : memref<!tpu.dma_semaphore, #tpu.memory_space<semaphore_mem>>)
        %dma_wait3A = arith.constant 0 : i32
        %dma_wait3A_63 = tpu.memref_slice %arg3[%add3A, %mul3A_43, %dma_wait3A] : memref<32x80x128xi32, #tpu.memory_space<hbm>> -> memref<1x16x128xi32, #tpu.memory_space<hbm>>
        %dma_wait3A_64 = tpu.memref_squeeze %dma_wait3A_63 : memref<1x16x128xi32, #tpu.memory_space<hbm>> -> memref<16x128xi32, #tpu.memory_space<hbm>>
        %dma_wait3A_65 = arith.constant 0 : i32
        %dma_wait3A_66 = tpu.memref_slice %arg3[%add3A, %mul3A_43, %dma_wait3A_65] : memref<32x80x128xi32, #tpu.memory_space<hbm>> -> memref<1x16x128xi32, #tpu.memory_space<hbm>>
        %dma_wait3A_67 = tpu.memref_squeeze %dma_wait3A_66 : memref<1x16x128xi32, #tpu.memory_space<hbm>> -> memref<16x128xi32, #tpu.memory_space<hbm>>
        tpu.wait_dma2 semaphore(%run_scoped3A : memref<!tpu.dma_semaphore, #tpu.memory_space<semaphore_mem>>) src(%dma_wait3A_67 : memref<16x128xi32, #tpu.memory_space<hbm>>) dst(%arg7 : memref<16x128xi32, #tpu.memory_space<vmem>>)
        tpu.yield
      }) : () -> ()
      %mul3A_44 = arith.constant 16 : i32
      %mul3A_45 = arith.muli %scan3A_40, %mul3A_44 : i32
      "tpu.region"() ({
        %run_scoped3A = tpu.sem_alloc : memref<!tpu.dma_semaphore, #tpu.memory_space<semaphore_mem>>
        %dma_start3A = arith.constant 0 : i32
        %dma_start3A_58 = tpu.memref_slice %arg4[%add3A, %mul3A_45, %dma_start3A] : memref<32x80x128xi32, #tpu.memory_space<hbm>> -> memref<1x16x128xi32, #tpu.memory_space<hbm>>
        %dma_start3A_59 = tpu.memref_squeeze %dma_start3A_58 : memref<1x16x128xi32, #tpu.memory_space<hbm>> -> memref<16x128xi32, #tpu.memory_space<hbm>>
        %dma_start3A_60 = arith.constant 0 : i32
        %dma_start3A_61 = tpu.memref_slice %arg4[%add3A, %mul3A_45, %dma_start3A_60] : memref<32x80x128xi32, #tpu.memory_space<hbm>> -> memref<1x16x128xi32, #tpu.memory_space<hbm>>
        %dma_start3A_62 = tpu.memref_squeeze %dma_start3A_61 : memref<1x16x128xi32, #tpu.memory_space<hbm>> -> memref<16x128xi32, #tpu.memory_space<hbm>>
        tpu.enqueue_dma source(%dma_start3A_62 : memref<16x128xi32, #tpu.memory_space<hbm>>) target(%arg8 : memref<16x128xi32, #tpu.memory_space<vmem>>) target_semaphore(%run_scoped3A : memref<!tpu.dma_semaphore, #tpu.memory_space<semaphore_mem>>)
        %dma_wait3A = arith.constant 0 : i32
        %dma_wait3A_63 = tpu.memref_slice %arg4[%add3A, %mul3A_45, %dma_wait3A] : memref<32x80x128xi32, #tpu.memory_space<hbm>> -> memref<1x16x128xi32, #tpu.memory_space<hbm>>
        %dma_wait3A_64 = tpu.memref_squeeze %dma_wait3A_63 : memref<1x16x128xi32, #tpu.memory_space<hbm>> -> memref<16x128xi32, #tpu.memory_space<hbm>>
        %dma_wait3A_65 = arith.constant 0 : i32
        %dma_wait3A_66 = tpu.memref_slice %arg4[%add3A, %mul3A_45, %dma_wait3A_65] : memref<32x80x128xi32, #tpu.memory_space<hbm>> -> memref<1x16x128xi32, #tpu.memory_space<hbm>>
        %dma_wait3A_67 = tpu.memref_squeeze %dma_wait3A_66 : memref<1x16x128xi32, #tpu.memory_space<hbm>> -> memref<16x128xi32, #tpu.memory_space<hbm>>
        tpu.wait_dma2 semaphore(%run_scoped3A : memref<!tpu.dma_semaphore, #tpu.memory_space<semaphore_mem>>) src(%dma_wait3A_67 : memref<16x128xi32, #tpu.memory_space<hbm>>) dst(%arg8 : memref<16x128xi32, #tpu.memory_space<vmem>>)
        tpu.yield
      }) : () -> ()
      %mul3A_46 = arith.constant 16 : i32
      %mul3A_47 = arith.muli %scan3A_40, %mul3A_46 : i32
      %mul3A_48 = arith.constant 128 : i32
      %mul3A_49 = arith.muli %mul3A_47, %mul3A_48 : i32
      "tpu.region"() ({
        %run_scoped3A = tpu.sem_alloc : memref<!tpu.dma_semaphore, #tpu.memory_space<semaphore_mem>>
        %dma_start3A = tpu.memref_slice %arg5[%add3A, %mul3A_49] : memref<32x10240xf32, #tpu.memory_space<hbm>> -> memref<1x2048xf32, #tpu.memory_space<hbm>>
        %dma_start3A_58 = tpu.memref_squeeze %dma_start3A : memref<1x2048xf32, #tpu.memory_space<hbm>> -> memref<2048xf32, #tpu.memory_space<hbm>>
        %dma_start3A_59 = tpu.memref_slice %arg5[%add3A, %mul3A_49] : memref<32x10240xf32, #tpu.memory_space<hbm>> -> memref<1x2048xf32, #tpu.memory_space<hbm>>
        %dma_start3A_60 = tpu.memref_squeeze %dma_start3A_59 : memref<1x2048xf32, #tpu.memory_space<hbm>> -> memref<2048xf32, #tpu.memory_space<hbm>>
        tpu.enqueue_dma source(%dma_start3A_60 : memref<2048xf32, #tpu.memory_space<hbm>>) target(%arg9 : memref<2048xf32, #tpu.memory_space<vmem>>) target_semaphore(%run_scoped3A : memref<!tpu.dma_semaphore, #tpu.memory_space<semaphore_mem>>)
        %dma_wait3A = tpu.memref_slice %arg5[%add3A, %mul3A_49] : memref<32x10240xf32, #tpu.memory_space<hbm>> -> memref<1x2048xf32, #tpu.memory_space<hbm>>
        %dma_wait3A_61 = tpu.memref_squeeze %dma_wait3A : memref<1x2048xf32, #tpu.memory_space<hbm>> -> memref<2048xf32, #tpu.memory_space<hbm>>
        %dma_wait3A_62 = tpu.memref_slice %arg5[%add3A, %mul3A_49] : memref<32x10240xf32, #tpu.memory_space<hbm>> -> memref<1x2048xf32, #tpu.memory_space<hbm>>
        %dma_wait3A_63 = tpu.memref_squeeze %dma_wait3A_62 : memref<1x2048xf32, #tpu.memory_space<hbm>> -> memref<2048xf32, #tpu.memory_space<hbm>>
        tpu.wait_dma2 semaphore(%run_scoped3A : memref<!tpu.dma_semaphore, #tpu.memory_space<semaphore_mem>>) src(%dma_wait3A_63 : memref<2048xf32, #tpu.memory_space<hbm>>) dst(%arg9 : memref<2048xf32, #tpu.memory_space<vmem>>)
        tpu.yield
      }) : () -> ()
      %scan3A_50 = arith.constant 0 : i32
      %scan3A_51 = arith.constant 0 : i32
      %scan3A_52 = arith.constant 16 : i32
      %scan3A_53 = arith.addi %scan3A_51, %scan3A_52 : i32
      %scan3A_54 = arith.constant 1 : i32
      %scan3A_55 = scf.for %scan3A_58 = %scan3A_51 to %scan3A_53 step %scan3A_54 iter_args(%scan3A_59 = %scan3A_50) -> (i32)  : i32 {
        "tpu.region"() ({
          %run_scoped3A = tpu.sem_alloc : memref<!tpu.dma_semaphore, #tpu.memory_space<semaphore_mem>>
          %dma_start3A = arith.constant 0 : i32
          %dma_start3A_68 = tpu.memref_slice %arg7[%scan3A_58, %dma_start3A] : memref<16x128xi32, #tpu.memory_space<vmem>> -> memref<1x128xi32, #tpu.memory_space<vmem>>
          %dma_start3A_69 = tpu.memref_squeeze %dma_start3A_68 : memref<1x128xi32, #tpu.memory_space<vmem>> -> memref<128xi32, #tpu.memory_space<vmem>>
          %dma_start3A_70 = arith.constant 0 : i32
          %dma_start3A_71 = arith.constant 0 : i32
          %dma_start3A_72 = tpu.memref_slice %arg2[%dma_start3A_70, %dma_start3A_71] : memref<10240x128xf32, #tpu.memory_space<hbm>> -> memref<10240x128xf32, #tpu.memory_space<hbm>>
          tpu.enqueue_indirect_dma source(%dma_start3A_72 : memref<10240x128xf32, #tpu.memory_space<hbm>>) target(%arg10 : memref<128x128xf32, #tpu.memory_space<vmem>>) offsets(%dma_start3A_69 : memref<128xi32, #tpu.memory_space<vmem>>) semaphore(%run_scoped3A : memref<!tpu.dma_semaphore, #tpu.memory_space<semaphore_mem>>)
          %dma_wait3A = arith.constant 0 : i32
          %dma_wait3A_73 = tpu.memref_slice %arg7[%scan3A_58, %dma_wait3A] : memref<16x128xi32, #tpu.memory_space<vmem>> -> memref<1x128xi32, #tpu.memory_space<vmem>>
          %dma_wait3A_74 = tpu.memref_squeeze %dma_wait3A_73 : memref<1x128xi32, #tpu.memory_space<vmem>> -> memref<128xi32, #tpu.memory_space<vmem>>
          %dma_wait3A_75 = arith.constant 0 : i32
          %dma_wait3A_76 = arith.constant 0 : i32
          %dma_wait3A_77 = tpu.memref_slice %arg2[%dma_wait3A_75, %dma_wait3A_76] : memref<10240x128xf32, #tpu.memory_space<hbm>> -> memref<10240x128xf32, #tpu.memory_space<hbm>>
          tpu.wait_indirect_dma semaphore(%run_scoped3A : memref<!tpu.dma_semaphore, #tpu.memory_space<semaphore_mem>>) src(%dma_wait3A_77 : memref<10240x128xf32, #tpu.memory_space<hbm>>) dst(%arg10 : memref<128x128xf32, #tpu.memory_space<vmem>>)
          tpu.yield
        }) : () -> ()
        %scan3A_60 = arith.constant 0 : i32
        %scan3A_61 = arith.constant 0 : i32
        %scan3A_62 = arith.constant 128 : i32
        %scan3A_63 = arith.addi %scan3A_61, %scan3A_62 : i32
        %scan3A_64 = arith.constant 2 : i32
        %scan3A_65 = scf.for %scan3A_68 = %scan3A_61 to %scan3A_63 step %scan3A_64 iter_args(%scan3A_69 = %scan3A_60) -> (i32)  : i32 {
          %mul3A_70 = arith.constant 128 : i32
          %mul3A_71 = arith.muli %scan3A_58, %mul3A_70 : i32
          %add3A_72 = arith.addi %mul3A_71, %scan3A_68 : i32
          %broadcast_in_dim3A_73 = vector.broadcast %add3A_72 : i32 to vector<16xi32>
          %gather3A = tpu.vector_load_idx %arg9[%broadcast_in_dim3A_73] : memref<2048xf32, #tpu.memory_space<vmem>>[vector<16xi32>], vector<16xf32>,
          %get3A = arith.index_cast %scan3A_68 : i32 to index
          %get3A_74 = arith.constant 0 : index
          %get3A_75 = tpu.vector_load %arg10[%get3A, %get3A_74] {strides = array<i32>} : memref<128x128xf32, #tpu.memory_space<vmem>>, vector<16xf32>,
          %mul3A_76 = arith.mulf %get3A_75, %gather3A : vector<16xf32>
          %swap3A = arith.index_cast %scan3A_68 : i32 to index
          %swap3A_77 = arith.constant 0 : index
          %swap3A_78 = tpu.vector_load %arg11[%swap3A, %swap3A_77] {strides = array<i32>} : memref<128x128xf32, #tpu.memory_space<vmem>>, vector<16xf32>,
          tpu.vector_store %arg11[%swap3A, %swap3A_77], %mul3A_76 {strides = array<i32>} : memref<128x128xf32, #tpu.memory_space<vmem>>, vector<16xf32>,
          %get3A_79 = arith.index_cast %scan3A_68 : i32 to index
          %get3A_80 = arith.constant 16 : index
          %get3A_81 = tpu.vector_load %arg10[%get3A_79, %get3A_80] {strides = array<i32>} : memref<128x128xf32, #tpu.memory_space<vmem>>, vector<16xf32>,
          %mul3A_82 = arith.mulf %get3A_81, %gather3A : vector<16xf32>
          %swap3A_83 = arith.index_cast %scan3A_68 : i32 to index
          %swap3A_84 = arith.constant 16 : index
          %swap3A_85 = tpu.vector_load %arg11[%swap3A_83, %swap3A_84] {strides = array<i32>} : memref<128x128xf32, #tpu.memory_space<vmem>>, vector<16xf32>,
          tpu.vector_store %arg11[%swap3A_83, %swap3A_84], %mul3A_82 {strides = array<i32>} : memref<128x128xf32, #tpu.memory_space<vmem>>, vector<16xf32>,
          %get3A_86 = arith.index_cast %scan3A_68 : i32 to index
          %get3A_87 = arith.constant 32 : index
          %get3A_88 = tpu.vector_load %arg10[%get3A_86, %get3A_87] {strides = array<i32>} : memref<128x128xf32, #tpu.memory_space<vmem>>, vector<16xf32>,
          %mul3A_89 = arith.mulf %get3A_88, %gather3A : vector<16xf32>
          %swap3A_90 = arith.index_cast %scan3A_68 : i32 to index
          %swap3A_91 = arith.constant 32 : index
          %swap3A_92 = tpu.vector_load %arg11[%swap3A_90, %swap3A_91] {strides = array<i32>} : memref<128x128xf32, #tpu.memory_space<vmem>>, vector<16xf32>,
          tpu.vector_store %arg11[%swap3A_90, %swap3A_91], %mul3A_89 {strides = array<i32>} : memref<128x128xf32, #tpu.memory_space<vmem>>, vector<16xf32>,
          %get3A_93 = arith.index_cast %scan3A_68 : i32 to index
          %get3A_94 = arith.constant 48 : index
          %get3A_95 = tpu.vector_load %arg10[%get3A_93, %get3A_94] {strides = array<i32>} : memref<128x128xf32, #tpu.memory_space<vmem>>, vector<16xf32>,
          %mul3A_96 = arith.mulf %get3A_95, %gather3A : vector<16xf32>
          %swap3A_97 = arith.index_cast %scan3A_68 : i32 to index
          %swap3A_98 = arith.constant 48 : index
          %swap3A_99 = tpu.vector_load %arg11[%swap3A_97, %swap3A_98] {strides = array<i32>} : memref<128x128xf32, #tpu.memory_space<vmem>>, vector<16xf32>,
          tpu.vector_store %arg11[%swap3A_97, %swap3A_98], %mul3A_96 {strides = array<i32>} : memref<128x128xf32, #tpu.memory_space<vmem>>, vector<16xf32>,
          %get3A_100 = arith.index_cast %scan3A_68 : i32 to index
          %get3A_101 = arith.constant 64 : index
          %get3A_102 = tpu.vector_load %arg10[%get3A_100, %get3A_101] {strides = array<i32>} : memref<128x128xf32, #tpu.memory_space<vmem>>, vector<16xf32>,
          %mul3A_103 = arith.mulf %get3A_102, %gather3A : vector<16xf32>
          %swap3A_104 = arith.index_cast %scan3A_68 : i32 to index
          %swap3A_105 = arith.constant 64 : index
          %swap3A_106 = tpu.vector_load %arg11[%swap3A_104, %swap3A_105] {strides = array<i32>} : memref<128x128xf32, #tpu.memory_space<vmem>>, vector<16xf32>,
          tpu.vector_store %arg11[%swap3A_104, %swap3A_105], %mul3A_103 {strides = array<i32>} : memref<128x128xf32, #tpu.memory_space<vmem>>, vector<16xf32>,
          %get3A_107 = arith.index_cast %scan3A_68 : i32 to index
          %get3A_108 = arith.constant 80 : index
          %get3A_109 = tpu.vector_load %arg10[%get3A_107, %get3A_108] {strides = array<i32>} : memref<128x128xf32, #tpu.memory_space<vmem>>, vector<16xf32>,
          %mul3A_110 = arith.mulf %get3A_109, %gather3A : vector<16xf32>
          %swap3A_111 = arith.index_cast %scan3A_68 : i32 to index
          %swap3A_112 = arith.constant 80 : index
          %swap3A_113 = tpu.vector_load %arg11[%swap3A_111, %swap3A_112] {strides = array<i32>} : memref<128x128xf32, #tpu.memory_space<vmem>>, vector<16xf32>,
          tpu.vector_store %arg11[%swap3A_111, %swap3A_112], %mul3A_110 {strides = array<i32>} : memref<128x128xf32, #tpu.memory_space<vmem>>, vector<16xf32>,
          %get3A_114 = arith.index_cast %scan3A_68 : i32 to index
          %get3A_115 = arith.constant 96 : index
          %get3A_116 = tpu.vector_load %arg10[%get3A_114, %get3A_115] {strides = array<i32>} : memref<128x128xf32, #tpu.memory_space<vmem>>, vector<16xf32>,
          %mul3A_117 = arith.mulf %get3A_116, %gather3A : vector<16xf32>
          %swap3A_118 = arith.index_cast %scan3A_68 : i32 to index
          %swap3A_119 = arith.constant 96 : index
          %swap3A_120 = tpu.vector_load %arg11[%swap3A_118, %swap3A_119] {strides = array<i32>} : memref<128x128xf32, #tpu.memory_space<vmem>>, vector<16xf32>,
          tpu.vector_store %arg11[%swap3A_118, %swap3A_119], %mul3A_117 {strides = array<i32>} : memref<128x128xf32, #tpu.memory_space<vmem>>, vector<16xf32>,
          %get3A_121 = arith.index_cast %scan3A_68 : i32 to index
          %get3A_122 = arith.constant 112 : index
          %get3A_123 = tpu.vector_load %arg10[%get3A_121, %get3A_122] {strides = array<i32>} : memref<128x128xf32, #tpu.memory_space<vmem>>, vector<16xf32>,
          %mul3A_124 = arith.mulf %get3A_123, %gather3A : vector<16xf32>
          %swap3A_125 = arith.index_cast %scan3A_68 : i32 to index
          %swap3A_126 = arith.constant 112 : index
          %swap3A_127 = tpu.vector_load %arg11[%swap3A_125, %swap3A_126] {strides = array<i32>} : memref<128x128xf32, #tpu.memory_space<vmem>>, vector<16xf32>,
          tpu.vector_store %arg11[%swap3A_125, %swap3A_126], %mul3A_124 {strides = array<i32>} : memref<128x128xf32, #tpu.memory_space<vmem>>, vector<16xf32>,
          %scan3A_128 = arith.constant 0 : i32
          %scan3A_129 = arith.constant 1 : i32
          %scan3A_130 = arith.addi %scan3A_68, %scan3A_129 : i32
          %mul3A_131 = arith.constant 128 : i32
          %mul3A_132 = arith.muli %scan3A_58, %mul3A_131 : i32
          %add3A_133 = arith.addi %mul3A_132, %scan3A_130 : i32
          %broadcast_in_dim3A_134 = vector.broadcast %add3A_133 : i32 to vector<16xi32>
          %gather3A_135 = tpu.vector_load_idx %arg9[%broadcast_in_dim3A_134] : memref<2048xf32, #tpu.memory_space<vmem>>[vector<16xi32>], vector<16xf32>,
          %get3A_136 = arith.index_cast %scan3A_130 : i32 to index
          %get3A_137 = arith.constant 0 : index
          %get3A_138 = tpu.vector_load %arg10[%get3A_136, %get3A_137] {strides = array<i32>} : memref<128x128xf32, #tpu.memory_space<vmem>>, vector<16xf32>,
          %mul3A_139 = arith.mulf %get3A_138, %gather3A_135 : vector<16xf32>
          %swap3A_140 = arith.index_cast %scan3A_130 : i32 to index
          %swap3A_141 = arith.constant 0 : index
          %swap3A_142 = tpu.vector_load %arg11[%swap3A_140, %swap3A_141] {strides = array<i32>} : memref<128x128xf32, #tpu.memory_space<vmem>>, vector<16xf32>,
          tpu.vector_store %arg11[%swap3A_140, %swap3A_141], %mul3A_139 {strides = array<i32>} : memref<128x128xf32, #tpu.memory_space<vmem>>, vector<16xf32>,
          %get3A_143 = arith.index_cast %scan3A_130 : i32 to index
          %get3A_144 = arith.constant 16 : index
          %get3A_145 = tpu.vector_load %arg10[%get3A_143, %get3A_144] {strides = array<i32>} : memref<128x128xf32, #tpu.memory_space<vmem>>, vector<16xf32>,
          %mul3A_146 = arith.mulf %get3A_145, %gather3A_135 : vector<16xf32>
          %swap3A_147 = arith.index_cast %scan3A_130 : i32 to index
          %swap3A_148 = arith.constant 16 : index
          %swap3A_149 = tpu.vector_load %arg11[%swap3A_147, %swap3A_148] {strides = array<i32>} : memref<128x128xf32, #tpu.memory_space<vmem>>, vector<16xf32>,
          tpu.vector_store %arg11[%swap3A_147, %swap3A_148], %mul3A_146 {strides = array<i32>} : memref<128x128xf32, #tpu.memory_space<vmem>>, vector<16xf32>,
          %get3A_150 = arith.index_cast %scan3A_130 : i32 to index
          %get3A_151 = arith.constant 32 : index
          %get3A_152 = tpu.vector_load %arg10[%get3A_150, %get3A_151] {strides = array<i32>} : memref<128x128xf32, #tpu.memory_space<vmem>>, vector<16xf32>,
          %mul3A_153 = arith.mulf %get3A_152, %gather3A_135 : vector<16xf32>
          %swap3A_154 = arith.index_cast %scan3A_130 : i32 to index
          %swap3A_155 = arith.constant 32 : index
          %swap3A_156 = tpu.vector_load %arg11[%swap3A_154, %swap3A_155] {strides = array<i32>} : memref<128x128xf32, #tpu.memory_space<vmem>>, vector<16xf32>,
          tpu.vector_store %arg11[%swap3A_154, %swap3A_155], %mul3A_153 {strides = array<i32>} : memref<128x128xf32, #tpu.memory_space<vmem>>, vector<16xf32>,
          %get3A_157 = arith.index_cast %scan3A_130 : i32 to index
          %get3A_158 = arith.constant 48 : index
          %get3A_159 = tpu.vector_load %arg10[%get3A_157, %get3A_158] {strides = array<i32>} : memref<128x128xf32, #tpu.memory_space<vmem>>, vector<16xf32>,
          %mul3A_160 = arith.mulf %get3A_159, %gather3A_135 : vector<16xf32>
          %swap3A_161 = arith.index_cast %scan3A_130 : i32 to index
          %swap3A_162 = arith.constant 48 : index
          %swap3A_163 = tpu.vector_load %arg11[%swap3A_161, %swap3A_162] {strides = array<i32>} : memref<128x128xf32, #tpu.memory_space<vmem>>, vector<16xf32>,
          tpu.vector_store %arg11[%swap3A_161, %swap3A_162], %mul3A_160 {strides = array<i32>} : memref<128x128xf32, #tpu.memory_space<vmem>>, vector<16xf32>,
          %get3A_164 = arith.index_cast %scan3A_130 : i32 to index
          %get3A_165 = arith.constant 64 : index
          %get3A_166 = tpu.vector_load %arg10[%get3A_164, %get3A_165] {strides = array<i32>} : memref<128x128xf32, #tpu.memory_space<vmem>>, vector<16xf32>,
          %mul3A_167 = arith.mulf %get3A_166, %gather3A_135 : vector<16xf32>
          %swap3A_168 = arith.index_cast %scan3A_130 : i32 to index
          %swap3A_169 = arith.constant 64 : index
          %swap3A_170 = tpu.vector_load %arg11[%swap3A_168, %swap3A_169] {strides = array<i32>} : memref<128x128xf32, #tpu.memory_space<vmem>>, vector<16xf32>,
          tpu.vector_store %arg11[%swap3A_168, %swap3A_169], %mul3A_167 {strides = array<i32>} : memref<128x128xf32, #tpu.memory_space<vmem>>, vector<16xf32>,
          %get3A_171 = arith.index_cast %scan3A_130 : i32 to index
          %get3A_172 = arith.constant 80 : index
          %get3A_173 = tpu.vector_load %arg10[%get3A_171, %get3A_172] {strides = array<i32>} : memref<128x128xf32, #tpu.memory_space<vmem>>, vector<16xf32>,
          %mul3A_174 = arith.mulf %get3A_173, %gather3A_135 : vector<16xf32>
          %swap3A_175 = arith.index_cast %scan3A_130 : i32 to index
          %swap3A_176 = arith.constant 80 : index
          %swap3A_177 = tpu.vector_load %arg11[%swap3A_175, %swap3A_176] {strides = array<i32>} : memref<128x128xf32, #tpu.memory_space<vmem>>, vector<16xf32>,
          tpu.vector_store %arg11[%swap3A_175, %swap3A_176], %mul3A_174 {strides = array<i32>} : memref<128x128xf32, #tpu.memory_space<vmem>>, vector<16xf32>,
          %get3A_178 = arith.index_cast %scan3A_130 : i32 to index
          %get3A_179 = arith.constant 96 : index
          %get3A_180 = tpu.vector_load %arg10[%get3A_178, %get3A_179] {strides = array<i32>} : memref<128x128xf32, #tpu.memory_space<vmem>>, vector<16xf32>,
          %mul3A_181 = arith.mulf %get3A_180, %gather3A_135 : vector<16xf32>
          %swap3A_182 = arith.index_cast %scan3A_130 : i32 to index
          %swap3A_183 = arith.constant 96 : index
          %swap3A_184 = tpu.vector_load %arg11[%swap3A_182, %swap3A_183] {strides = array<i32>} : memref<128x128xf32, #tpu.memory_space<vmem>>, vector<16xf32>,
          tpu.vector_store %arg11[%swap3A_182, %swap3A_183], %mul3A_181 {strides = array<i32>} : memref<128x128xf32, #tpu.memory_space<vmem>>, vector<16xf32>,
          %get3A_185 = arith.index_cast %scan3A_130 : i32 to index
          %get3A_186 = arith.constant 112 : index
          %get3A_187 = tpu.vector_load %arg10[%get3A_185, %get3A_186] {strides = array<i32>} : memref<128x128xf32, #tpu.memory_space<vmem>>, vector<16xf32>,
          %mul3A_188 = arith.mulf %get3A_187, %gather3A_135 : vector<16xf32>
          %swap3A_189 = arith.index_cast %scan3A_130 : i32 to index
          %swap3A_190 = arith.constant 112 : index
          %swap3A_191 = tpu.vector_load %arg11[%swap3A_189, %swap3A_190] {strides = array<i32>} : memref<128x128xf32, #tpu.memory_space<vmem>>, vector<16xf32>,
          tpu.vector_store %arg11[%swap3A_189, %swap3A_190], %mul3A_188 {strides = array<i32>} : memref<128x128xf32, #tpu.memory_space<vmem>>, vector<16xf32>,
          %scan3A_192 = arith.constant 0 : i32
          scf.yield %scan3A_192 : i32
        }
        %scan3A_66 = arith.constant 128 : i32
        "tpu.region"() ({
          %run_scoped3A = tpu.sem_alloc : memref<!tpu.dma_semaphore, #tpu.memory_space<semaphore_mem>>
          %dma_start3A = arith.constant 0 : i32
          %dma_start3A_68 = tpu.memref_slice %arg8[%scan3A_58, %dma_start3A] : memref<16x128xi32, #tpu.memory_space<vmem>> -> memref<1x128xi32, #tpu.memory_space<vmem>>
          %dma_start3A_69 = tpu.memref_squeeze %dma_start3A_68 : memref<1x128xi32, #tpu.memory_space<vmem>> -> memref<128xi32, #tpu.memory_space<vmem>>
          %dma_start3A_70 = arith.constant 0 : i32
          %dma_start3A_71 = arith.constant 0 : i32
          %dma_start3A_72 = tpu.memref_slice %arg12[%dma_start3A_70, %dma_start3A_71] : memref<10240x128xf32, #tpu.memory_space<vmem_shared>> -> memref<10240x128xf32, #tpu.memory_space<vmem_shared>>
          tpu.enqueue_indirect_dma source(%arg11 : memref<128x128xf32, #tpu.memory_space<vmem>>) target(%dma_start3A_72 : memref<10240x128xf32, #tpu.memory_space<vmem_shared>>) offsets(%dma_start3A_69 : memref<128xi32, #tpu.memory_space<vmem>>) semaphore(%run_scoped3A : memref<!tpu.dma_semaphore, #tpu.memory_space<semaphore_mem>>) {add = true}
          %dma_wait3A = arith.constant 0 : i32
          %dma_wait3A_73 = tpu.memref_slice %arg8[%scan3A_58, %dma_wait3A] : memref<16x128xi32, #tpu.memory_space<vmem>> -> memref<1x128xi32, #tpu.memory_space<vmem>>
          %dma_wait3A_74 = tpu.memref_squeeze %dma_wait3A_73 : memref<1x128xi32, #tpu.memory_space<vmem>> -> memref<128xi32, #tpu.memory_space<vmem>>
          %dma_wait3A_75 = arith.constant 0 : i32
          %dma_wait3A_76 = arith.constant 0 : i32
          %dma_wait3A_77 = tpu.memref_slice %arg12[%dma_wait3A_75, %dma_wait3A_76] : memref<10240x128xf32, #tpu.memory_space<vmem_shared>> -> memref<10240x128xf32, #tpu.memory_space<vmem_shared>>
          tpu.wait_indirect_dma semaphore(%run_scoped3A : memref<!tpu.dma_semaphore, #tpu.memory_space<semaphore_mem>>) src(%arg11 : memref<128x128xf32, #tpu.memory_space<vmem>>) dst(%dma_wait3A_77 : memref<10240x128xf32, #tpu.memory_space<vmem_shared>>)
          tpu.yield
        }) : () -> ()
        %scan3A_67 = arith.constant 0 : i32
        scf.yield %scan3A_67 : i32
      }
      %scan3A_56 = arith.constant 16 : i32
      %scan3A_57 = arith.constant 0 : i32
      scf.yield %scan3A_57 : i32
    }
    %scan3A_34 = arith.constant 5 : i32
    %barrier3A_35 = arith.constant 0 : index
    tpu.barrier barrier_id(%barrier3A_35)
    %mul3A_36 = arith.constant 640 : i32
    %mul3A_37 = arith.muli %arg1, %mul3A_36 : i32
    %mul3A_38 = arith.constant 640 : i32
    %mul3A_39 = arith.muli %arg1, %mul3A_38 : i32
    "tpu.region"() ({
      %run_scoped3A = tpu.sem_alloc : memref<!tpu.dma_semaphore, #tpu.memory_space<semaphore_mem>>
      %dma_start3A = arith.constant 0 : i32
      %dma_start3A_40 = tpu.memref_slice %arg6[%arg0, %mul3A_39, %dma_start3A] : memref<2x10240x128xf32, #tpu.memory_space<hbm>> -> memref<1x640x128xf32, #tpu.memory_space<hbm>>
      %dma_start3A_41 = tpu.memref_squeeze %dma_start3A_40 : memref<1x640x128xf32, #tpu.memory_space<hbm>> -> memref<640x128xf32, #tpu.memory_space<hbm>>
      %dma_start3A_42 = arith.constant 0 : i32
      %dma_start3A_43 = tpu.memref_slice %arg12[%mul3A_37, %dma_start3A_42] : memref<10240x128xf32, #tpu.memory_space<vmem_shared>> -> memref<640x128xf32, #tpu.memory_space<vmem_shared>>
      tpu.enqueue_dma source(%dma_start3A_43 : memref<640x128xf32, #tpu.memory_space<vmem_shared>>) target(%dma_start3A_41 : memref<640x128xf32, #tpu.memory_space<hbm>>) target_semaphore(%run_scoped3A : memref<!tpu.dma_semaphore, #tpu.memory_space<semaphore_mem>>)
      %dma_wait3A = arith.constant 0 : i32
      %dma_wait3A_44 = tpu.memref_slice %arg6[%arg0, %mul3A_39, %dma_wait3A] : memref<2x10240x128xf32, #tpu.memory_space<hbm>> -> memref<1x640x128xf32, #tpu.memory_space<hbm>>
      %dma_wait3A_45 = tpu.memref_squeeze %dma_wait3A_44 : memref<1x640x128xf32, #tpu.memory_space<hbm>> -> memref<640x128xf32, #tpu.memory_space<hbm>>
      %dma_wait3A_46 = arith.constant 0 : i32
      %dma_wait3A_47 = tpu.memref_slice %arg12[%mul3A_37, %dma_wait3A_46] : memref<10240x128xf32, #tpu.memory_space<vmem_shared>> -> memref<640x128xf32, #tpu.memory_space<vmem_shared>>
      tpu.wait_dma2 semaphore(%run_scoped3A : memref<!tpu.dma_semaphore, #tpu.memory_space<semaphore_mem>>) src(%dma_wait3A_47 : memref<640x128xf32, #tpu.memory_space<vmem_shared>>) dst(%dma_wait3A_45 : memref<640x128xf32, #tpu.memory_space<hbm>>)
      tpu.yield
    }) : () -> ()
    return
  }
}

#map = affine_map<(d0, d1) -> (0, 0)>
#map1 = affine_map<(d0, d1) -> (0, 0, 0)>
module attributes {stable_mosaic.version = 14 : i64} {
  func.func @_sc_layer_body(%arg0: i32, %arg1: i32, %arg2: memref<10240x128xf32, #tpu.memory_space<hbm>>, %arg3: memref<32x80x128xi32, #tpu.memory_space<hbm>>, %arg4: memref<32x80x128xi32, #tpu.memory_space<hbm>>, %arg5: memref<32x10240xf32, #tpu.memory_space<hbm>>, %arg6: memref<2x10240x128xf32, #tpu.memory_space<hbm>>, %arg7: memref<16x128xi32, #tpu.memory_space<vmem>>, %arg8: memref<16x128xi32, #tpu.memory_space<vmem>>, %arg9: memref<2048xf32, #tpu.memory_space<vmem>>, %arg10: memref<128x128xf32, #tpu.memory_space<vmem>>, %arg11: memref<128x128xf32, #tpu.memory_space<vmem>>, %arg12: memref<10240x128xf32, #tpu.memory_space<vmem_shared>>) attributes {dimension_semantics = [#tpu.dimension_semantics<core_parallel>, #tpu.dimension_semantics<subcore_parallel>], iteration_bounds = array<i64: 2, 16>, scalar_prefetch = 0 : i64, scratch_operands = 6 : i64, tpu.core_type = #tpu.core_type<sc_vector_subcore>, window_params = [{transform_indices = #map}, {transform_indices = #map1}, {transform_indices = #map1}, {transform_indices = #map}, {transform_indices = #map1}]} {
    %mul3A = arith.constant 2 : i32
    %mul3A_0 = arith.muli %arg1, %mul3A : i32
    %add3A = arith.addi %mul3A_0, %arg0 : i32
    %broadcast_in_dim3A = arith.constant 0.000000e+00 : f32
    %broadcast_in_dim3A_1 = vector.broadcast %broadcast_in_dim3A : f32 to vector<16xf32>
    %scan3A = arith.constant 0 : i32
    %scan3A_2 = arith.constant 0 : i32
    %scan3A_3 = arith.constant 128 : i32
    %scan3A_4 = arith.addi %scan3A_2, %scan3A_3 : i32
    %scan3A_5 = arith.constant 1 : i32
    %scan3A_6 = scf.for %scan3A_40 = %scan3A_2 to %scan3A_4 step %scan3A_5 iter_args(%scan3A_41 = %scan3A) -> (i32)  : i32 {
      %swap3A = arith.index_cast %scan3A_40 : i32 to index
      %swap3A_42 = arith.constant 0 : index
      %swap3A_43 = tpu.vector_load %arg10[%swap3A, %swap3A_42] {strides = array<i32>} : memref<128x128xf32, #tpu.memory_space<vmem>>, vector<16xf32>,
      tpu.vector_store %arg10[%swap3A, %swap3A_42], %broadcast_in_dim3A_1 {strides = array<i32>} : memref<128x128xf32, #tpu.memory_space<vmem>>, vector<16xf32>,
      %swap3A_44 = arith.index_cast %scan3A_40 : i32 to index
      %swap3A_45 = arith.constant 16 : index
      %swap3A_46 = tpu.vector_load %arg10[%swap3A_44, %swap3A_45] {strides = array<i32>} : memref<128x128xf32, #tpu.memory_space<vmem>>, vector<16xf32>,
      tpu.vector_store %arg10[%swap3A_44, %swap3A_45], %broadcast_in_dim3A_1 {strides = array<i32>} : memref<128x128xf32, #tpu.memory_space<vmem>>, vector<16xf32>,
      %swap3A_47 = arith.index_cast %scan3A_40 : i32 to index
      %swap3A_48 = arith.constant 32 : index
      %swap3A_49 = tpu.vector_load %arg10[%swap3A_47, %swap3A_48] {strides = array<i32>} : memref<128x128xf32, #tpu.memory_space<vmem>>, vector<16xf32>,
      tpu.vector_store %arg10[%swap3A_47, %swap3A_48], %broadcast_in_dim3A_1 {strides = array<i32>} : memref<128x128xf32, #tpu.memory_space<vmem>>, vector<16xf32>,
      %swap3A_50 = arith.index_cast %scan3A_40 : i32 to index
      %swap3A_51 = arith.constant 48 : index
      %swap3A_52 = tpu.vector_load %arg10[%swap3A_50, %swap3A_51] {strides = array<i32>} : memref<128x128xf32, #tpu.memory_space<vmem>>, vector<16xf32>,
      tpu.vector_store %arg10[%swap3A_50, %swap3A_51], %broadcast_in_dim3A_1 {strides = array<i32>} : memref<128x128xf32, #tpu.memory_space<vmem>>, vector<16xf32>,
      %swap3A_53 = arith.index_cast %scan3A_40 : i32 to index
      %swap3A_54 = arith.constant 64 : index
      %swap3A_55 = tpu.vector_load %arg10[%swap3A_53, %swap3A_54] {strides = array<i32>} : memref<128x128xf32, #tpu.memory_space<vmem>>, vector<16xf32>,
      tpu.vector_store %arg10[%swap3A_53, %swap3A_54], %broadcast_in_dim3A_1 {strides = array<i32>} : memref<128x128xf32, #tpu.memory_space<vmem>>, vector<16xf32>,
      %swap3A_56 = arith.index_cast %scan3A_40 : i32 to index
      %swap3A_57 = arith.constant 80 : index
      %swap3A_58 = tpu.vector_load %arg10[%swap3A_56, %swap3A_57] {strides = array<i32>} : memref<128x128xf32, #tpu.memory_space<vmem>>, vector<16xf32>,
      tpu.vector_store %arg10[%swap3A_56, %swap3A_57], %broadcast_in_dim3A_1 {strides = array<i32>} : memref<128x128xf32, #tpu.memory_space<vmem>>, vector<16xf32>,
      %swap3A_59 = arith.index_cast %scan3A_40 : i32 to index
      %swap3A_60 = arith.constant 96 : index
      %swap3A_61 = tpu.vector_load %arg10[%swap3A_59, %swap3A_60] {strides = array<i32>} : memref<128x128xf32, #tpu.memory_space<vmem>>, vector<16xf32>,
      tpu.vector_store %arg10[%swap3A_59, %swap3A_60], %broadcast_in_dim3A_1 {strides = array<i32>} : memref<128x128xf32, #tpu.memory_space<vmem>>, vector<16xf32>,
      %swap3A_62 = arith.index_cast %scan3A_40 : i32 to index
      %swap3A_63 = arith.constant 112 : index
      %swap3A_64 = tpu.vector_load %arg10[%swap3A_62, %swap3A_63] {strides = array<i32>} : memref<128x128xf32, #tpu.memory_space<vmem>>, vector<16xf32>,
      tpu.vector_store %arg10[%swap3A_62, %swap3A_63], %broadcast_in_dim3A_1 {strides = array<i32>} : memref<128x128xf32, #tpu.memory_space<vmem>>, vector<16xf32>,
      %scan3A_65 = arith.constant 0 : i32
      scf.yield %scan3A_65 : i32
    }
    %scan3A_7 = arith.constant 128 : i32
    %mul3A_8 = arith.constant 640 : i32
    %mul3A_9 = arith.muli %arg1, %mul3A_8 : i32
    %add3A_10 = arith.constant 0 : i32
    %add3A_11 = arith.addi %mul3A_9, %add3A_10 : i32
    "tpu.region"() ({
      %run_scoped3A = tpu.sem_alloc : memref<!tpu.dma_semaphore, #tpu.memory_space<semaphore_mem>>
      %dma_start3A = arith.constant 0 : i32
      %dma_start3A_40 = tpu.memref_slice %arg12[%add3A_11, %dma_start3A] : memref<10240x128xf32, #tpu.memory_space<vmem_shared>> -> memref<128x128xf32, #tpu.memory_space<vmem_shared>>
      %dma_start3A_41 = arith.constant 0 : i32
      %dma_start3A_42 = tpu.memref_slice %arg12[%add3A_11, %dma_start3A_41] : memref<10240x128xf32, #tpu.memory_space<vmem_shared>> -> memref<128x128xf32, #tpu.memory_space<vmem_shared>>
      tpu.enqueue_dma source(%arg10 : memref<128x128xf32, #tpu.memory_space<vmem>>) target(%dma_start3A_42 : memref<128x128xf32, #tpu.memory_space<vmem_shared>>) target_semaphore(%run_scoped3A : memref<!tpu.dma_semaphore, #tpu.memory_space<semaphore_mem>>)
      %dma_wait3A = arith.constant 0 : i32
      %dma_wait3A_43 = tpu.memref_slice %arg12[%add3A_11, %dma_wait3A] : memref<10240x128xf32, #tpu.memory_space<vmem_shared>> -> memref<128x128xf32, #tpu.memory_space<vmem_shared>>
      %dma_wait3A_44 = arith.constant 0 : i32
      %dma_wait3A_45 = tpu.memref_slice %arg12[%add3A_11, %dma_wait3A_44] : memref<10240x128xf32, #tpu.memory_space<vmem_shared>> -> memref<128x128xf32, #tpu.memory_space<vmem_shared>>
      tpu.wait_dma2 semaphore(%run_scoped3A : memref<!tpu.dma_semaphore, #tpu.memory_space<semaphore_mem>>) src(%arg10 : memref<128x128xf32, #tpu.memory_space<vmem>>) dst(%dma_wait3A_45 : memref<128x128xf32, #tpu.memory_space<vmem_shared>>)
      tpu.yield
    }) : () -> ()
    %mul3A_12 = arith.constant 640 : i32
    %mul3A_13 = arith.muli %arg1, %mul3A_12 : i32
    %add3A_14 = arith.constant 128 : i32
    %add3A_15 = arith.addi %mul3A_13, %add3A_14 : i32
    "tpu.region"() ({
      %run_scoped3A = tpu.sem_alloc : memref<!tpu.dma_semaphore, #tpu.memory_space<semaphore_mem>>
      %dma_start3A = arith.constant 0 : i32
      %dma_start3A_40 = tpu.memref_slice %arg12[%add3A_15, %dma_start3A] : memref<10240x128xf32, #tpu.memory_space<vmem_shared>> -> memref<128x128xf32, #tpu.memory_space<vmem_shared>>
      %dma_start3A_41 = arith.constant 0 : i32
      %dma_start3A_42 = tpu.memref_slice %arg12[%add3A_15, %dma_start3A_41] : memref<10240x128xf32, #tpu.memory_space<vmem_shared>> -> memref<128x128xf32, #tpu.memory_space<vmem_shared>>
      tpu.enqueue_dma source(%arg10 : memref<128x128xf32, #tpu.memory_space<vmem>>) target(%dma_start3A_42 : memref<128x128xf32, #tpu.memory_space<vmem_shared>>) target_semaphore(%run_scoped3A : memref<!tpu.dma_semaphore, #tpu.memory_space<semaphore_mem>>)
      %dma_wait3A = arith.constant 0 : i32
      %dma_wait3A_43 = tpu.memref_slice %arg12[%add3A_15, %dma_wait3A] : memref<10240x128xf32, #tpu.memory_space<vmem_shared>> -> memref<128x128xf32, #tpu.memory_space<vmem_shared>>
      %dma_wait3A_44 = arith.constant 0 : i32
      %dma_wait3A_45 = tpu.memref_slice %arg12[%add3A_15, %dma_wait3A_44] : memref<10240x128xf32, #tpu.memory_space<vmem_shared>> -> memref<128x128xf32, #tpu.memory_space<vmem_shared>>
      tpu.wait_dma2 semaphore(%run_scoped3A : memref<!tpu.dma_semaphore, #tpu.memory_space<semaphore_mem>>) src(%arg10 : memref<128x128xf32, #tpu.memory_space<vmem>>) dst(%dma_wait3A_45 : memref<128x128xf32, #tpu.memory_space<vmem_shared>>)
      tpu.yield
    }) : () -> ()
    %mul3A_16 = arith.constant 640 : i32
    %mul3A_17 = arith.muli %arg1, %mul3A_16 : i32
    %add3A_18 = arith.constant 256 : i32
    %add3A_19 = arith.addi %mul3A_17, %add3A_18 : i32
    "tpu.region"() ({
      %run_scoped3A = tpu.sem_alloc : memref<!tpu.dma_semaphore, #tpu.memory_space<semaphore_mem>>
      %dma_start3A = arith.constant 0 : i32
      %dma_start3A_40 = tpu.memref_slice %arg12[%add3A_19, %dma_start3A] : memref<10240x128xf32, #tpu.memory_space<vmem_shared>> -> memref<128x128xf32, #tpu.memory_space<vmem_shared>>
      %dma_start3A_41 = arith.constant 0 : i32
      %dma_start3A_42 = tpu.memref_slice %arg12[%add3A_19, %dma_start3A_41] : memref<10240x128xf32, #tpu.memory_space<vmem_shared>> -> memref<128x128xf32, #tpu.memory_space<vmem_shared>>
      tpu.enqueue_dma source(%arg10 : memref<128x128xf32, #tpu.memory_space<vmem>>) target(%dma_start3A_42 : memref<128x128xf32, #tpu.memory_space<vmem_shared>>) target_semaphore(%run_scoped3A : memref<!tpu.dma_semaphore, #tpu.memory_space<semaphore_mem>>)
      %dma_wait3A = arith.constant 0 : i32
      %dma_wait3A_43 = tpu.memref_slice %arg12[%add3A_19, %dma_wait3A] : memref<10240x128xf32, #tpu.memory_space<vmem_shared>> -> memref<128x128xf32, #tpu.memory_space<vmem_shared>>
      %dma_wait3A_44 = arith.constant 0 : i32
      %dma_wait3A_45 = tpu.memref_slice %arg12[%add3A_19, %dma_wait3A_44] : memref<10240x128xf32, #tpu.memory_space<vmem_shared>> -> memref<128x128xf32, #tpu.memory_space<vmem_shared>>
      tpu.wait_dma2 semaphore(%run_scoped3A : memref<!tpu.dma_semaphore, #tpu.memory_space<semaphore_mem>>) src(%arg10 : memref<128x128xf32, #tpu.memory_space<vmem>>) dst(%dma_wait3A_45 : memref<128x128xf32, #tpu.memory_space<vmem_shared>>)
      tpu.yield
    }) : () -> ()
    %mul3A_20 = arith.constant 640 : i32
    %mul3A_21 = arith.muli %arg1, %mul3A_20 : i32
    %add3A_22 = arith.constant 384 : i32
    %add3A_23 = arith.addi %mul3A_21, %add3A_22 : i32
    "tpu.region"() ({
      %run_scoped3A = tpu.sem_alloc : memref<!tpu.dma_semaphore, #tpu.memory_space<semaphore_mem>>
      %dma_start3A = arith.constant 0 : i32
      %dma_start3A_40 = tpu.memref_slice %arg12[%add3A_23, %dma_start3A] : memref<10240x128xf32, #tpu.memory_space<vmem_shared>> -> memref<128x128xf32, #tpu.memory_space<vmem_shared>>
      %dma_start3A_41 = arith.constant 0 : i32
      %dma_start3A_42 = tpu.memref_slice %arg12[%add3A_23, %dma_start3A_41] : memref<10240x128xf32, #tpu.memory_space<vmem_shared>> -> memref<128x128xf32, #tpu.memory_space<vmem_shared>>
      tpu.enqueue_dma source(%arg10 : memref<128x128xf32, #tpu.memory_space<vmem>>) target(%dma_start3A_42 : memref<128x128xf32, #tpu.memory_space<vmem_shared>>) target_semaphore(%run_scoped3A : memref<!tpu.dma_semaphore, #tpu.memory_space<semaphore_mem>>)
      %dma_wait3A = arith.constant 0 : i32
      %dma_wait3A_43 = tpu.memref_slice %arg12[%add3A_23, %dma_wait3A] : memref<10240x128xf32, #tpu.memory_space<vmem_shared>> -> memref<128x128xf32, #tpu.memory_space<vmem_shared>>
      %dma_wait3A_44 = arith.constant 0 : i32
      %dma_wait3A_45 = tpu.memref_slice %arg12[%add3A_23, %dma_wait3A_44] : memref<10240x128xf32, #tpu.memory_space<vmem_shared>> -> memref<128x128xf32, #tpu.memory_space<vmem_shared>>
      tpu.wait_dma2 semaphore(%run_scoped3A : memref<!tpu.dma_semaphore, #tpu.memory_space<semaphore_mem>>) src(%arg10 : memref<128x128xf32, #tpu.memory_space<vmem>>) dst(%dma_wait3A_45 : memref<128x128xf32, #tpu.memory_space<vmem_shared>>)
      tpu.yield
    }) : () -> ()
    %mul3A_24 = arith.constant 640 : i32
    %mul3A_25 = arith.muli %arg1, %mul3A_24 : i32
    %add3A_26 = arith.constant 512 : i32
    %add3A_27 = arith.addi %mul3A_25, %add3A_26 : i32
    "tpu.region"() ({
      %run_scoped3A = tpu.sem_alloc : memref<!tpu.dma_semaphore, #tpu.memory_space<semaphore_mem>>
      %dma_start3A = arith.constant 0 : i32
      %dma_start3A_40 = tpu.memref_slice %arg12[%add3A_27, %dma_start3A] : memref<10240x128xf32, #tpu.memory_space<vmem_shared>> -> memref<128x128xf32, #tpu.memory_space<vmem_shared>>
      %dma_start3A_41 = arith.constant 0 : i32
      %dma_start3A_42 = tpu.memref_slice %arg12[%add3A_27, %dma_start3A_41] : memref<10240x128xf32, #tpu.memory_space<vmem_shared>> -> memref<128x128xf32, #tpu.memory_space<vmem_shared>>
      tpu.enqueue_dma source(%arg10 : memref<128x128xf32, #tpu.memory_space<vmem>>) target(%dma_start3A_42 : memref<128x128xf32, #tpu.memory_space<vmem_shared>>) target_semaphore(%run_scoped3A : memref<!tpu.dma_semaphore, #tpu.memory_space<semaphore_mem>>)
      %dma_wait3A = arith.constant 0 : i32
      %dma_wait3A_43 = tpu.memref_slice %arg12[%add3A_27, %dma_wait3A] : memref<10240x128xf32, #tpu.memory_space<vmem_shared>> -> memref<128x128xf32, #tpu.memory_space<vmem_shared>>
      %dma_wait3A_44 = arith.constant 0 : i32
      %dma_wait3A_45 = tpu.memref_slice %arg12[%add3A_27, %dma_wait3A_44] : memref<10240x128xf32, #tpu.memory_space<vmem_shared>> -> memref<128x128xf32, #tpu.memory_space<vmem_shared>>
      tpu.wait_dma2 semaphore(%run_scoped3A : memref<!tpu.dma_semaphore, #tpu.memory_space<semaphore_mem>>) src(%arg10 : memref<128x128xf32, #tpu.memory_space<vmem>>) dst(%dma_wait3A_45 : memref<128x128xf32, #tpu.memory_space<vmem_shared>>)
      tpu.yield
    }) : () -> ()
    %barrier3A = arith.constant 0 : index
    tpu.barrier barrier_id(%barrier3A)
    %scan3A_28 = arith.constant 0 : i32
    %scan3A_29 = arith.constant 0 : i32
    %scan3A_30 = arith.constant 5 : i32
    %scan3A_31 = arith.addi %scan3A_29, %scan3A_30 : i32
    %scan3A_32 = arith.constant 1 : i32
    %scan3A_33 = scf.for %scan3A_40 = %scan3A_29 to %scan3A_31 step %scan3A_32 iter_args(%scan3A_41 = %scan3A_28) -> (i32)  : i32 {
      %mul3A_42 = arith.constant 16 : i32
      %mul3A_43 = arith.muli %scan3A_40, %mul3A_42 : i32
      "tpu.region"() ({
        %run_scoped3A = tpu.sem_alloc : memref<!tpu.dma_semaphore, #tpu.memory_space<semaphore_mem>>
        %dma_start3A = arith.constant 0 : i32
        %dma_start3A_58 = tpu.memref_slice %arg3[%add3A, %mul3A_43, %dma_start3A] : memref<32x80x128xi32, #tpu.memory_space<hbm>> -> memref<1x16x128xi32, #tpu.memory_space<hbm>>
        %dma_start3A_59 = tpu.memref_squeeze %dma_start3A_58 : memref<1x16x128xi32, #tpu.memory_space<hbm>> -> memref<16x128xi32, #tpu.memory_space<hbm>>
        %dma_start3A_60 = arith.constant 0 : i32
        %dma_start3A_61 = tpu.memref_slice %arg3[%add3A, %mul3A_43, %dma_start3A_60] : memref<32x80x128xi32, #tpu.memory_space<hbm>> -> memref<1x16x128xi32, #tpu.memory_space<hbm>>
        %dma_start3A_62 = tpu.memref_squeeze %dma_start3A_61 : memref<1x16x128xi32, #tpu.memory_space<hbm>> -> memref<16x128xi32, #tpu.memory_space<hbm>>
        tpu.enqueue_dma source(%dma_start3A_62 : memref<16x128xi32, #tpu.memory_space<hbm>>) target(%arg7 : memref<16x128xi32, #tpu.memory_space<vmem>>) target_semaphore(%run_scoped3A : memref<!tpu.dma_semaphore, #tpu.memory_space<semaphore_mem>>)
        %dma_wait3A = arith.constant 0 : i32
        %dma_wait3A_63 = tpu.memref_slice %arg3[%add3A, %mul3A_43, %dma_wait3A] : memref<32x80x128xi32, #tpu.memory_space<hbm>> -> memref<1x16x128xi32, #tpu.memory_space<hbm>>
        %dma_wait3A_64 = tpu.memref_squeeze %dma_wait3A_63 : memref<1x16x128xi32, #tpu.memory_space<hbm>> -> memref<16x128xi32, #tpu.memory_space<hbm>>
        %dma_wait3A_65 = arith.constant 0 : i32
        %dma_wait3A_66 = tpu.memref_slice %arg3[%add3A, %mul3A_43, %dma_wait3A_65] : memref<32x80x128xi32, #tpu.memory_space<hbm>> -> memref<1x16x128xi32, #tpu.memory_space<hbm>>
        %dma_wait3A_67 = tpu.memref_squeeze %dma_wait3A_66 : memref<1x16x128xi32, #tpu.memory_space<hbm>> -> memref<16x128xi32, #tpu.memory_space<hbm>>
        tpu.wait_dma2 semaphore(%run_scoped3A : memref<!tpu.dma_semaphore, #tpu.memory_space<semaphore_mem>>) src(%dma_wait3A_67 : memref<16x128xi32, #tpu.memory_space<hbm>>) dst(%arg7 : memref<16x128xi32, #tpu.memory_space<vmem>>)
        tpu.yield
      }) : () -> ()
      %mul3A_44 = arith.constant 16 : i32
      %mul3A_45 = arith.muli %scan3A_40, %mul3A_44 : i32
      "tpu.region"() ({
        %run_scoped3A = tpu.sem_alloc : memref<!tpu.dma_semaphore, #tpu.memory_space<semaphore_mem>>
        %dma_start3A = arith.constant 0 : i32
        %dma_start3A_58 = tpu.memref_slice %arg4[%add3A, %mul3A_45, %dma_start3A] : memref<32x80x128xi32, #tpu.memory_space<hbm>> -> memref<1x16x128xi32, #tpu.memory_space<hbm>>
        %dma_start3A_59 = tpu.memref_squeeze %dma_start3A_58 : memref<1x16x128xi32, #tpu.memory_space<hbm>> -> memref<16x128xi32, #tpu.memory_space<hbm>>
        %dma_start3A_60 = arith.constant 0 : i32
        %dma_start3A_61 = tpu.memref_slice %arg4[%add3A, %mul3A_45, %dma_start3A_60] : memref<32x80x128xi32, #tpu.memory_space<hbm>> -> memref<1x16x128xi32, #tpu.memory_space<hbm>>
        %dma_start3A_62 = tpu.memref_squeeze %dma_start3A_61 : memref<1x16x128xi32, #tpu.memory_space<hbm>> -> memref<16x128xi32, #tpu.memory_space<hbm>>
        tpu.enqueue_dma source(%dma_start3A_62 : memref<16x128xi32, #tpu.memory_space<hbm>>) target(%arg8 : memref<16x128xi32, #tpu.memory_space<vmem>>) target_semaphore(%run_scoped3A : memref<!tpu.dma_semaphore, #tpu.memory_space<semaphore_mem>>)
        %dma_wait3A = arith.constant 0 : i32
        %dma_wait3A_63 = tpu.memref_slice %arg4[%add3A, %mul3A_45, %dma_wait3A] : memref<32x80x128xi32, #tpu.memory_space<hbm>> -> memref<1x16x128xi32, #tpu.memory_space<hbm>>
        %dma_wait3A_64 = tpu.memref_squeeze %dma_wait3A_63 : memref<1x16x128xi32, #tpu.memory_space<hbm>> -> memref<16x128xi32, #tpu.memory_space<hbm>>
        %dma_wait3A_65 = arith.constant 0 : i32
        %dma_wait3A_66 = tpu.memref_slice %arg4[%add3A, %mul3A_45, %dma_wait3A_65] : memref<32x80x128xi32, #tpu.memory_space<hbm>> -> memref<1x16x128xi32, #tpu.memory_space<hbm>>
        %dma_wait3A_67 = tpu.memref_squeeze %dma_wait3A_66 : memref<1x16x128xi32, #tpu.memory_space<hbm>> -> memref<16x128xi32, #tpu.memory_space<hbm>>
        tpu.wait_dma2 semaphore(%run_scoped3A : memref<!tpu.dma_semaphore, #tpu.memory_space<semaphore_mem>>) src(%dma_wait3A_67 : memref<16x128xi32, #tpu.memory_space<hbm>>) dst(%arg8 : memref<16x128xi32, #tpu.memory_space<vmem>>)
        tpu.yield
      }) : () -> ()
      %mul3A_46 = arith.constant 16 : i32
      %mul3A_47 = arith.muli %scan3A_40, %mul3A_46 : i32
      %mul3A_48 = arith.constant 128 : i32
      %mul3A_49 = arith.muli %mul3A_47, %mul3A_48 : i32
      "tpu.region"() ({
        %run_scoped3A = tpu.sem_alloc : memref<!tpu.dma_semaphore, #tpu.memory_space<semaphore_mem>>
        %dma_start3A = tpu.memref_slice %arg5[%add3A, %mul3A_49] : memref<32x10240xf32, #tpu.memory_space<hbm>> -> memref<1x2048xf32, #tpu.memory_space<hbm>>
        %dma_start3A_58 = tpu.memref_squeeze %dma_start3A : memref<1x2048xf32, #tpu.memory_space<hbm>> -> memref<2048xf32, #tpu.memory_space<hbm>>
        %dma_start3A_59 = tpu.memref_slice %arg5[%add3A, %mul3A_49] : memref<32x10240xf32, #tpu.memory_space<hbm>> -> memref<1x2048xf32, #tpu.memory_space<hbm>>
        %dma_start3A_60 = tpu.memref_squeeze %dma_start3A_59 : memref<1x2048xf32, #tpu.memory_space<hbm>> -> memref<2048xf32, #tpu.memory_space<hbm>>
        tpu.enqueue_dma source(%dma_start3A_60 : memref<2048xf32, #tpu.memory_space<hbm>>) target(%arg9 : memref<2048xf32, #tpu.memory_space<vmem>>) target_semaphore(%run_scoped3A : memref<!tpu.dma_semaphore, #tpu.memory_space<semaphore_mem>>)
        %dma_wait3A = tpu.memref_slice %arg5[%add3A, %mul3A_49] : memref<32x10240xf32, #tpu.memory_space<hbm>> -> memref<1x2048xf32, #tpu.memory_space<hbm>>
        %dma_wait3A_61 = tpu.memref_squeeze %dma_wait3A : memref<1x2048xf32, #tpu.memory_space<hbm>> -> memref<2048xf32, #tpu.memory_space<hbm>>
        %dma_wait3A_62 = tpu.memref_slice %arg5[%add3A, %mul3A_49] : memref<32x10240xf32, #tpu.memory_space<hbm>> -> memref<1x2048xf32, #tpu.memory_space<hbm>>
        %dma_wait3A_63 = tpu.memref_squeeze %dma_wait3A_62 : memref<1x2048xf32, #tpu.memory_space<hbm>> -> memref<2048xf32, #tpu.memory_space<hbm>>
        tpu.wait_dma2 semaphore(%run_scoped3A : memref<!tpu.dma_semaphore, #tpu.memory_space<semaphore_mem>>) src(%dma_wait3A_63 : memref<2048xf32, #tpu.memory_space<hbm>>) dst(%arg9 : memref<2048xf32, #tpu.memory_space<vmem>>)
        tpu.yield
      }) : () -> ()
      %scan3A_50 = arith.constant 0 : i32
      %scan3A_51 = arith.constant 0 : i32
      %scan3A_52 = arith.constant 16 : i32
      %scan3A_53 = arith.addi %scan3A_51, %scan3A_52 : i32
      %scan3A_54 = arith.constant 1 : i32
      %scan3A_55 = scf.for %scan3A_58 = %scan3A_51 to %scan3A_53 step %scan3A_54 iter_args(%scan3A_59 = %scan3A_50) -> (i32)  : i32 {
        "tpu.region"() ({
          %run_scoped3A = tpu.sem_alloc : memref<!tpu.dma_semaphore, #tpu.memory_space<semaphore_mem>>
          %dma_start3A = arith.constant 0 : i32
          %dma_start3A_68 = tpu.memref_slice %arg7[%scan3A_58, %dma_start3A] : memref<16x128xi32, #tpu.memory_space<vmem>> -> memref<1x128xi32, #tpu.memory_space<vmem>>
          %dma_start3A_69 = tpu.memref_squeeze %dma_start3A_68 : memref<1x128xi32, #tpu.memory_space<vmem>> -> memref<128xi32, #tpu.memory_space<vmem>>
          %dma_start3A_70 = arith.constant 0 : i32
          %dma_start3A_71 = arith.constant 0 : i32
          %dma_start3A_72 = tpu.memref_slice %arg2[%dma_start3A_70, %dma_start3A_71] : memref<10240x128xf32, #tpu.memory_space<hbm>> -> memref<10240x128xf32, #tpu.memory_space<hbm>>
          tpu.enqueue_indirect_dma source(%dma_start3A_72 : memref<10240x128xf32, #tpu.memory_space<hbm>>) target(%arg10 : memref<128x128xf32, #tpu.memory_space<vmem>>) offsets(%dma_start3A_69 : memref<128xi32, #tpu.memory_space<vmem>>) semaphore(%run_scoped3A : memref<!tpu.dma_semaphore, #tpu.memory_space<semaphore_mem>>)
          %dma_wait3A = arith.constant 0 : i32
          %dma_wait3A_73 = tpu.memref_slice %arg7[%scan3A_58, %dma_wait3A] : memref<16x128xi32, #tpu.memory_space<vmem>> -> memref<1x128xi32, #tpu.memory_space<vmem>>
          %dma_wait3A_74 = tpu.memref_squeeze %dma_wait3A_73 : memref<1x128xi32, #tpu.memory_space<vmem>> -> memref<128xi32, #tpu.memory_space<vmem>>
          %dma_wait3A_75 = arith.constant 0 : i32
          %dma_wait3A_76 = arith.constant 0 : i32
          %dma_wait3A_77 = tpu.memref_slice %arg2[%dma_wait3A_75, %dma_wait3A_76] : memref<10240x128xf32, #tpu.memory_space<hbm>> -> memref<10240x128xf32, #tpu.memory_space<hbm>>
          tpu.wait_indirect_dma semaphore(%run_scoped3A : memref<!tpu.dma_semaphore, #tpu.memory_space<semaphore_mem>>) src(%dma_wait3A_77 : memref<10240x128xf32, #tpu.memory_space<hbm>>) dst(%arg10 : memref<128x128xf32, #tpu.memory_space<vmem>>)
          tpu.yield
        }) : () -> ()
        %scan3A_60 = arith.constant 0 : i32
        %scan3A_61 = arith.constant 0 : i32
        %scan3A_62 = arith.constant 128 : i32
        %scan3A_63 = arith.addi %scan3A_61, %scan3A_62 : i32
        %scan3A_64 = arith.constant 2 : i32
        %scan3A_65 = scf.for %scan3A_68 = %scan3A_61 to %scan3A_63 step %scan3A_64 iter_args(%scan3A_69 = %scan3A_60) -> (i32)  : i32 {
          %mul3A_70 = arith.constant 128 : i32
          %mul3A_71 = arith.muli %scan3A_58, %mul3A_70 : i32
          %add3A_72 = arith.addi %mul3A_71, %scan3A_68 : i32
          %broadcast_in_dim3A_73 = vector.broadcast %add3A_72 : i32 to vector<16xi32>
          %gather3A = tpu.vector_load_idx %arg9[%broadcast_in_dim3A_73] : memref<2048xf32, #tpu.memory_space<vmem>>[vector<16xi32>], vector<16xf32>,
          %get3A = arith.index_cast %scan3A_68 : i32 to index
          %get3A_74 = arith.constant 0 : index
          %get3A_75 = tpu.vector_load %arg10[%get3A, %get3A_74] {strides = array<i32>} : memref<128x128xf32, #tpu.memory_space<vmem>>, vector<16xf32>,
          %mul3A_76 = arith.mulf %get3A_75, %gather3A : vector<16xf32>
          %swap3A = arith.index_cast %scan3A_68 : i32 to index
          %swap3A_77 = arith.constant 0 : index
          %swap3A_78 = tpu.vector_load %arg11[%swap3A, %swap3A_77] {strides = array<i32>} : memref<128x128xf32, #tpu.memory_space<vmem>>, vector<16xf32>,
          tpu.vector_store %arg11[%swap3A, %swap3A_77], %mul3A_76 {strides = array<i32>} : memref<128x128xf32, #tpu.memory_space<vmem>>, vector<16xf32>,
          %get3A_79 = arith.index_cast %scan3A_68 : i32 to index
          %get3A_80 = arith.constant 16 : index
          %get3A_81 = tpu.vector_load %arg10[%get3A_79, %get3A_80] {strides = array<i32>} : memref<128x128xf32, #tpu.memory_space<vmem>>, vector<16xf32>,
          %mul3A_82 = arith.mulf %get3A_81, %gather3A : vector<16xf32>
          %swap3A_83 = arith.index_cast %scan3A_68 : i32 to index
          %swap3A_84 = arith.constant 16 : index
          %swap3A_85 = tpu.vector_load %arg11[%swap3A_83, %swap3A_84] {strides = array<i32>} : memref<128x128xf32, #tpu.memory_space<vmem>>, vector<16xf32>,
          tpu.vector_store %arg11[%swap3A_83, %swap3A_84], %mul3A_82 {strides = array<i32>} : memref<128x128xf32, #tpu.memory_space<vmem>>, vector<16xf32>,
          %get3A_86 = arith.index_cast %scan3A_68 : i32 to index
          %get3A_87 = arith.constant 32 : index
          %get3A_88 = tpu.vector_load %arg10[%get3A_86, %get3A_87] {strides = array<i32>} : memref<128x128xf32, #tpu.memory_space<vmem>>, vector<16xf32>,
          %mul3A_89 = arith.mulf %get3A_88, %gather3A : vector<16xf32>
          %swap3A_90 = arith.index_cast %scan3A_68 : i32 to index
          %swap3A_91 = arith.constant 32 : index
          %swap3A_92 = tpu.vector_load %arg11[%swap3A_90, %swap3A_91] {strides = array<i32>} : memref<128x128xf32, #tpu.memory_space<vmem>>, vector<16xf32>,
          tpu.vector_store %arg11[%swap3A_90, %swap3A_91], %mul3A_89 {strides = array<i32>} : memref<128x128xf32, #tpu.memory_space<vmem>>, vector<16xf32>,
          %get3A_93 = arith.index_cast %scan3A_68 : i32 to index
          %get3A_94 = arith.constant 48 : index
          %get3A_95 = tpu.vector_load %arg10[%get3A_93, %get3A_94] {strides = array<i32>} : memref<128x128xf32, #tpu.memory_space<vmem>>, vector<16xf32>,
          %mul3A_96 = arith.mulf %get3A_95, %gather3A : vector<16xf32>
          %swap3A_97 = arith.index_cast %scan3A_68 : i32 to index
          %swap3A_98 = arith.constant 48 : index
          %swap3A_99 = tpu.vector_load %arg11[%swap3A_97, %swap3A_98] {strides = array<i32>} : memref<128x128xf32, #tpu.memory_space<vmem>>, vector<16xf32>,
          tpu.vector_store %arg11[%swap3A_97, %swap3A_98], %mul3A_96 {strides = array<i32>} : memref<128x128xf32, #tpu.memory_space<vmem>>, vector<16xf32>,
          %get3A_100 = arith.index_cast %scan3A_68 : i32 to index
          %get3A_101 = arith.constant 64 : index
          %get3A_102 = tpu.vector_load %arg10[%get3A_100, %get3A_101] {strides = array<i32>} : memref<128x128xf32, #tpu.memory_space<vmem>>, vector<16xf32>,
          %mul3A_103 = arith.mulf %get3A_102, %gather3A : vector<16xf32>
          %swap3A_104 = arith.index_cast %scan3A_68 : i32 to index
          %swap3A_105 = arith.constant 64 : index
          %swap3A_106 = tpu.vector_load %arg11[%swap3A_104, %swap3A_105] {strides = array<i32>} : memref<128x128xf32, #tpu.memory_space<vmem>>, vector<16xf32>,
          tpu.vector_store %arg11[%swap3A_104, %swap3A_105], %mul3A_103 {strides = array<i32>} : memref<128x128xf32, #tpu.memory_space<vmem>>, vector<16xf32>,
          %get3A_107 = arith.index_cast %scan3A_68 : i32 to index
          %get3A_108 = arith.constant 80 : index
          %get3A_109 = tpu.vector_load %arg10[%get3A_107, %get3A_108] {strides = array<i32>} : memref<128x128xf32, #tpu.memory_space<vmem>>, vector<16xf32>,
          %mul3A_110 = arith.mulf %get3A_109, %gather3A : vector<16xf32>
          %swap3A_111 = arith.index_cast %scan3A_68 : i32 to index
          %swap3A_112 = arith.constant 80 : index
          %swap3A_113 = tpu.vector_load %arg11[%swap3A_111, %swap3A_112] {strides = array<i32>} : memref<128x128xf32, #tpu.memory_space<vmem>>, vector<16xf32>,
          tpu.vector_store %arg11[%swap3A_111, %swap3A_112], %mul3A_110 {strides = array<i32>} : memref<128x128xf32, #tpu.memory_space<vmem>>, vector<16xf32>,
          %get3A_114 = arith.index_cast %scan3A_68 : i32 to index
          %get3A_115 = arith.constant 96 : index
          %get3A_116 = tpu.vector_load %arg10[%get3A_114, %get3A_115] {strides = array<i32>} : memref<128x128xf32, #tpu.memory_space<vmem>>, vector<16xf32>,
          %mul3A_117 = arith.mulf %get3A_116, %gather3A : vector<16xf32>
          %swap3A_118 = arith.index_cast %scan3A_68 : i32 to index
          %swap3A_119 = arith.constant 96 : index
          %swap3A_120 = tpu.vector_load %arg11[%swap3A_118, %swap3A_119] {strides = array<i32>} : memref<128x128xf32, #tpu.memory_space<vmem>>, vector<16xf32>,
          tpu.vector_store %arg11[%swap3A_118, %swap3A_119], %mul3A_117 {strides = array<i32>} : memref<128x128xf32, #tpu.memory_space<vmem>>, vector<16xf32>,
          %get3A_121 = arith.index_cast %scan3A_68 : i32 to index
          %get3A_122 = arith.constant 112 : index
          %get3A_123 = tpu.vector_load %arg10[%get3A_121, %get3A_122] {strides = array<i32>} : memref<128x128xf32, #tpu.memory_space<vmem>>, vector<16xf32>,
          %mul3A_124 = arith.mulf %get3A_123, %gather3A : vector<16xf32>
          %swap3A_125 = arith.index_cast %scan3A_68 : i32 to index
          %swap3A_126 = arith.constant 112 : index
          %swap3A_127 = tpu.vector_load %arg11[%swap3A_125, %swap3A_126] {strides = array<i32>} : memref<128x128xf32, #tpu.memory_space<vmem>>, vector<16xf32>,
          tpu.vector_store %arg11[%swap3A_125, %swap3A_126], %mul3A_124 {strides = array<i32>} : memref<128x128xf32, #tpu.memory_space<vmem>>, vector<16xf32>,
          %scan3A_128 = arith.constant 0 : i32
          %scan3A_129 = arith.constant 1 : i32
          %scan3A_130 = arith.addi %scan3A_68, %scan3A_129 : i32
          %mul3A_131 = arith.constant 128 : i32
          %mul3A_132 = arith.muli %scan3A_58, %mul3A_131 : i32
          %add3A_133 = arith.addi %mul3A_132, %scan3A_130 : i32
          %broadcast_in_dim3A_134 = vector.broadcast %add3A_133 : i32 to vector<16xi32>
          %gather3A_135 = tpu.vector_load_idx %arg9[%broadcast_in_dim3A_134] : memref<2048xf32, #tpu.memory_space<vmem>>[vector<16xi32>], vector<16xf32>,
          %get3A_136 = arith.index_cast %scan3A_130 : i32 to index
          %get3A_137 = arith.constant 0 : index
          %get3A_138 = tpu.vector_load %arg10[%get3A_136, %get3A_137] {strides = array<i32>} : memref<128x128xf32, #tpu.memory_space<vmem>>, vector<16xf32>,
          %mul3A_139 = arith.mulf %get3A_138, %gather3A_135 : vector<16xf32>
          %swap3A_140 = arith.index_cast %scan3A_130 : i32 to index
          %swap3A_141 = arith.constant 0 : index
          %swap3A_142 = tpu.vector_load %arg11[%swap3A_140, %swap3A_141] {strides = array<i32>} : memref<128x128xf32, #tpu.memory_space<vmem>>, vector<16xf32>,
          tpu.vector_store %arg11[%swap3A_140, %swap3A_141], %mul3A_139 {strides = array<i32>} : memref<128x128xf32, #tpu.memory_space<vmem>>, vector<16xf32>,
          %get3A_143 = arith.index_cast %scan3A_130 : i32 to index
          %get3A_144 = arith.constant 16 : index
          %get3A_145 = tpu.vector_load %arg10[%get3A_143, %get3A_144] {strides = array<i32>} : memref<128x128xf32, #tpu.memory_space<vmem>>, vector<16xf32>,
          %mul3A_146 = arith.mulf %get3A_145, %gather3A_135 : vector<16xf32>
          %swap3A_147 = arith.index_cast %scan3A_130 : i32 to index
          %swap3A_148 = arith.constant 16 : index
          %swap3A_149 = tpu.vector_load %arg11[%swap3A_147, %swap3A_148] {strides = array<i32>} : memref<128x128xf32, #tpu.memory_space<vmem>>, vector<16xf32>,
          tpu.vector_store %arg11[%swap3A_147, %swap3A_148], %mul3A_146 {strides = array<i32>} : memref<128x128xf32, #tpu.memory_space<vmem>>, vector<16xf32>,
          %get3A_150 = arith.index_cast %scan3A_130 : i32 to index
          %get3A_151 = arith.constant 32 : index
          %get3A_152 = tpu.vector_load %arg10[%get3A_150, %get3A_151] {strides = array<i32>} : memref<128x128xf32, #tpu.memory_space<vmem>>, vector<16xf32>,
          %mul3A_153 = arith.mulf %get3A_152, %gather3A_135 : vector<16xf32>
          %swap3A_154 = arith.index_cast %scan3A_130 : i32 to index
          %swap3A_155 = arith.constant 32 : index
          %swap3A_156 = tpu.vector_load %arg11[%swap3A_154, %swap3A_155] {strides = array<i32>} : memref<128x128xf32, #tpu.memory_space<vmem>>, vector<16xf32>,
          tpu.vector_store %arg11[%swap3A_154, %swap3A_155], %mul3A_153 {strides = array<i32>} : memref<128x128xf32, #tpu.memory_space<vmem>>, vector<16xf32>,
          %get3A_157 = arith.index_cast %scan3A_130 : i32 to index
          %get3A_158 = arith.constant 48 : index
          %get3A_159 = tpu.vector_load %arg10[%get3A_157, %get3A_158] {strides = array<i32>} : memref<128x128xf32, #tpu.memory_space<vmem>>, vector<16xf32>,
          %mul3A_160 = arith.mulf %get3A_159, %gather3A_135 : vector<16xf32>
          %swap3A_161 = arith.index_cast %scan3A_130 : i32 to index
          %swap3A_162 = arith.constant 48 : index
          %swap3A_163 = tpu.vector_load %arg11[%swap3A_161, %swap3A_162] {strides = array<i32>} : memref<128x128xf32, #tpu.memory_space<vmem>>, vector<16xf32>,
          tpu.vector_store %arg11[%swap3A_161, %swap3A_162], %mul3A_160 {strides = array<i32>} : memref<128x128xf32, #tpu.memory_space<vmem>>, vector<16xf32>,
          %get3A_164 = arith.index_cast %scan3A_130 : i32 to index
          %get3A_165 = arith.constant 64 : index
          %get3A_166 = tpu.vector_load %arg10[%get3A_164, %get3A_165] {strides = array<i32>} : memref<128x128xf32, #tpu.memory_space<vmem>>, vector<16xf32>,
          %mul3A_167 = arith.mulf %get3A_166, %gather3A_135 : vector<16xf32>
          %swap3A_168 = arith.index_cast %scan3A_130 : i32 to index
          %swap3A_169 = arith.constant 64 : index
          %swap3A_170 = tpu.vector_load %arg11[%swap3A_168, %swap3A_169] {strides = array<i32>} : memref<128x128xf32, #tpu.memory_space<vmem>>, vector<16xf32>,
          tpu.vector_store %arg11[%swap3A_168, %swap3A_169], %mul3A_167 {strides = array<i32>} : memref<128x128xf32, #tpu.memory_space<vmem>>, vector<16xf32>,
          %get3A_171 = arith.index_cast %scan3A_130 : i32 to index
          %get3A_172 = arith.constant 80 : index
          %get3A_173 = tpu.vector_load %arg10[%get3A_171, %get3A_172] {strides = array<i32>} : memref<128x128xf32, #tpu.memory_space<vmem>>, vector<16xf32>,
          %mul3A_174 = arith.mulf %get3A_173, %gather3A_135 : vector<16xf32>
          %swap3A_175 = arith.index_cast %scan3A_130 : i32 to index
          %swap3A_176 = arith.constant 80 : index
          %swap3A_177 = tpu.vector_load %arg11[%swap3A_175, %swap3A_176] {strides = array<i32>} : memref<128x128xf32, #tpu.memory_space<vmem>>, vector<16xf32>,
          tpu.vector_store %arg11[%swap3A_175, %swap3A_176], %mul3A_174 {strides = array<i32>} : memref<128x128xf32, #tpu.memory_space<vmem>>, vector<16xf32>,
          %get3A_178 = arith.index_cast %scan3A_130 : i32 to index
          %get3A_179 = arith.constant 96 : index
          %get3A_180 = tpu.vector_load %arg10[%get3A_178, %get3A_179] {strides = array<i32>} : memref<128x128xf32, #tpu.memory_space<vmem>>, vector<16xf32>,
          %mul3A_181 = arith.mulf %get3A_180, %gather3A_135 : vector<16xf32>
          %swap3A_182 = arith.index_cast %scan3A_130 : i32 to index
          %swap3A_183 = arith.constant 96 : index
          %swap3A_184 = tpu.vector_load %arg11[%swap3A_182, %swap3A_183] {strides = array<i32>} : memref<128x128xf32, #tpu.memory_space<vmem>>, vector<16xf32>,
          tpu.vector_store %arg11[%swap3A_182, %swap3A_183], %mul3A_181 {strides = array<i32>} : memref<128x128xf32, #tpu.memory_space<vmem>>, vector<16xf32>,
          %get3A_185 = arith.index_cast %scan3A_130 : i32 to index
          %get3A_186 = arith.constant 112 : index
          %get3A_187 = tpu.vector_load %arg10[%get3A_185, %get3A_186] {strides = array<i32>} : memref<128x128xf32, #tpu.memory_space<vmem>>, vector<16xf32>,
          %mul3A_188 = arith.mulf %get3A_187, %gather3A_135 : vector<16xf32>
          %swap3A_189 = arith.index_cast %scan3A_130 : i32 to index
          %swap3A_190 = arith.constant 112 : index
          %swap3A_191 = tpu.vector_load %arg11[%swap3A_189, %swap3A_190] {strides = array<i32>} : memref<128x128xf32, #tpu.memory_space<vmem>>, vector<16xf32>,
          tpu.vector_store %arg11[%swap3A_189, %swap3A_190], %mul3A_188 {strides = array<i32>} : memref<128x128xf32, #tpu.memory_space<vmem>>, vector<16xf32>,
          %scan3A_192 = arith.constant 0 : i32
          scf.yield %scan3A_192 : i32
        }
        %scan3A_66 = arith.constant 128 : i32
        "tpu.region"() ({
          %run_scoped3A = tpu.sem_alloc : memref<!tpu.dma_semaphore, #tpu.memory_space<semaphore_mem>>
          %dma_start3A = arith.constant 0 : i32
          %dma_start3A_68 = tpu.memref_slice %arg8[%scan3A_58, %dma_start3A] : memref<16x128xi32, #tpu.memory_space<vmem>> -> memref<1x128xi32, #tpu.memory_space<vmem>>
          %dma_start3A_69 = tpu.memref_squeeze %dma_start3A_68 : memref<1x128xi32, #tpu.memory_space<vmem>> -> memref<128xi32, #tpu.memory_space<vmem>>
          %dma_start3A_70 = arith.constant 0 : i32
          %dma_start3A_71 = arith.constant 0 : i32
          %dma_start3A_72 = tpu.memref_slice %arg12[%dma_start3A_70, %dma_start3A_71] : memref<10240x128xf32, #tpu.memory_space<vmem_shared>> -> memref<10240x128xf32, #tpu.memory_space<vmem_shared>>
          tpu.enqueue_indirect_dma source(%arg11 : memref<128x128xf32, #tpu.memory_space<vmem>>) target(%dma_start3A_72 : memref<10240x128xf32, #tpu.memory_space<vmem_shared>>) offsets(%dma_start3A_69 : memref<128xi32, #tpu.memory_space<vmem>>) semaphore(%run_scoped3A : memref<!tpu.dma_semaphore, #tpu.memory_space<semaphore_mem>>) {add = true}
          %dma_wait3A = arith.constant 0 : i32
          %dma_wait3A_73 = tpu.memref_slice %arg8[%scan3A_58, %dma_wait3A] : memref<16x128xi32, #tpu.memory_space<vmem>> -> memref<1x128xi32, #tpu.memory_space<vmem>>
          %dma_wait3A_74 = tpu.memref_squeeze %dma_wait3A_73 : memref<1x128xi32, #tpu.memory_space<vmem>> -> memref<128xi32, #tpu.memory_space<vmem>>
          %dma_wait3A_75 = arith.constant 0 : i32
          %dma_wait3A_76 = arith.constant 0 : i32
          %dma_wait3A_77 = tpu.memref_slice %arg12[%dma_wait3A_75, %dma_wait3A_76] : memref<10240x128xf32, #tpu.memory_space<vmem_shared>> -> memref<10240x128xf32, #tpu.memory_space<vmem_shared>>
          tpu.wait_indirect_dma semaphore(%run_scoped3A : memref<!tpu.dma_semaphore, #tpu.memory_space<semaphore_mem>>) src(%arg11 : memref<128x128xf32, #tpu.memory_space<vmem>>) dst(%dma_wait3A_77 : memref<10240x128xf32, #tpu.memory_space<vmem_shared>>)
          tpu.yield
        }) : () -> ()
        %scan3A_67 = arith.constant 0 : i32
        scf.yield %scan3A_67 : i32
      }
      %scan3A_56 = arith.constant 16 : i32
      %scan3A_57 = arith.constant 0 : i32
      scf.yield %scan3A_57 : i32
    }
    %scan3A_34 = arith.constant 5 : i32
    %barrier3A_35 = arith.constant 0 : index
    tpu.barrier barrier_id(%barrier3A_35)
    %mul3A_36 = arith.constant 640 : i32
    %mul3A_37 = arith.muli %arg1, %mul3A_36 : i32
    %mul3A_38 = arith.constant 640 : i32
    %mul3A_39 = arith.muli %arg1, %mul3A_38 : i32
    "tpu.region"() ({
      %run_scoped3A = tpu.sem_alloc : memref<!tpu.dma_semaphore, #tpu.memory_space<semaphore_mem>>
      %dma_start3A = arith.constant 0 : i32
      %dma_start3A_40 = tpu.memref_slice %arg6[%arg0, %mul3A_39, %dma_start3A] : memref<2x10240x128xf32, #tpu.memory_space<hbm>> -> memref<1x640x128xf32, #tpu.memory_space<hbm>>
      %dma_start3A_41 = tpu.memref_squeeze %dma_start3A_40 : memref<1x640x128xf32, #tpu.memory_space<hbm>> -> memref<640x128xf32, #tpu.memory_space<hbm>>
      %dma_start3A_42 = arith.constant 0 : i32
      %dma_start3A_43 = tpu.memref_slice %arg12[%mul3A_37, %dma_start3A_42] : memref<10240x128xf32, #tpu.memory_space<vmem_shared>> -> memref<640x128xf32, #tpu.memory_space<vmem_shared>>
      tpu.enqueue_dma source(%dma_start3A_43 : memref<640x128xf32, #tpu.memory_space<vmem_shared>>) target(%dma_start3A_41 : memref<640x128xf32, #tpu.memory_space<hbm>>) target_semaphore(%run_scoped3A : memref<!tpu.dma_semaphore, #tpu.memory_space<semaphore_mem>>)
      %dma_wait3A = arith.constant 0 : i32
      %dma_wait3A_44 = tpu.memref_slice %arg6[%arg0, %mul3A_39, %dma_wait3A] : memref<2x10240x128xf32, #tpu.memory_space<hbm>> -> memref<1x640x128xf32, #tpu.memory_space<hbm>>
      %dma_wait3A_45 = tpu.memref_squeeze %dma_wait3A_44 : memref<1x640x128xf32, #tpu.memory_space<hbm>> -> memref<640x128xf32, #tpu.memory_space<hbm>>
      %dma_wait3A_46 = arith.constant 0 : i32
      %dma_wait3A_47 = tpu.memref_slice %arg12[%mul3A_37, %dma_wait3A_46] : memref<10240x128xf32, #tpu.memory_space<vmem_shared>> -> memref<640x128xf32, #tpu.memory_space<vmem_shared>>
      tpu.wait_dma2 semaphore(%run_scoped3A : memref<!tpu.dma_semaphore, #tpu.memory_space<semaphore_mem>>) src(%dma_wait3A_47 : memref<640x128xf32, #tpu.memory_space<vmem_shared>>) dst(%dma_wait3A_45 : memref<640x128xf32, #tpu.memory_space<hbm>>)
      tpu.yield
    }) : () -> ()
    return
  }
}

module attributes {stable_mosaic.version = 14 : i64} {
  func.func @_tc_first_body(%arg0: i32, %arg1: memref<256x128xf32, #tpu.memory_space<vmem>>, %arg2: memref<128x128xf32, #tpu.memory_space<vmem>>, %arg3: memref<2x256x1xf32, #tpu.memory_space<vmem>>, %arg4: memref<256x128xf32, #tpu.memory_space<vmem>>, %arg5: memref<256x1xf32, #tpu.memory_space<vmem>>) attributes {dimension_semantics = [#tpu.dimension_semantics<arbitrary>], iteration_bounds = array<i64: 40>, scalar_prefetch = 0 : i64, scratch_operands = 0 : i64, tpu.core_type = #tpu.core_type<tc>, window_params = [{transform_indices = @transform_0, window_bounds = array<i64: 256, 128>}, {pipeline_mode = #tpu.pipeline_mode<synchronous>, transform_indices = @transform_1, window_bounds = array<i64: 128, 128>}, {transform_indices = @transform_2, window_bounds = array<i64: 2, 256, 1>}, {transform_indices = @transform_3, window_bounds = array<i64: 256, 128>}, {transform_indices = @transform_4, window_bounds = array<i64: 256, 1>}]} {
    %get3A = arith.constant 0 : index
    %get3A_0 = arith.constant 0 : index
    %get3A_1 = arith.constant 0 : index
    %get3A_2 = vector.load %arg3[%get3A, %get3A_0, %get3A_1] : memref<2x256x1xf32, #tpu.memory_space<vmem>>, vector<1x256x1xf32>
    %get3A_3 = vector.shape_cast %get3A_2 : vector<1x256x1xf32> to vector<256x1xf32>
    %get3A_4 = arith.constant 1 : index
    %get3A_5 = arith.constant 0 : index
    %get3A_6 = arith.constant 0 : index
    %get3A_7 = vector.load %arg3[%get3A_4, %get3A_5, %get3A_6] : memref<2x256x1xf32, #tpu.memory_space<vmem>>, vector<1x256x1xf32>
    %get3A_8 = vector.shape_cast %get3A_7 : vector<1x256x1xf32> to vector<256x1xf32>
    %add3A = arith.addf %get3A_3, %get3A_8 : vector<256x1xf32>
    %add3A_9 = arith.constant 1.000000e+00 : f32
    %add3A_10 = vector.broadcast %add3A_9 : f32 to vector<256x1xf32>
    %add3A_11 = arith.addf %add3A, %add3A_10 : vector<256x1xf32>
    %gt3A = arith.constant 0.000000e+00 : f32
    %gt3A_12 = vector.broadcast %gt3A : f32 to vector<256x1xf32>
    %gt3A_13 = arith.cmpf ogt, %add3A_11, %gt3A_12 : vector<256x1xf32>
    %rsqrt3A = math.rsqrt %add3A_11 : vector<256x1xf32>
    %jit3A = arith.constant 0.000000e+00 : f32
    %broadcast_in_dim3A = vector.broadcast %jit3A : f32 to vector<256x1xf32>
    %select_n3A = arith.select %gt3A_13, %rsqrt3A, %broadcast_in_dim3A : vector<256x1xi1>, vector<256x1xf32>
    %get3A_14 = arith.constant 0 : index
    %get3A_15 = arith.constant 0 : index
    %get3A_16 = vector.load %arg1[%get3A_14, %get3A_15] : memref<256x128xf32, #tpu.memory_space<vmem>>, vector<256x128xf32>
    %get3A_17 = arith.constant 0 : index
    %get3A_18 = arith.constant 0 : index
    %get3A_19 = vector.load %arg2[%get3A_17, %get3A_18] : memref<128x128xf32, #tpu.memory_space<vmem>>, vector<128x128xf32>
    %dot_general3A = arith.constant dense<0.000000e+00> : vector<256x128xf32>
    %dot_general3A_20 = tpu.matmul %get3A_16, %get3A_19, %dot_general3A {dimension_numbers = #tpu.dot_dimension_numbers<[1], [1], [0], [0], [0, 0, 1, 0], [], []>, transpose_lhs_hint = false} : vector<256x128xf32>, vector<128x128xf32>, vector<256x128xf32> -> vector<256x128xf32>
    %mul3A = vector.broadcast %select_n3A : vector<256x1xf32> to vector<256x128xf32>
    %mul3A_21 = arith.mulf %mul3A, %dot_general3A_20 : vector<256x128xf32>
    %swap3A = arith.constant 0 : index
    %swap3A_22 = arith.constant 0 : index
    %swap3A_23 = vector.load %arg4[%swap3A, %swap3A_22] : memref<256x128xf32, #tpu.memory_space<vmem>>, vector<256x128xf32>
    tpu.vector_store %arg4[%swap3A, %swap3A_22], %mul3A_21 {strides = array<i32>} : memref<256x128xf32, #tpu.memory_space<vmem>>, vector<256x128xf32>,
    %swap3A_24 = arith.constant 0 : index
    %swap3A_25 = arith.constant 0 : index
    %swap3A_26 = vector.load %arg5[%swap3A_24, %swap3A_25] : memref<256x1xf32, #tpu.memory_space<vmem>>, vector<256x1xf32>
    tpu.vector_store %arg5[%swap3A_24, %swap3A_25], %select_n3A {strides = array<i32>} : memref<256x1xf32, #tpu.memory_space<vmem>>, vector<256x1xf32>,
    return
  }
  func.func @transform_0(%arg0: i32) -> (i32, i32) {
    %c0_i32 = arith.constant 0 : i32
    %c0_i32_0 = arith.constant 0 : i32
    return %arg0, %c0_i32 : i32, i32
  }
  func.func @transform_1(%arg0: i32) -> (i32, i32) {
    %c0_i32 = arith.constant 0 : i32
    %c0_i32_0 = arith.constant 0 : i32
    %c0_i32_1 = arith.constant 0 : i32
    return %c0_i32, %c0_i32_0 : i32, i32
  }
  func.func @transform_2(%arg0: i32) -> (i32, i32, i32) {
    %c0_i32 = arith.constant 0 : i32
    %c0_i32_0 = arith.constant 0 : i32
    %c0_i32_1 = arith.constant 0 : i32
    return %c0_i32, %arg0, %c0_i32_0 : i32, i32, i32
  }
  func.func @transform_3(%arg0: i32) -> (i32, i32) {
    %c0_i32 = arith.constant 0 : i32
    %c0_i32_0 = arith.constant 0 : i32
    return %arg0, %c0_i32 : i32, i32
  }
  func.func @transform_4(%arg0: i32) -> (i32, i32) {
    %c0_i32 = arith.constant 0 : i32
    %c0_i32_0 = arith.constant 0 : i32
    return %arg0, %c0_i32 : i32, i32
  }
}

module attributes {stable_mosaic.version = 14 : i64} {
  func.func @_tc_mid_body(%arg0: i32, %arg1: memref<2x256x128xf32, #tpu.memory_space<vmem>>, %arg2: memref<256x128xf32, #tpu.memory_space<vmem>>, %arg3: memref<256x1xf32, #tpu.memory_space<vmem>>, %arg4: memref<1x128xf32, #tpu.memory_space<vmem>>, %arg5: memref<128x128xf32, #tpu.memory_space<vmem>>, %arg6: memref<256x128xf32, #tpu.memory_space<vmem>>) attributes {dimension_semantics = [#tpu.dimension_semantics<arbitrary>], iteration_bounds = array<i64: 40>, scalar_prefetch = 0 : i64, scratch_operands = 0 : i64, tpu.core_type = #tpu.core_type<tc>, window_params = [{transform_indices = @transform_0, window_bounds = array<i64: 2, 256, 128>}, {transform_indices = @transform_1, window_bounds = array<i64: 256, 128>}, {transform_indices = @transform_2, window_bounds = array<i64: 256, 1>}, {pipeline_mode = #tpu.pipeline_mode<synchronous>, transform_indices = @transform_3, window_bounds = array<i64: 1, 128>}, {pipeline_mode = #tpu.pipeline_mode<synchronous>, transform_indices = @transform_4, window_bounds = array<i64: 128, 128>}, {transform_indices = @transform_5, window_bounds = array<i64: 256, 128>}]} {
    %get3A = arith.constant 0 : index
    %get3A_0 = arith.constant 0 : index
    %get3A_1 = vector.load %arg3[%get3A, %get3A_0] : memref<256x1xf32, #tpu.memory_space<vmem>>, vector<256x1xf32>
    %get3A_2 = arith.constant 0 : index
    %get3A_3 = arith.constant 0 : index
    %get3A_4 = arith.constant 0 : index
    %get3A_5 = vector.load %arg1[%get3A_2, %get3A_3, %get3A_4] : memref<2x256x128xf32, #tpu.memory_space<vmem>>, vector<1x256x128xf32>
    %get3A_6 = vector.shape_cast %get3A_5 : vector<1x256x128xf32> to vector<256x128xf32>
    %get3A_7 = arith.constant 1 : index
    %get3A_8 = arith.constant 0 : index
    %get3A_9 = arith.constant 0 : index
    %get3A_10 = vector.load %arg1[%get3A_7, %get3A_8, %get3A_9] : memref<2x256x128xf32, #tpu.memory_space<vmem>>, vector<1x256x128xf32>
    %get3A_11 = vector.shape_cast %get3A_10 : vector<1x256x128xf32> to vector<256x128xf32>
    %add3A = arith.addf %get3A_6, %get3A_11 : vector<256x128xf32>
    %get3A_12 = arith.constant 0 : index
    %get3A_13 = arith.constant 0 : index
    %get3A_14 = vector.load %arg2[%get3A_12, %get3A_13] : memref<256x128xf32, #tpu.memory_space<vmem>>, vector<256x128xf32>
    %add3A_15 = arith.addf %add3A, %get3A_14 : vector<256x128xf32>
    %mul3A = vector.broadcast %get3A_1 : vector<256x1xf32> to vector<256x128xf32>
    %mul3A_16 = arith.mulf %mul3A, %add3A_15 : vector<256x128xf32>
    %get3A_17 = arith.constant 0 : index
    %get3A_18 = arith.constant 0 : index
    %get3A_19 = vector.load %arg4[%get3A_17, %get3A_18] : memref<1x128xf32, #tpu.memory_space<vmem>>, vector<1x128xf32>
    %add3A_20 = vector.broadcast %get3A_19 : vector<1x128xf32> to vector<256x128xf32>
    %add3A_21 = arith.addf %mul3A_16, %add3A_20 : vector<256x128xf32>
    %max3A = arith.constant 0.000000e+00 : f32
    %max3A_22 = vector.broadcast %max3A : f32 to vector<256x128xf32>
    %max3A_23 = arith.maximumf %add3A_21, %max3A_22 : vector<256x128xf32>
    %get3A_24 = arith.constant 0 : index
    %get3A_25 = arith.constant 0 : index
    %get3A_26 = vector.load %arg5[%get3A_24, %get3A_25] : memref<128x128xf32, #tpu.memory_space<vmem>>, vector<128x128xf32>
    %dot_general3A = arith.constant dense<0.000000e+00> : vector<256x128xf32>
    %dot_general3A_27 = tpu.matmul %max3A_23, %get3A_26, %dot_general3A {dimension_numbers = #tpu.dot_dimension_numbers<[1], [1], [0], [0], [0, 0, 1, 0], [], []>, transpose_lhs_hint = false} : vector<256x128xf32>, vector<128x128xf32>, vector<256x128xf32> -> vector<256x128xf32>
    %mul3A_28 = vector.broadcast %get3A_1 : vector<256x1xf32> to vector<256x128xf32>
    %mul3A_29 = arith.mulf %mul3A_28, %dot_general3A_27 : vector<256x128xf32>
    %swap3A = arith.constant 0 : index
    %swap3A_30 = arith.constant 0 : index
    %swap3A_31 = vector.load %arg6[%swap3A, %swap3A_30] : memref<256x128xf32, #tpu.memory_space<vmem>>, vector<256x128xf32>
    tpu.vector_store %arg6[%swap3A, %swap3A_30], %mul3A_29 {strides = array<i32>} : memref<256x128xf32, #tpu.memory_space<vmem>>, vector<256x128xf32>,
    return
  }
  func.func @transform_0(%arg0: i32) -> (i32, i32, i32) {
    %c0_i32 = arith.constant 0 : i32
    %c0_i32_0 = arith.constant 0 : i32
    %c0_i32_1 = arith.constant 0 : i32
    return %c0_i32, %arg0, %c0_i32_0 : i32, i32, i32
  }
  func.func @transform_1(%arg0: i32) -> (i32, i32) {
    %c0_i32 = arith.constant 0 : i32
    %c0_i32_0 = arith.constant 0 : i32
    return %arg0, %c0_i32 : i32, i32
  }
  func.func @transform_2(%arg0: i32) -> (i32, i32) {
    %c0_i32 = arith.constant 0 : i32
    %c0_i32_0 = arith.constant 0 : i32
    return %arg0, %c0_i32 : i32, i32
  }
  func.func @transform_3(%arg0: i32) -> (i32, i32) {
    %c0_i32 = arith.constant 0 : i32
    %c0_i32_0 = arith.constant 0 : i32
    %c0_i32_1 = arith.constant 0 : i32
    return %c0_i32, %c0_i32_0 : i32, i32
  }
  func.func @transform_4(%arg0: i32) -> (i32, i32) {
    %c0_i32 = arith.constant 0 : i32
    %c0_i32_0 = arith.constant 0 : i32
    %c0_i32_1 = arith.constant 0 : i32
    return %c0_i32, %c0_i32_0 : i32, i32
  }
  func.func @transform_5(%arg0: i32) -> (i32, i32) {
    %c0_i32 = arith.constant 0 : i32
    %c0_i32_0 = arith.constant 0 : i32
    return %arg0, %c0_i32 : i32, i32
  }
}

module attributes {stable_mosaic.version = 14 : i64} {
  func.func @_tc_last_body(%arg0: i32, %arg1: memref<2x256x128xf32, #tpu.memory_space<vmem>>, %arg2: memref<256x128xf32, #tpu.memory_space<vmem>>, %arg3: memref<256x1xf32, #tpu.memory_space<vmem>>, %arg4: memref<1x128xf32, #tpu.memory_space<vmem>>, %arg5: memref<256x128xf32, #tpu.memory_space<vmem>>) attributes {dimension_semantics = [#tpu.dimension_semantics<arbitrary>], iteration_bounds = array<i64: 40>, scalar_prefetch = 0 : i64, scratch_operands = 0 : i64, tpu.core_type = #tpu.core_type<tc>, window_params = [{transform_indices = @transform_0, window_bounds = array<i64: 2, 256, 128>}, {transform_indices = @transform_1, window_bounds = array<i64: 256, 128>}, {transform_indices = @transform_2, window_bounds = array<i64: 256, 1>}, {pipeline_mode = #tpu.pipeline_mode<synchronous>, transform_indices = @transform_3, window_bounds = array<i64: 1, 128>}, {transform_indices = @transform_4, window_bounds = array<i64: 256, 128>}]} {
    %get3A = arith.constant 0 : index
    %get3A_0 = arith.constant 0 : index
    %get3A_1 = vector.load %arg3[%get3A, %get3A_0] : memref<256x1xf32, #tpu.memory_space<vmem>>, vector<256x1xf32>
    %get3A_2 = arith.constant 0 : index
    %get3A_3 = arith.constant 0 : index
    %get3A_4 = arith.constant 0 : index
    %get3A_5 = vector.load %arg1[%get3A_2, %get3A_3, %get3A_4] : memref<2x256x128xf32, #tpu.memory_space<vmem>>, vector<1x256x128xf32>
    %get3A_6 = vector.shape_cast %get3A_5 : vector<1x256x128xf32> to vector<256x128xf32>
    %get3A_7 = arith.constant 1 : index
    %get3A_8 = arith.constant 0 : index
    %get3A_9 = arith.constant 0 : index
    %get3A_10 = vector.load %arg1[%get3A_7, %get3A_8, %get3A_9] : memref<2x256x128xf32, #tpu.memory_space<vmem>>, vector<1x256x128xf32>
    %get3A_11 = vector.shape_cast %get3A_10 : vector<1x256x128xf32> to vector<256x128xf32>
    %add3A = arith.addf %get3A_6, %get3A_11 : vector<256x128xf32>
    %get3A_12 = arith.constant 0 : index
    %get3A_13 = arith.constant 0 : index
    %get3A_14 = vector.load %arg2[%get3A_12, %get3A_13] : memref<256x128xf32, #tpu.memory_space<vmem>>, vector<256x128xf32>
    %add3A_15 = arith.addf %add3A, %get3A_14 : vector<256x128xf32>
    %mul3A = vector.broadcast %get3A_1 : vector<256x1xf32> to vector<256x128xf32>
    %mul3A_16 = arith.mulf %mul3A, %add3A_15 : vector<256x128xf32>
    %get3A_17 = arith.constant 0 : index
    %get3A_18 = arith.constant 0 : index
    %get3A_19 = vector.load %arg4[%get3A_17, %get3A_18] : memref<1x128xf32, #tpu.memory_space<vmem>>, vector<1x128xf32>
    %add3A_20 = vector.broadcast %get3A_19 : vector<1x128xf32> to vector<256x128xf32>
    %add3A_21 = arith.addf %mul3A_16, %add3A_20 : vector<256x128xf32>
    %swap3A = arith.constant 0 : index
    %swap3A_22 = arith.constant 0 : index
    %swap3A_23 = vector.load %arg5[%swap3A, %swap3A_22] : memref<256x128xf32, #tpu.memory_space<vmem>>, vector<256x128xf32>
    tpu.vector_store %arg5[%swap3A, %swap3A_22], %add3A_21 {strides = array<i32>} : memref<256x128xf32, #tpu.memory_space<vmem>>, vector<256x128xf32>,
    return
  }
  func.func @transform_0(%arg0: i32) -> (i32, i32, i32) {
    %c0_i32 = arith.constant 0 : i32
    %c0_i32_0 = arith.constant 0 : i32
    %c0_i32_1 = arith.constant 0 : i32
    return %c0_i32, %arg0, %c0_i32_0 : i32, i32, i32
  }
  func.func @transform_1(%arg0: i32) -> (i32, i32) {
    %c0_i32 = arith.constant 0 : i32
    %c0_i32_0 = arith.constant 0 : i32
    return %arg0, %c0_i32 : i32, i32
  }
  func.func @transform_2(%arg0: i32) -> (i32, i32) {
    %c0_i32 = arith.constant 0 : i32
    %c0_i32_0 = arith.constant 0 : i32
    return %arg0, %c0_i32 : i32, i32
  }
  func.func @transform_3(%arg0: i32) -> (i32, i32) {
    %c0_i32 = arith.constant 0 : i32
    %c0_i32_0 = arith.constant 0 : i32
    %c0_i32_1 = arith.constant 0 : i32
    return %c0_i32, %c0_i32_0 : i32, i32
  }
  func.func @transform_4(%arg0: i32) -> (i32, i32) {
    %c0_i32 = arith.constant 0 : i32
    %c0_i32_0 = arith.constant 0 : i32
    return %arg0, %c0_i32 : i32, i32
  }
}

</mosaic_0001>

<sc_bundles>
// kernel: kernel.10.cloned.1.call-start
scs
__scs_entry_jumppad:
0x0: {  	(pc) =	sbr.rel $0x88, $3  }
0x1: {  	(tag) =	ssettag $0x0;
	lr =	simm.s32 $0x1  }
0x2: {  	[smem:$0x3F98] =	sst lr;
	_ =	strace $0xD0000000  }
0x3: {  	_ = 	snop  }
0x4: {  	_ = 	snop  }
0x5: {  	_ = 	snop  }
0x6: {  	_ = 	snop  }
0x7: {  	_ = 	snop  }
__scs_overlays_trampoline_lowered:
0x8: {  	[smem:$0x3FA7] =	sst s0  }
0x9: {  	[smem:$0x3FA8] =	sst s1  }
0xa: {  	[smem:$0x3FA9] =	sst s2  }
0xb: {  	[smem:$0x3FAA] =	sst s3  }
0xc: {  	[smem:$0x3FAB] =	sst s4  }
0xd: {  	[smem:$0x3FAC] =	sst s5  }
0xe: {  	[smem:$0x3FAD] =	sst s6  }
0xf: {  	[smem:$0x3FAE] =	sst s7  }
0x10: {  	[smem:$0x3FAF] =	sst s8  }
0x11: {  	[smem:$0x3FB0] =	sst s9;
	s0 =	simm.s32 @!p0 $0x0  }
0x12: {  	s1 =	sld [smem:$0x3F96];
	s0 =	simm.s32 @p0 $0x1  }
0x13: {  	[smem:$0x3FB1] =	sst s0;
	s0 =	simm.s32 @!p1 $0x0  }
0x14: {  	s2 =	sld [smem:$0x3F95];
	s0 =	simm.s32 @p1 $0x1  }
0x15: {  	[smem:$0x3FB2] =	sst s0;
	s0 =	simm.s32 @!p2 $0x0  }
0x16: {  	s3 =	sld [smem:$0x3FDB];
	s0 =	simm.s32 @p2 $0x1  }
0x17: {  	s4 =	simm.s32 $0x1BF5;
	[smem:$0x3FB4] =	sst s0  }
0x18: {  	s0 =	sld [smem:$0x3F97];
	_ =	swait.ge [sflag:s4], $0x0  }
0x19: {  	s7 =	sld [smem:$0x3F98]  }
0x1a: {  	s8 =	sadd.s32 $0xFFFFE003, lr  }
0x1b: {  	s9 =	sadd.s32 $0xFFFFFEF7, lr;
	s5 =	simm.s32 $0xFFFFFFFF;
	p2 =	slt.u32 s8, $0xFFFFF086  }
0x1c: {  	p1 =	slt.u32 s9, $0xF7A;
	s5 =	simm.s32 @!p2 $0x0  }
0x1d: {  	s5 =	simm.s32 @p1 $0x1;
	p0 =	seq.s32 s7, s2  }
0x1e: {  	s7 =	smul.u32 @!p0 $0xF7A, s2;
	p2 =	seq.s32 @!p0 s5, $0x0  }
0x1f: {  	s9 =	smul.u32 $0xF7A, s1;
	s8 =	simm.s32 @!p0 $0x1BF5;
	p2 =	por !p2, p0  }
0x20: {  	[sflag:s8] =	ssyncset.s32 @!p0 $0xFFFFF086;
	s6 =	sadd.s32 @!p0 s3, s7;
	s7 =	simm.s32 @!p0 $0x108  }
0x21: {  	s3 =	sadd.s32 s3, s9;
	s6 =	sadd.s32 @!p0 $0x88, s6;
	s7 =	simm.s32 @p2 $0x1082  }
0x22: {  	[simem:s7], [sflag:s8] =	dma.local @!p0 [hbm:s6], $0xF7A  }
0x23: {  	s9 =	sor.u32 $0xD0000000, s2;
	s6 =	simm.s32 $0x108;
	_ =	swait.ge @!p0 [sflag:s8], $0x0  }
0x24: {  	s3 =	sadd.s32 $0x88, s3;
	s6 =	simm.s32 @!p1 $0x1082;
	[sflag:s4] =	ssyncset.s32 $0xFFFFF086  }
0x25: {  	[simem:s6], [sflag:s4] =	dma.local [hbm:s3], $0xF7A  }
0x26: {  	[smem:$0x3F98] =	sst s1;
	(tag) =	ssettag s2;
	_ =	strace s9  }
0x27: {  	s1 =	sld [smem:$0x3FA8]  }
0x28: {  	s2 =	sld [smem:$0x3FA9]  }
0x29: {  	s4 =	sld [smem:$0x3FAB]  }
0x2a: {  	p0 =	seq.s32 s5, $0x0;
	s5 =	sld [smem:$0x3FAC]  }
0x2b: {  	s6 =	sld [smem:$0x3FAD]  }
0x2c: {  	s7 =	sld [smem:$0x3FAE]  }
0x2d: {  	s3 =	simm.s32 $0x108;
	s8 =	sld [smem:$0x3FAF]  }
0x2e: {  	s3 =	simm.s32 @!p0 $0x1082;
	s9 =	sld [smem:$0x3FB0]  }
0x2f: {  	lr =	sadd.s32 s0, s3;
	s0 =	sld [smem:$0x3FA7]  }
0x30: {  	s3 =	sld [smem:$0x3FAA]  }
0x31: {  	[smem:$0x3FB3] =	sst s10  }
0x32: {  	s10 =	sld [smem:$0x3FB1];
	_ =	sdelay $0x3  }
0x33: {  	p0 =	seq.s32 s10, $0x1;
	s10 =	sld [smem:$0x3FB3];
	_ =	sdelay $0x3  }
0x34: {  	[smem:$0x3FB3] =	sst s10  }
0x35: {  	s10 =	sld [smem:$0x3FB2];
	_ =	sdelay $0x3  }
0x36: {  	p1 =	seq.s32 s10, $0x1;
	s10 =	sld [smem:$0x3FB3];
	_ =	sdelay $0x3  }
0x37: {  	[smem:$0x3FB3] =	sst s10  }
0x38: {  	s10 =	sld [smem:$0x3FB4]  }
0x39: {  	_ = 	snop;
	(pc) =	sbr.ind lr, $3  }
0x3a: {  	_ = 	snop  }
0x3b: {  	_ = 	snop  }
0x3c: {  	p2 =	seq.s32 s10, $0x1;
	s10 =	sld [smem:$0x3FB3]  }
0x3d: {  	_ =	shalt  }
0x3e: {  	_ =	shalt  }
0x3f: {  	_ =	shalt  }
0x40: {  	_ =	shalt  }
0x41: {  	_ =	shalt  }
0x42: {  	_ =	shalt  }
0x43: {  	_ =	shalt  }
0x44: {  	_ =	shalt  }
0x45: {  	_ =	shalt  }
0x46: {  	_ =	shalt  }
0x47: {  	_ =	shalt  }
0x48: {  	_ =	shalt  }
0x49: {  	_ =	shalt  }
0x4a: {  	_ =	shalt  }
0x4b: {  	_ =	shalt  }
0x4c: {  	_ =	shalt  }
0x4d: {  	_ =	shalt  }
0x4e: {  	_ =	shalt  }
0x4f: {  	_ =	shalt  }
0x50: {  	_ =	shalt  }
0x51: {  	_ =	shalt  }
0x52: {  	_ =	shalt  }
0x53: {  	_ =	shalt  }
0x54: {  	_ =	shalt  }
0x55: {  	_ =	shalt  }
0x56: {  	_ =	shalt  }
0x57: {  	_ =	shalt  }
0x58: {  	_ =	shalt  }
0x59: {  	_ =	shalt  }
0x5a: {  	_ =	shalt  }
0x5b: {  	_ =	shalt  }
0x5c: {  	_ =	shalt  }
0x5d: {  	_ =	shalt  }
0x5e: {  	_ =	shalt  }
0x5f: {  	_ =	shalt  }
0x60: {  	_ =	shalt  }
0x61: {  	_ =	shalt  }
0x62: {  	_ =	shalt  }
0x63: {  	_ =	shalt  }
0x64: {  	_ =	shalt  }
0x65: {  	_ =	shalt  }
0x66: {  	_ =	shalt  }
0x67: {  	_ =	shalt  }
0x68: {  	_ =	shalt  }
0x69: {  	_ =	shalt  }
0x6a: {  	_ =	shalt  }
0x6b: {  	_ =	shalt  }
0x6c: {  	_ =	shalt  }
0x6d: {  	_ =	shalt  }
0x6e: {  	_ =	shalt  }
0x6f: {  	_ =	shalt  }
0x70: {  	_ =	shalt  }
0x71: {  	_ =	shalt  }
0x72: {  	_ =	shalt  }
0x73: {  	_ =	shalt  }
0x74: {  	_ =	shalt  }
0x75: {  	_ =	shalt  }
0x76: {  	_ =	shalt  }
0x77: {  	_ =	shalt  }
0x78: {  	_ =	shalt  }
0x79: {  	_ =	shalt  }
0x7a: {  	_ =	shalt  }
0x7b: {  	_ =	shalt  }
0x7c: {  	_ =	shalt  }
0x7d: {  	_ =	shalt  }
0x7e: {  	_ =	shalt  }
0x7f: {  	_ =	shalt  }
0x80: {  	_ =	shalt  }
0x81: {  	_ =	shalt  }
0x82: {  	_ =	shalt  }
0x83: {  	_ =	shalt  }
0x84: {  	_ =	shalt  }
0x85: {  	_ =	shalt  }
0x86: {  	_ =	shalt  }
0x87: {  	_ =	shalt  }
.Lfunc_end0:
.L_simem_size_0:
called_computation_lowered:
.L_overlay_start_0:
0x88: {  	s2 =	sld [smem:$0x3FD9]  }
0x89: {  	s3 =	sld [smem:$0x3FFE];
	_ =	sdelay $0x1  }
0x8a: {  	s1 =	srdreg.scid  }
0x8b: {  	s0 =	sand.u32 $0x1, s1  }
0x8c: {  	s17 =	sshll.u32 s0, $0xA;
	s2 =	sadd.s32 s3, s2  }
0x8d: {  	s2 =	sadd.s32 s2, s17  }
0x8e: {  	[smem:$0x3FBF] =	sst s2  }
0x8f: {  	_ = 	snop  }
0x90: {  	s2 =	sld [smem:$0x3FD0];
	(tm) =	ssettm $0x1  }
0x91: {  	s18 =	sld [smem:$0x3FFB];
	_ =	sdelay $0x3  }
0x92: {  	_ =	strace s18  }
0x93: {  	s3 =	sld [smem:$0x3FFC];
	_ =	sdelay $0x3  }
0x94: {  	_ =	strace s3  }
0x95: {  	s3 =	sld [smem:$0x3FFD];
	_ =	sdelay $0x3  }
0x96: {  	_ =	strace s3  }
0x97: {  	_ =	strace $0x8FFFFFFF  }
0x98: {  	s19 =	sld [smem:$0x3FDB];
	_ =	sdelay $0x1  }
0x99: {  	s4 =	simm.s32 $_scs_section_size  }
0x9a: {  	s5 =	simm.s32 $_size__tile_overlayer_lowered;
	s6 =	simm.s32 $_tile_overlayer_lowered  }
0x9b: {  	s22 =	simm.s32 $0x1BFF;
	s21 =	sshll.u32 s6, $0x1;
	s3 =	sadd.s32 s4, s19  }
0x9c: {  	s7 =	simm.s32 $0x0;
	s20 =	sshll.u32 s5, $0x1;
	s5 =	sadd.s32 s21, s3  }
0x9d: {  	[timem:s7], [sflag:s22] =	dma.local [hbm:s5], s20  }
0x9e: {  	_ =	swait.ge [sflag:s22], s20  }
0x9f: {  	s4 =	ssub.s32 $0x0, s20;
	[sflag:s22] =	ssyncset.done $0x0  }
0xa0: {  	[sflag:s22] =	ssyncadd.s32 s4;
	_ =	sdelay $0x1  }
0xa1: {  	s23 =	simm.s32 $0x1B8B  }
0xa2: {  	_ =	swait.ge [sflag:s23], $0x1  }
0xa3: {  	[sflag:s23] =	ssyncset.done $0x0  }
0xa4: {  	s25 =	simm.s32 $0x1B8E;
	s24 =	sld [smem:$0x3FFE];
	[sflag:s23] =	ssyncadd.s32 $0xFFFFFFFF  }
0xa5: {  	s26 =	simm.s32 $execute0_lowered;
	[smem:$0x3FD2] =	sst s25  }
0xa6: {  	s5 =	sshll.u32 s26, $0x1;
	_ =	strace $0x80000046;
	[dreg:$0x1] =	wrdreg $0xFFFFFFFF  }
0xa7: {  	s28 =	simm.s32 $_size_execute0_lowered;
	s3 =	sadd.s32 s3, s5;
	[dreg:$0x0] =	wrdreg $0x0  }
0xa8: {  	s5 =	sshll.u32 s28, $0x1;
	[dreg:$0x2] =	wrdreg s3  }
0xa9: {  	[dreg:$0x3] =	wrdreg s5  }
0xaa: {  	[dreg:$0x4] =	wrdreg $0xC0  }
0xab: {  	_ =	task [dreg:s7], $0x5FFFF  }
0xac: {  	[dreg:$0x1] =	wrdreg $0xFFFFFFFF  }
0xad: {  	[dreg:$0x0] =	wrdreg $0x60  }
0xae: {  	[dreg:$0x2] =	wrdreg s2  }
0xaf: {  	[dreg:$0x3] =	wrdreg s24  }
0xb0: {  	[dreg:$0x4] =	wrdreg $0x12800  }
0xb1: {  	[dreg:$0x5] =	wrdreg $0x9  }
0xb2: {  	_ =	task.clear_ibuf [dreg:s7], $0x6FFFF;
	_ =	strace $0x90000046  }
0xb3: {  	s29 =	simm.s32 $0x9;
	_ =	strace $0x80000048  }
0xb4: {  	_ =	swait.ge [sflag:s29], $0x1  }
0xb5: {  	[sflag:s29] =	ssyncadd.s32 $0xFFFFFFFF  }
0xb6: {  	_ =	strace $0x90000048  }
0xb7: {  	_ =	sfence  }
0xb8: {  	s30 =	sld [smem:$0x0];
	_ =	sdelay $0x2  }
0xb9: {  	s31 =	sshll.u32 s1, $0xD;
	s1 =	sshrl.u32 s1, $0x2  }
0xba: {  	s3 =	sand.u32 $0x4000, s31;
	s1 =	sadd.s32 s1, s30  }
0xbb: {  	s0 =	sor.u32 s3, s0;
	s1 =	sshll.u32 s1, $0x11  }
0xbc: {  	s0 =	sor.u32 s1, s0  }
0xbd: {  	s0 =	sadd.s32 $0x8F2B, s0  }
0xbe: {  	[sflag:s0] =	ssyncadd.remote.s32 $0x1  }
0xbf: {  	_ =	sfence.sel $0xFFFF  }
0xc0: {  	[dreg:$0x0] =	wrdreg $0xFFFFFFFF;
	(pc) =	sbr.abs _section_cstart, $3  }
0xc1: {  	[dreg:$0x1] =	wrdreg $0xFFFFFFFF  }
0xc2: {  	_ =	task.clear_ibuf [dreg:s7], $0x2FFFF;
	_ =	strace $0x9FFFFFFF  }
0xc3: {  	(tm) =	ssettm $0x7FFFFFFF  }
tec
execute0_lowered:
.L_overlay_start_1:
0x0: {  	(tag) =	ssettag $0x1  }
0x1: {  	s0 =	rddreg [dreg:$0x0]  }
0x2: {  	s1 =	rddreg [dreg:$0x1]  }
0x3: {  	s2 =	rddreg [dreg:$0x2]  }
0x4: {  	s3 =	srdreg.scid;
	s9 =	stileid.u32  }
0x5: {  	s17 =	simm.s32 $0x880;
	s19 =	simm.s32 $0x100;
	s21 =	simm.s32 $0x900  }
0x6: {  	s22 =	simm.s32 $0x180;
	s23 =	simm.s32 $0x980;
	s10 =	simm.s32 $0x80  }
0x7: {  	s24 =	simm.s32 $0x200;
	s25 =	simm.s32 $0xA00;
	s26 =	simm.s32 $0x280  }
0x8: {  	s28 =	simm.s32 $0x680;
	s4 =	sand.u32 $0x1, s3;
	s3 =	simm.s32 $0x0  }
0x9: {  	s29 =	simm.s32 $0xE80;
	s30 =	simm.s32 $0x700;
	[smem:$0x7FF] =	sst s3  }
0xa: {  	s8 =	smul.u32 $0x500, s9;
	_ =	strace $0x80000047;
	[dreg:$0x5] =	wrdreg s17  }
0xb: {  	s5 =	sshrl.u32 s9, $0x2;
	s11 =	smul.u32 $0x5000, s9;
	[dreg:$0x6] =	wrdreg s19  }
0xc: {  	s7 =	sshll.u32 s9, $0x8;
	s9 =	smul.u32 $0xA00, s9;
	[dreg:$0x7] =	wrdreg s21  }
0xd: {  	s31 =	simm.s32 $0xF00;
	s5 =	smul.u32 $0x14000, s5;
	[dreg:$0x8] =	wrdreg s22  }
0xe: {  	s6 =	sshll.u32 s4, $0x7;
	s12 =	smul.u32 $0x2800, s4;
	[dreg:$0x9] =	wrdreg s23  }
0xf: {  	s4 =	ssub.s32 $0x2, s4;
	s7 =	sor.u32 s6, s7;
	[dreg:$0xa] =	wrdreg s24  }
0x10: {  	s6 =	sor.u32 s6, s8;
	s14 =	sshrl.u32 s4, $0x1;
	[dreg:$0xb] =	wrdreg s25  }
0x11: {  	s15 =	sshrl.u32 s9, $0x2;
	s9 =	simm.s32 $0x1;
	[dreg:$0xc] =	wrdreg s26  }
0x12: {  	s17 =	simm.s32 $0xB80;
	s19 =	simm.s32 $0x480;
	s21 =	simm.s32 $0x500  }
0x13: {  	s22 =	simm.s32 $0xD00;
	s23 =	simm.s32 $0x580;
	s24 =	simm.s32 $0xD80  }
0x14: {  	s25 =	simm.s32 $0x600;
	s26 =	simm.s32 $0xE00;
	s8 =	simm.s32 $0xF80  }
0x15: {  	s7 =	sand.u32 $0x380, s7;
	s6 =	sshrl.u32 s6, $0x3;
	s13 =	sadd.s32 s12, s11  }
0x16: {  	s16 =	sadd.s32 s15, s2;
	s11 =	simm.s32 $0x400;
	s12 =	simm.s32 $0x800  }
0x17: {  	s15 =	simm.s32 $0xB00;
	s5 =	sor.u32 s7, s5;
	s7 =	ssub.s32 s4, s14  }
0x18: {  	s14 =	simm.s32 $0x300;
	s5 =	sshrl.u32 s5, $0x3;
	s18 =	smax.u32 s7, $0x1  }
0x19: {  	s5 =	sadd.s32 s5, s1;
	s1 =	sadd.s32 s6, s1;
	s6 =	sshrl.u32 s13, $0x3  }
0x1a: {  	[dreg:$0xf] =	wrdreg s18;
	s13 =	simm.s32 $0xA80;
	s1 =	sadd.s32 $0x17400, s1  }
0x1b: {  	s18 =	simm.s32 $0xC00;
	s0 =	sadd.s32 s6, s0;
	[dreg:$0xe] =	wrdreg s1  }
0x1c: {  	s6 =	smov.u32 s16;
	s20 =	sadd.s32 $0x3400, s5;
	[dreg:$0x4] =	wrdreg s0  }
0x1d: {  	s16 =	simm.s32 $0x380;
	[dreg:$0x10] =	wrdreg s20;
	s20 =	simm.s32 $0xC80  }
0x1e: {  	v0 =	vimm.f32 $0.0e+00;
	s0 =	simm.s32 $0x780;
	s1 =	simm.s32 $0x0;
	[dreg:$0xd] =	wrdreg s6  }
.LBB2_1:
0x1f: {  	[tilespmem:$0x1000] =	vst v0  }
0x20: {  	[tilespmem:$0x1010] =	vst v0  }
0x21: {  	[tilespmem:$0x1020] =	vst v0  }
0x22: {  	[tilespmem:$0x1030] =	vst v0  }
0x23: {  	[tilespmem:$0x1040] =	vst v0  }
0x24: {  	[tilespmem:$0x1050] =	vst v0  }
0x25: {  	[tilespmem:$0x1060] =	vst v0  }
0x26: {  	[tilespmem:$0x1070] =	vst v0  }
0x27: {  	[tilespmem:$0x1080] =	vst v0  }
0x28: {  	[tilespmem:$0x1090] =	vst v0  }
0x29: {  	[tilespmem:$0x10A0] =	vst v0  }
0x2a: {  	[tilespmem:$0x10B0] =	vst v0  }
0x2b: {  	[tilespmem:$0x10C0] =	vst v0  }
0x2c: {  	[tilespmem:$0x10D0] =	vst v0  }
0x2d: {  	[tilespmem:$0x10E0] =	vst v0  }
0x2e: {  	[tilespmem:$0x10F0] =	vst v0  }
0x2f: {  	[tilespmem:$0x1100] =	vst v0  }
0x30: {  	[tilespmem:$0x1110] =	vst v0  }
0x31: {  	[tilespmem:$0x1120] =	vst v0  }
0x32: {  	[tilespmem:$0x1130] =	vst v0  }
0x33: {  	[tilespmem:$0x1140] =	vst v0  }
0x34: {  	[tilespmem:$0x1150] =	vst v0  }
0x35: {  	[tilespmem:$0x1160] =	vst v0  }
0x36: {  	[tilespmem:$0x1170] =	vst v0  }
0x37: {  	[tilespmem:$0x1180] =	vst v0  }
0x38: {  	[tilespmem:$0x1190] =	vst v0  }
0x39: {  	[tilespmem:$0x11A0] =	vst v0  }
0x3a: {  	[tilespmem:$0x11B0] =	vst v0  }
0x3b: {  	[tilespmem:$0x11C0] =	vst v0  }
0x3c: {  	[tilespmem:$0x11D0] =	vst v0  }
0x3d: {  	[tilespmem:$0x11E0] =	vst v0  }
0x3e: {  	[tilespmem:$0x11F0] =	vst v0  }
0x3f: {  	[tilespmem:$0x1200] =	vst v0  }
0x40: {  	[tilespmem:$0x1210] =	vst v0  }
0x41: {  	[tilespmem:$0x1220] =	vst v0  }
0x42: {  	[tilespmem:$0x1230] =	vst v0  }
0x43: {  	[tilespmem:$0x1240] =	vst v0  }
0x44: {  	[tilespmem:$0x1250] =	vst v0  }
0x45: {  	[tilespmem:$0x1260] =	vst v0  }
0x46: {  	[dreg:$0x11] =	wrdreg s1;
	[tilespmem:$0x1270] =	vst v0;
	s4 =	simm.s32 $0x1000  }
0x47: {  	[spmem:s6] =	stream.linear.scatter [tilespmem:s4], [sflag:$0x1], $0x280, $0x38;
	[tilespmem:$0x1500] =	vst v63  }
0x48: {  	_ =	swait.ge [sflag:s9], $0x280  }
0x49: {  	[sflag:s9] =	ssyncset.done $0x0  }
0x4a: {  	[sflag:s9] =	ssyncadd.s32 $0xFFFFFD80  }
0x4b: {  	[bflag:$0x0] =	sbarrier.arrive $0xFFFF  }
0x4c: {  	s5 =	rddreg [dreg:$0x4]  }
0x4d: {  	s5 =	sadd.s32 $0x0, s5  }
0x4e: {  	[tilespmem:s3], [sflag:$0x1] =	stream.linear.gather [hbm4b:s5+s3], $0x800, $0x38;
	[tilespmem:$0x1500] =	vst v63  }
0x4f: {  	_ =	swait.ge [sflag:s9], $0x800  }
0x50: {  	[sflag:s9] =	ssyncset.done $0x0  }
0x51: {  	s4 =	rddreg [dreg:$0x10];
	[sflag:s9] =	ssyncadd.s32 $0xFFFFF800  }
0x52: {  	[tilespmem:s12], [sflag:$0x1] =	stream.strided.gather [hbm4b:s4+s10], $0x800, s11, s10, $0x38;
	[tilespmem:$0x1500] =	vst v63  }
0x53: {  	_ =	swait.ge [sflag:s9], $0x800  }
0x54: {  	[sflag:s9] =	ssyncset.done $0x0  }
0x55: {  	[sflag:s9] =	ssyncadd.s32 $0xFFFFF800  }
0x56: {  	[spmem:s2] =	stream.indirect.scatter.add.f32 [tilespmem:s12], [sflag:$0x1], $0x1, s3, s10, $0xb8;
	[tilespmem:$0x1500] =	vst v63  }
0x57: {  	_ =	swait.ge [sflag:s9], $0x80  }
0x58: {  	[sflag:s9] =	ssyncset.done $0x0  }
0x59: {  	s6 =	rddreg [dreg:$0x5];
	[sflag:s9] =	ssyncadd.s32 $0xFFFFFF80  }
0x5a: {  	[spmem:s2] =	stream.indirect.scatter.add.f32 [tilespmem:s6], [sflag:$0x1], $0x1, s10, s10, $0xb8;
	[tilespmem:$0x1500] =	vst v63  }
0x5b: {  	_ =	swait.ge [sflag:s9], $0x80  }
0x5c: {  	s7 =	rddreg [dreg:$0x6];
	[sflag:s9] =	ssyncset.done $0x0  }
0x5d: {  	s1 =	rddreg [dreg:$0x7];
	[sflag:s9] =	ssyncadd.s32 $0xFFFFFF80  }
0x5e: {  	[spmem:s2] =	stream.indirect.scatter.add.f32 [tilespmem:s1], [sflag:$0x1], $0x1, s7, s10, $0xb8;
	[tilespmem:$0x1500] =	vst v63  }
0x5f: {  	_ =	swait.ge [sflag:s9], $0x80  }
0x60: {  	s7 =	rddreg [dreg:$0x8];
	[sflag:s9] =	ssyncset.done $0x0  }
0x61: {  	s1 =	rddreg [dreg:$0x9];
	[sflag:s9] =	ssyncadd.s32 $0xFFFFFF80  }
0x62: {  	[spmem:s2] =	stream.indirect.scatter.add.f32 [tilespmem:s1], [sflag:$0x1], $0x1, s7, s10, $0xb8;
	[tilespmem:$0x1500] =	vst v63  }
0x63: {  	_ =	swait.ge [sflag:s9], $0x80  }
0x64: {  	s7 =	rddreg [dreg:$0xa];
	[sflag:s9] =	ssyncset.done $0x0  }
0x65: {  	s1 =	rddreg [dreg:$0xb];
	[sflag:s9] =	ssyncadd.s32 $0xFFFFFF80  }
0x66: {  	[spmem:s2] =	stream.indirect.scatter.add.f32 [tilespmem:s1], [sflag:$0x1], $0x1, s7, s10, $0xb8;
	[tilespmem:$0x1500] =	vst v63  }
0x67: {  	_ =	swait.ge [sflag:s9], $0x80  }
0x68: {  	[sflag:s9] =	ssyncset.done $0x0  }
0x69: {  	s7 =	rddreg [dreg:$0xc];
	[sflag:s9] =	ssyncadd.s32 $0xFFFFFF80  }
0x6a: {  	[spmem:s2] =	stream.indirect.scatter.add.f32 [tilespmem:s13], [sflag:$0x1], $0x1, s7, s10, $0xb8;
	[tilespmem:$0x1500] =	vst v63  }
0x6b: {  	_ =	swait.ge [sflag:s9], $0x80  }
0x6c: {  	[sflag:s9] =	ssyncset.done $0x0  }
0x6d: {  	[sflag:s9] =	ssyncadd.s32 $0xFFFFFF80  }
0x6e: {  	[spmem:s2] =	stream.indirect.scatter.add.f32 [tilespmem:s15], [sflag:$0x1], $0x1, s14, s10, $0xb8;
	[tilespmem:$0x1500] =	vst v63  }
0x6f: {  	_ =	swait.ge [sflag:s9], $0x80  }
0x70: {  	[sflag:s9] =	ssyncset.done $0x0  }
0x71: {  	[sflag:s9] =	ssyncadd.s32 $0xFFFFFF80  }
0x72: {  	[spmem:s2] =	stream.indirect.scatter.add.f32 [tilespmem:s17], [sflag:$0x1], $0x1, s16, s10, $0xb8;
	[tilespmem:$0x1500] =	vst v63  }
0x73: {  	_ =	swait.ge [sflag:s9], $0x80  }
0x74: {  	[sflag:s9] =	ssyncset.done $0x0  }
0x75: {  	[sflag:s9] =	ssyncadd.s32 $0xFFFFFF80  }
0x76: {  	[spmem:s2] =	stream.indirect.scatter.add.f32 [tilespmem:s18], [sflag:$0x1], $0x1, s11, s10, $0xb8;
	[tilespmem:$0x1500] =	vst v63  }
0x77: {  	_ =	swait.ge [sflag:s9], $0x80  }
0x78: {  	[sflag:s9] =	ssyncset.done $0x0  }
0x79: {  	[sflag:s9] =	ssyncadd.s32 $0xFFFFFF80  }
0x7a: {  	[spmem:s2] =	stream.indirect.scatter.add.f32 [tilespmem:s20], [sflag:$0x1], $0x1, s19, s10, $0xb8;
	[tilespmem:$0x1500] =	vst v63  }
0x7b: {  	_ =	swait.ge [sflag:s9], $0x80  }
0x7c: {  	[sflag:s9] =	ssyncset.done $0x0  }
0x7d: {  	[sflag:s9] =	ssyncadd.s32 $0xFFFFFF80  }
0x7e: {  	[spmem:s2] =	stream.indirect.scatter.add.f32 [tilespmem:s22], [sflag:$0x1], $0x1, s21, s10, $0xb8;
	[tilespmem:$0x1500] =	vst v63  }
0x7f: {  	_ =	swait.ge [sflag:s9], $0x80  }
0x80: {  	[sflag:s9] =	ssyncset.done $0x0  }
0x81: {  	[sflag:s9] =	ssyncadd.s32 $0xFFFFFF80  }
0x82: {  	[spmem:s2] =	stream.indirect.scatter.add.f32 [tilespmem:s24], [sflag:$0x1], $0x1, s23, s10, $0xb8;
	[tilespmem:$0x1500] =	vst v63  }
0x83: {  	_ =	swait.ge [sflag:s9], $0x80  }
0x84: {  	[sflag:s9] =	ssyncset.done $0x0  }
0x85: {  	[sflag:s9] =	ssyncadd.s32 $0xFFFFFF80  }
0x86: {  	[spmem:s2] =	stream.indirect.scatter.add.f32 [tilespmem:s26], [sflag:$0x1], $0x1, s25, s10, $0xb8;
	[tilespmem:$0x1500] =	vst v63  }
0x87: {  	_ =	swait.ge [sflag:s9], $0x80  }
0x88: {  	[sflag:s9] =	ssyncset.done $0x0  }
0x89: {  	[sflag:s9] =	ssyncadd.s32 $0xFFFFFF80  }
0x8a: {  	[spmem:s2] =	stream.indirect.scatter.add.f32 [tilespmem:s29], [sflag:$0x1], $0x1, s28, s10, $0xb8;
	[tilespmem:$0x1500] =	vst v63  }
0x8b: {  	_ =	swait.ge [sflag:s9], $0x80  }
0x8c: {  	[sflag:s9] =	ssyncset.done $0x0  }
0x8d: {  	[sflag:s9] =	ssyncadd.s32 $0xFFFFFF80  }
0x8e: {  	[spmem:s2] =	stream.indirect.scatter.add.f32 [tilespmem:s31], [sflag:$0x1], $0x1, s30, s10, $0xb8;
	[tilespmem:$0x1500] =	vst v63  }
0x8f: {  	_ =	swait.ge [sflag:s9], $0x80  }
0x90: {  	[sflag:s9] =	ssyncset.done $0x0  }
0x91: {  	s5 =	simm.s32 $0x100;
	s6 =	sadd.s32 $0x800, s4;
	[sflag:s9] =	ssyncadd.s32 $0xFFFFFF80  }
.LBB2_2:
0x92: {  	[spmem:s2] =	stream.indirect.scatter.add.f32 [tilespmem:s8], [sflag:$0x1], $0x1, s0, s10, $0xb8;
	[tilespmem:$0x1500] =	vst v63  }
0x93: {  	_ =	swait.ge [sflag:s9], $0x80  }
0x94: {  	s4 =	smov.u32 s5;
	s7 =	rddreg [dreg:$0x4];
	[sflag:s9] =	ssyncset.done $0x0  }
0x95: {  	[sflag:s9] =	ssyncadd.s32 $0xFFFFFF80;
	s4 =	sadd.s32 s4, s7  }
0x96: {  	[tilespmem:s3], [sflag:$0x1] =	stream.linear.gather [hbm4b:s4+s3], $0x800, $0x38;
	[tilespmem:$0x1500] =	vst v63  }
0x97: {  	_ =	swait.ge [sflag:s9], $0x800  }
0x98: {  	[sflag:s9] =	ssyncset.done $0x0  }
0x99: {  	[sflag:s9] =	ssyncadd.s32 $0xFFFFF800  }
0x9a: {  	[tilespmem:s12], [sflag:$0x1] =	stream.strided.gather [hbm4b:s6+s10], $0x800, s11, s10, $0x38;
	[tilespmem:$0x1500] =	vst v63  }
0x9b: {  	_ =	swait.ge [sflag:s9], $0x800  }
0x9c: {  	[sflag:s9] =	ssyncset.done $0x0  }
0x9d: {  	[sflag:s9] =	ssyncadd.s32 $0xFFFFF800  }
0x9e: {  	[spmem:s2] =	stream.indirect.scatter.add.f32 [tilespmem:s12], [sflag:$0x1], $0x1, s3, s10, $0xb8;
	[tilespmem:$0x1500] =	vst v63  }
0x9f: {  	_ =	swait.ge [sflag:s9], $0x80  }
0xa0: {  	[sflag:s9] =	ssyncset.done $0x0  }
0xa1: {  	s1 =	rddreg [dreg:$0x5];
	[sflag:s9] =	ssyncadd.s32 $0xFFFFFF80  }
0xa2: {  	[spmem:s2] =	stream.indirect.scatter.add.f32 [tilespmem:s1], [sflag:$0x1], $0x1, s10, s10, $0xb8;
	[tilespmem:$0x1500] =	vst v63  }
0xa3: {  	_ =	swait.ge [sflag:s9], $0x80  }
0xa4: {  	s7 =	rddreg [dreg:$0x6];
	[sflag:s9] =	ssyncset.done $0x0  }
0xa5: {  	s1 =	rddreg [dreg:$0x7];
	[sflag:s9] =	ssyncadd.s32 $0xFFFFFF80  }
0xa6: {  	[spmem:s2] =	stream.indirect.scatter.add.f32 [tilespmem:s1], [sflag:$0x1], $0x1, s7, s10, $0xb8;
	[tilespmem:$0x1500] =	vst v63  }
0xa7: {  	_ =	swait.ge [sflag:s9], $0x80  }
0xa8: {  	[sflag:s9] =	ssyncset.done $0x0;
	s7 =	rddreg [dreg:$0x8]  }
0xa9: {  	s1 =	rddreg [dreg:$0x9];
	[sflag:s9] =	ssyncadd.s32 $0xFFFFFF80  }
0xaa: {  	[spmem:s2] =	stream.indirect.scatter.add.f32 [tilespmem:s1], [sflag:$0x1], $0x1, s7, s10, $0xb8;
	[tilespmem:$0x1500] =	vst v63  }
0xab: {  	_ =	swait.ge [sflag:s9], $0x80  }
0xac: {  	[sflag:s9] =	ssyncset.done $0x0;
	s7 =	rddreg [dreg:$0xa]  }
0xad: {  	s1 =	rddreg [dreg:$0xb];
	[sflag:s9] =	ssyncadd.s32 $0xFFFFFF80  }
0xae: {  	[spmem:s2] =	stream.indirect.scatter.add.f32 [tilespmem:s1], [sflag:$0x1], $0x1, s7, s10, $0xb8;
	[tilespmem:$0x1500] =	vst v63  }
0xaf: {  	_ =	swait.ge [sflag:s9], $0x80  }
0xb0: {  	[sflag:s9] =	ssyncset.done $0x0  }
0xb1: {  	s7 =	rddreg [dreg:$0xc];
	[sflag:s9] =	ssyncadd.s32 $0xFFFFFF80  }
0xb2: {  	[spmem:s2] =	stream.indirect.scatter.add.f32 [tilespmem:s13], [sflag:$0x1], $0x1, s7, s10, $0xb8;
	[tilespmem:$0x1500] =	vst v63  }
0xb3: {  	_ =	swait.ge [sflag:s9], $0x80  }
0xb4: {  	[sflag:s9] =	ssyncset.done $0x0  }
0xb5: {  	[sflag:s9] =	ssyncadd.s32 $0xFFFFFF80  }
0xb6: {  	[spmem:s2] =	stream.indirect.scatter.add.f32 [tilespmem:s15], [sflag:$0x1], $0x1, s14, s10, $0xb8;
	[tilespmem:$0x1500] =	vst v63  }
0xb7: {  	_ =	swait.ge [sflag:s9], $0x80  }
0xb8: {  	[sflag:s9] =	ssyncset.done $0x0  }
0xb9: {  	[sflag:s9] =	ssyncadd.s32 $0xFFFFFF80  }
0xba: {  	[spmem:s2] =	stream.indirect.scatter.add.f32 [tilespmem:s17], [sflag:$0x1], $0x1, s16, s10, $0xb8;
	[tilespmem:$0x1500] =	vst v63  }
0xbb: {  	_ =	swait.ge [sflag:s9], $0x80  }
0xbc: {  	[sflag:s9] =	ssyncset.done $0x0  }
0xbd: {  	[sflag:s9] =	ssyncadd.s32 $0xFFFFFF80  }
0xbe: {  	[spmem:s2] =	stream.indirect.scatter.add.f32 [tilespmem:s18], [sflag:$0x1], $0x1, s11, s10, $0xb8;
	[tilespmem:$0x1500] =	vst v63  }
0xbf: {  	_ =	swait.ge [sflag:s9], $0x80  }
0xc0: {  	[sflag:s9] =	ssyncset.done $0x0  }
0xc1: {  	[sflag:s9] =	ssyncadd.s32 $0xFFFFFF80  }
0xc2: {  	[spmem:s2] =	stream.indirect.scatter.add.f32 [tilespmem:s20], [sflag:$0x1], $0x1, s19, s10, $0xb8;
	[tilespmem:$0x1500] =	vst v63  }
0xc3: {  	_ =	swait.ge [sflag:s9], $0x80  }
0xc4: {  	[sflag:s9] =	ssyncset.done $0x0  }
0xc5: {  	[sflag:s9] =	ssyncadd.s32 $0xFFFFFF80  }
0xc6: {  	[spmem:s2] =	stream.indirect.scatter.add.f32 [tilespmem:s22], [sflag:$0x1], $0x1, s21, s10, $0xb8;
	[tilespmem:$0x1500] =	vst v63  }
0xc7: {  	_ =	swait.ge [sflag:s9], $0x80  }
0xc8: {  	[sflag:s9] =	ssyncset.done $0x0  }
0xc9: {  	[sflag:s9] =	ssyncadd.s32 $0xFFFFFF80  }
0xca: {  	[spmem:s2] =	stream.indirect.scatter.add.f32 [tilespmem:s24], [sflag:$0x1], $0x1, s23, s10, $0xb8;
	[tilespmem:$0x1500] =	vst v63  }
0xcb: {  	_ =	swait.ge [sflag:s9], $0x80  }
0xcc: {  	[sflag:s9] =	ssyncset.done $0x0  }
0xcd: {  	[sflag:s9] =	ssyncadd.s32 $0xFFFFFF80  }
0xce: {  	[spmem:s2] =	stream.indirect.scatter.add.f32 [tilespmem:s26], [sflag:$0x1], $0x1, s25, s10, $0xb8;
	[tilespmem:$0x1500] =	vst v63  }
0xcf: {  	_ =	swait.ge [sflag:s9], $0x80  }
0xd0: {  	[sflag:s9] =	ssyncset.done $0x0  }
0xd1: {  	[sflag:s9] =	ssyncadd.s32 $0xFFFFFF80  }
0xd2: {  	[spmem:s2] =	stream.indirect.scatter.add.f32 [tilespmem:s29], [sflag:$0x1], $0x1, s28, s10, $0xb8;
	[tilespmem:$0x1500] =	vst v63  }
0xd3: {  	_ =	swait.ge [sflag:s9], $0x80  }
0xd4: {  	p0 =	sne.s32 s5, $0x400;
	[sflag:s9] =	ssyncset.done $0x0  }
.Ltmp0:
0xd5: {  	[sflag:s9] =	ssyncadd.s32 $0xFFFFFF80;
	(pc) =	sbr.rel @p0 .LBB2_2-.Ltmp0, $4  }
0xd6: {  	[spmem:s2] =	stream.indirect.scatter.add.f32 [tilespmem:s31], [sflag:$0x1], $0x1, s30, s10, $0xb8;
	[tilespmem:$0x1500] =	vst v63  }
0xd7: {  	_ =	swait.ge [sflag:s9], $0x80  }
0xd8: {  	[sflag:s9] =	ssyncset.done $0x0  }
0xd9: {  	s5 =	sadd.s32 $0x100, s5;
	s6 =	sadd.s32 $0x800, s6;
	[sflag:s9] =	ssyncadd.s32 $0xFFFFFF80  }
0xda: {  	[spmem:s2] =	stream.indirect.scatter.add.f32 [tilespmem:s8], [sflag:$0x1], $0x1, s0, s10, $0xb8;
	[tilespmem:$0x1500] =	vst v63  }
0xdb: {  	_ =	swait.ge [sflag:s9], $0x80  }
0xdc: {  	s4 =	stileid.u32;
	[sflag:s9] =	ssyncset.done $0x0  }
0xdd: {  	s4 =	sshll.u32 s4, $0x6;
	[sflag:s9] =	ssyncadd.s32 $0xFFFFFF80  }
0xde: {  	s1 =	sor.u32 $0x1C01, s4;
	[bflag:$0x0] =	sbarrier.arrive $0xFFFF  }
0xdf: {  	[dreg:$0x12] =	wrdreg s1  }
0xe0: {  	s4 =	rddreg [dreg:$0xd]  }
0xe1: {  	s6 =	simm.s32 $0x10;
	s7 =	rddreg [dreg:$0xe]  }
0xe2: {  	s1 =	simm.s32 $0x20;
	s5 =	sshrl.u32 s4, $0x3;
	s4 =	rddreg [dreg:$0x12]  }
0xe3: {  	[hbm:s7@s1], [sflag:s4] =	dma.strided [spmem:s5@s6], $0x50, s9, $0x10   }
0xe4: {  	s6 =	rddreg [dreg:$0xd];
	_ =	swait.ge [sflag:s9], $0x50  }
0xe5: {  	s5 =	rddreg [dreg:$0x11]  }
0xe6: {  	s7 =	rddreg [dreg:$0xf];
	s1 =	sadd.s32 $0x1, s5  }
0xe7: {  	p0 =	sne.s32 s1, s7  }
.Ltmp1:
0xe8: {  	_ = 	snop;
	(pc) =	sbr.rel @p0 .LBB2_1-.Ltmp1, $3  }
0xe9: {  	_ =	sdelay $0x1  }
0xea: {  	[sflag:s9] =	ssyncset.done $0x0  }
0xeb: {  	[sflag:s9] =	ssyncadd.s32 $0xFFFFFFB0  }
0xec: {  	_ =	sfence.sel $0x180000  }
0xed: {  	[bflag:$0x0] =	sbarrier.arrive $0xFFFF  }
0xee: {  	_ =	strace $0x90000047  }
0xef: {  	s0 =	stileid.u32;
	[bflag:$0x2] =	sbarrier.arrive $0xFFFF  }
0xf0: {  	p0 =	sne.s32 s0, $0x0;
	s0 =	rddreg [dreg:$0x3]  }
0xf1: {  	s0 =	sadd.s32 @!p0 $0x100000, s0  }
0xf2: {  	[sflag:s0] =	ssyncadd.tile.s32 @!p0 $0x1;
	_ =	shalt  }
.Lfunc_end2:
_tile_overlayer_lowered:
.L_overlay_start_2:
0xf3: {  	(tag) =	ssettag $0x2  }
0xf4: {  	s0 =	rddreg [dreg:$0x0];
	s2 =	stileid.u32  }
0xf5: {  	s1 =	rddreg [dreg:$0x1];
	p0 =	sne.s32 s2, $0x0  }
0xf6: {  	s3 =	rddreg [dreg:$0x2];
	[bflag:$0x3] =	sbarrier.arrive $0xFFFF;
	s2 =	simm.s32 @!p0 $0x1C01  }
0xf7: {  	[timem:s3], [sflag:s2] =	dma.local @!p0 [hbm:s0], s1  }
0xf8: {  	s0 =	simm.s32 @!p0 $0x1  }
0xf9: {  	_ =	swait.ge @!p0 [sflag:s0], s1  }
0xfa: {  	s1 =	ssub.s32 @!p0 $0x0, s1;
	[sflag:s0] =	ssyncset.done @!p0 $0x0  }
0xfb: {  	[sflag:s0] =	ssyncadd.s32 @!p0 s1  }
0xfc: {  	[bflag:$0x3] =	sbarrier.arrive $0xFFFF  }
0xfd: {  	_ =	shalt  }

// kernel: kernel.13.cloned.1.call-start
scs
__scs_entry_jumppad:
0x0: {  	(pc) =	sbr.rel $0x88, $3  }
0x1: {  	(tag) =	ssettag $0x0;
	lr =	simm.s32 $0x1  }
0x2: {  	[smem:$0x3F98] =	sst lr;
	_ =	strace $0xD0000000  }
0x3: {  	_ = 	snop  }
0x4: {  	_ = 	snop  }
0x5: {  	_ = 	snop  }
0x6: {  	_ = 	snop  }
0x7: {  	_ = 	snop  }
__scs_overlays_trampoline_lowered:
0x8: {  	[smem:$0x3FA7] =	sst s0  }
0x9: {  	[smem:$0x3FA8] =	sst s1  }
0xa: {  	[smem:$0x3FA9] =	sst s2  }
0xb: {  	[smem:$0x3FAA] =	sst s3  }
0xc: {  	[smem:$0x3FAB] =	sst s4  }
0xd: {  	[smem:$0x3FAC] =	sst s5  }
0xe: {  	[smem:$0x3FAD] =	sst s6  }
0xf: {  	[smem:$0x3FAE] =	sst s7  }
0x10: {  	[smem:$0x3FAF] =	sst s8  }
0x11: {  	[smem:$0x3FB0] =	sst s9;
	s0 =	simm.s32 @!p0 $0x0  }
0x12: {  	s1 =	sld [smem:$0x3F96];
	s0 =	simm.s32 @p0 $0x1  }
0x13: {  	[smem:$0x3FB1] =	sst s0;
	s0 =	simm.s32 @!p1 $0x0  }
0x14: {  	s2 =	sld [smem:$0x3F95];
	s0 =	simm.s32 @p1 $0x1  }
0x15: {  	[smem:$0x3FB2] =	sst s0;
	s0 =	simm.s32 @!p2 $0x0  }
0x16: {  	s3 =	sld [smem:$0x3FDB];
	s0 =	simm.s32 @p2 $0x1  }
0x17: {  	s4 =	simm.s32 $0x1BF5;
	[smem:$0x3FB4] =	sst s0  }
0x18: {  	s0 =	sld [smem:$0x3F97];
	_ =	swait.ge [sflag:s4], $0x0  }
0x19: {  	s7 =	sld [smem:$0x3F98]  }
0x1a: {  	s8 =	sadd.s32 $0xFFFFE003, lr  }
0x1b: {  	s9 =	sadd.s32 $0xFFFFFEF7, lr;
	s5 =	simm.s32 $0xFFFFFFFF;
	p2 =	slt.u32 s8, $0xFFFFF086  }
0x1c: {  	p1 =	slt.u32 s9, $0xF7A;
	s5 =	simm.s32 @!p2 $0x0  }
0x1d: {  	s5 =	simm.s32 @p1 $0x1;
	p0 =	seq.s32 s7, s2  }
0x1e: {  	s7 =	smul.u32 @!p0 $0xF7A, s2;
	p2 =	seq.s32 @!p0 s5, $0x0  }
0x1f: {  	s9 =	smul.u32 $0xF7A, s1;
	s8 =	simm.s32 @!p0 $0x1BF5;
	p2 =	por !p2, p0  }
0x20: {  	[sflag:s8] =	ssyncset.s32 @!p0 $0xFFFFF086;
	s6 =	sadd.s32 @!p0 s3, s7;
	s7 =	simm.s32 @!p0 $0x108  }
0x21: {  	s3 =	sadd.s32 s3, s9;
	s6 =	sadd.s32 @!p0 $0x88, s6;
	s7 =	simm.s32 @p2 $0x1082  }
0x22: {  	[simem:s7], [sflag:s8] =	dma.local @!p0 [hbm:s6], $0xF7A  }
0x23: {  	s9 =	sor.u32 $0xD0000000, s2;
	s6 =	simm.s32 $0x108;
	_ =	swait.ge @!p0 [sflag:s8], $0x0  }
0x24: {  	s3 =	sadd.s32 $0x88, s3;
	s6 =	simm.s32 @!p1 $0x1082;
	[sflag:s4] =	ssyncset.s32 $0xFFFFF086  }
0x25: {  	[simem:s6], [sflag:s4] =	dma.local [hbm:s3], $0xF7A  }
0x26: {  	[smem:$0x3F98] =	sst s1;
	(tag) =	ssettag s2;
	_ =	strace s9  }
0x27: {  	s1 =	sld [smem:$0x3FA8]  }
0x28: {  	s2 =	sld [smem:$0x3FA9]  }
0x29: {  	s4 =	sld [smem:$0x3FAB]  }
0x2a: {  	p0 =	seq.s32 s5, $0x0;
	s5 =	sld [smem:$0x3FAC]  }
0x2b: {  	s6 =	sld [smem:$0x3FAD]  }
0x2c: {  	s7 =	sld [smem:$0x3FAE]  }
0x2d: {  	s3 =	simm.s32 $0x108;
	s8 =	sld [smem:$0x3FAF]  }
0x2e: {  	s3 =	simm.s32 @!p0 $0x1082;
	s9 =	sld [smem:$0x3FB0]  }
0x2f: {  	lr =	sadd.s32 s0, s3;
	s0 =	sld [smem:$0x3FA7]  }
0x30: {  	s3 =	sld [smem:$0x3FAA]  }
0x31: {  	[smem:$0x3FB3] =	sst s10  }
0x32: {  	s10 =	sld [smem:$0x3FB1];
	_ =	sdelay $0x3  }
0x33: {  	p0 =	seq.s32 s10, $0x1;
	s10 =	sld [smem:$0x3FB3];
	_ =	sdelay $0x3  }
0x34: {  	[smem:$0x3FB3] =	sst s10  }
0x35: {  	s10 =	sld [smem:$0x3FB2];
	_ =	sdelay $0x3  }
0x36: {  	p1 =	seq.s32 s10, $0x1;
	s10 =	sld [smem:$0x3FB3];
	_ =	sdelay $0x3  }
0x37: {  	[smem:$0x3FB3] =	sst s10  }
0x38: {  	s10 =	sld [smem:$0x3FB4]  }
0x39: {  	_ = 	snop;
	(pc) =	sbr.ind lr, $3  }
0x3a: {  	_ = 	snop  }
0x3b: {  	_ = 	snop  }
0x3c: {  	p2 =	seq.s32 s10, $0x1;
	s10 =	sld [smem:$0x3FB3]  }
0x3d: {  	_ =	shalt  }
0x3e: {  	_ =	shalt  }
0x3f: {  	_ =	shalt  }
0x40: {  	_ =	shalt  }
0x41: {  	_ =	shalt  }
0x42: {  	_ =	shalt  }
0x43: {  	_ =	shalt  }
0x44: {  	_ =	shalt  }
0x45: {  	_ =	shalt  }
0x46: {  	_ =	shalt  }
0x47: {  	_ =	shalt  }
0x48: {  	_ =	shalt  }
0x49: {  	_ =	shalt  }
0x4a: {  	_ =	shalt  }
0x4b: {  	_ =	shalt  }
0x4c: {  	_ =	shalt  }
0x4d: {  	_ =	shalt  }
0x4e: {  	_ =	shalt  }
0x4f: {  	_ =	shalt  }
0x50: {  	_ =	shalt  }
0x51: {  	_ =	shalt  }
0x52: {  	_ =	shalt  }
0x53: {  	_ =	shalt  }
0x54: {  	_ =	shalt  }
0x55: {  	_ =	shalt  }
0x56: {  	_ =	shalt  }
0x57: {  	_ =	shalt  }
0x58: {  	_ =	shalt  }
0x59: {  	_ =	shalt  }
0x5a: {  	_ =	shalt  }
0x5b: {  	_ =	shalt  }
0x5c: {  	_ =	shalt  }
0x5d: {  	_ =	shalt  }
0x5e: {  	_ =	shalt  }
0x5f: {  	_ =	shalt  }
0x60: {  	_ =	shalt  }
0x61: {  	_ =	shalt  }
0x62: {  	_ =	shalt  }
0x63: {  	_ =	shalt  }
0x64: {  	_ =	shalt  }
0x65: {  	_ =	shalt  }
0x66: {  	_ =	shalt  }
0x67: {  	_ =	shalt  }
0x68: {  	_ =	shalt  }
0x69: {  	_ =	shalt  }
0x6a: {  	_ =	shalt  }
0x6b: {  	_ =	shalt  }
0x6c: {  	_ =	shalt  }
0x6d: {  	_ =	shalt  }
0x6e: {  	_ =	shalt  }
0x6f: {  	_ =	shalt  }
0x70: {  	_ =	shalt  }
0x71: {  	_ =	shalt  }
0x72: {  	_ =	shalt  }
0x73: {  	_ =	shalt  }
0x74: {  	_ =	shalt  }
0x75: {  	_ =	shalt  }
0x76: {  	_ =	shalt  }
0x77: {  	_ =	shalt  }
0x78: {  	_ =	shalt  }
0x79: {  	_ =	shalt  }
0x7a: {  	_ =	shalt  }
0x7b: {  	_ =	shalt  }
0x7c: {  	_ =	shalt  }
0x7d: {  	_ =	shalt  }
0x7e: {  	_ =	shalt  }
0x7f: {  	_ =	shalt  }
0x80: {  	_ =	shalt  }
0x81: {  	_ =	shalt  }
0x82: {  	_ =	shalt  }
0x83: {  	_ =	shalt  }
0x84: {  	_ =	shalt  }
0x85: {  	_ =	shalt  }
0x86: {  	_ =	shalt  }
0x87: {  	_ =	shalt  }
.Lfunc_end0:
.L_simem_size_0:
called_computation.1_lowered:
.L_overlay_start_0:
0x88: {  	s2 =	sld [smem:$0x3FD9]  }
0x89: {  	s3 =	sld [smem:$0x3FFE];
	_ =	sdelay $0x1  }
0x8a: {  	s1 =	srdreg.scid  }
0x8b: {  	s0 =	sand.u32 $0x1, s1  }
0x8c: {  	s17 =	sshll.u32 s0, $0xA;
	s2 =	sadd.s32 s3, s2  }
0x8d: {  	s2 =	sadd.s32 s2, s17  }
0x8e: {  	[smem:$0x3FBF] =	sst s2  }
0x8f: {  	_ = 	snop  }
0x90: {  	s2 =	sld [smem:$0x3FD0];
	(tm) =	ssettm $0x1  }
0x91: {  	s18 =	sld [smem:$0x3FFB];
	_ =	sdelay $0x3  }
0x92: {  	_ =	strace s18  }
0x93: {  	s3 =	sld [smem:$0x3FFC];
	_ =	sdelay $0x3  }
0x94: {  	_ =	strace s3  }
0x95: {  	s3 =	sld [smem:$0x3FFD];
	_ =	sdelay $0x3  }
0x96: {  	_ =	strace s3  }
0x97: {  	_ =	strace $0x8FFFFFFF  }
0x98: {  	s19 =	sld [smem:$0x3FDB];
	_ =	sdelay $0x1  }
0x99: {  	s4 =	simm.s32 $_scs_section_size  }
0x9a: {  	s5 =	simm.s32 $_size__tile_overlayer_lowered;
	s6 =	simm.s32 $_tile_overlayer_lowered  }
0x9b: {  	s22 =	simm.s32 $0x1BFF;
	s21 =	sshll.u32 s6, $0x1;
	s3 =	sadd.s32 s4, s19  }
0x9c: {  	s7 =	simm.s32 $0x0;
	s20 =	sshll.u32 s5, $0x1;
	s5 =	sadd.s32 s21, s3  }
0x9d: {  	[timem:s7], [sflag:s22] =	dma.local [hbm:s5], s20  }
0x9e: {  	_ =	swait.ge [sflag:s22], s20  }
0x9f: {  	s4 =	ssub.s32 $0x0, s20;
	[sflag:s22] =	ssyncset.done $0x0  }
0xa0: {  	[sflag:s22] =	ssyncadd.s32 s4;
	_ =	sdelay $0x1  }
0xa1: {  	s23 =	simm.s32 $0x1B8B  }
0xa2: {  	_ =	swait.ge [sflag:s23], $0x1  }
0xa3: {  	[sflag:s23] =	ssyncset.done $0x0  }
0xa4: {  	s25 =	simm.s32 $0x1B8E;
	s24 =	sld [smem:$0x3FFE];
	[sflag:s23] =	ssyncadd.s32 $0xFFFFFFFF  }
0xa5: {  	s26 =	simm.s32 $execute0_lowered;
	[smem:$0x3FD2] =	sst s25  }
0xa6: {  	s5 =	sshll.u32 s26, $0x1;
	_ =	strace $0x80000049;
	[dreg:$0x1] =	wrdreg $0xFFFFFFFF  }
0xa7: {  	s28 =	simm.s32 $_size_execute0_lowered;
	s3 =	sadd.s32 s3, s5;
	[dreg:$0x0] =	wrdreg $0x0  }
0xa8: {  	s5 =	sshll.u32 s28, $0x1;
	[dreg:$0x2] =	wrdreg s3  }
0xa9: {  	[dreg:$0x3] =	wrdreg s5  }
0xaa: {  	[dreg:$0x4] =	wrdreg $0xC0  }
0xab: {  	_ =	task [dreg:s7], $0x5FFFF  }
0xac: {  	[dreg:$0x1] =	wrdreg $0xFFFFFFFF  }
0xad: {  	[dreg:$0x0] =	wrdreg $0x60  }
0xae: {  	[dreg:$0x2] =	wrdreg s24  }
0xaf: {  	[dreg:$0x3] =	wrdreg s2  }
0xb0: {  	[dreg:$0x4] =	wrdreg $0x98000  }
0xb1: {  	[dreg:$0x5] =	wrdreg $0x9  }
0xb2: {  	_ =	task.clear_ibuf [dreg:s7], $0x6FFFF;
	_ =	strace $0x90000049  }
0xb3: {  	s29 =	simm.s32 $0x9;
	_ =	strace $0x8000004B  }
0xb4: {  	_ =	swait.ge [sflag:s29], $0x1  }
0xb5: {  	[sflag:s29] =	ssyncadd.s32 $0xFFFFFFFF  }
0xb6: {  	_ =	strace $0x9000004B  }
0xb7: {  	_ =	sfence  }
0xb8: {  	s30 =	sld [smem:$0x0];
	_ =	sdelay $0x2  }
0xb9: {  	s31 =	sshll.u32 s1, $0xD;
	s1 =	sshrl.u32 s1, $0x2  }
0xba: {  	s3 =	sand.u32 $0x4000, s31;
	s1 =	sadd.s32 s1, s30  }
0xbb: {  	s0 =	sor.u32 s3, s0;
	s1 =	sshll.u32 s1, $0x11  }
0xbc: {  	s0 =	sor.u32 s1, s0  }
0xbd: {  	s0 =	sadd.s32 $0x8F2B, s0  }
0xbe: {  	[sflag:s0] =	ssyncadd.remote.s32 $0x1  }
0xbf: {  	_ =	sfence.sel $0xFFFF  }
0xc0: {  	[dreg:$0x0] =	wrdreg $0xFFFFFFFF;
	(pc) =	sbr.abs _section_cstart, $3  }
0xc1: {  	[dreg:$0x1] =	wrdreg $0xFFFFFFFF  }
0xc2: {  	_ =	task.clear_ibuf [dreg:s7], $0x2FFFF;
	_ =	strace $0x9FFFFFFF  }
0xc3: {  	(tm) =	ssettm $0x7FFFFFFF  }
tec
execute0_lowered:
.L_overlay_start_1:
0x0: {  	(tag) =	ssettag $0x1  }
0x1: {  	s0 =	rddreg [dreg:$0x0]  }
0x2: {  	s1 =	rddreg [dreg:$0x1]  }
0x3: {  	s2 =	rddreg [dreg:$0x2];
	s3 =	srdreg.scid  }
0x4: {  	s4 =	simm.s32 $0x0;
	s11 =	stileid.u32;
	s17 =	simm.s32 $0x1800  }
0x5: {  	s18 =	simm.s32 $0x1;
	s19 =	simm.s32 $0x800;
	s20 =	simm.s32 $0x80  }
0x6: {  	s21 =	simm.s32 $0x400;
	s22 =	simm.s32 $0x1000;
	s23 =	simm.s32 $0x5800  }
0x7: {  	s24 =	simm.s32 $0x0;
	s3 =	sand.u32 $0x1, s3;
	[smem:$0x7FF] =	sst s4  }
0x8: {  	s8 =	smul.u32 $0x14000, s11;
	s5 =	sadd.s32 $0x17400, s0;
	s6 =	sadd.s32 $0xD400, s0  }
0x9: {  	s10 =	smul.u32 $0x50000, s11;
	s29 =	sshll.u32 s11, $0x1;
	s31 =	sshrl.u32 s11, $0x2  }
0xa: {  	s7 =	smul.u32 $0x140000, s3;
	_ =	strace $0x8000004A;
	s9 =	ssub.s32 $0x2, s3  }
0xb: {  	s3 =	sor.u32 s3, s29;
	s14 =	smul.u32 $0x14000, s31;
	s28 =	sshrl.u32 s9, $0x1  }
0xc: {  	s30 =	sshrl.u32 s10, $0x2;
	s12 =	sshll.u32 s3, $0x7;
	s13 =	smul.u32 $0x2800, s3  }
0xd: {  	s7 =	sadd.s32 s8, s7;
	s16 =	ssub.s32 s9, s28;
	s15 =	sand.u32 $0x380, s12  }
0xe: {  	s8 =	sshrl.u32 s7, $0x3;
	s7 =	sadd.s32 $0x3400, s0;
	s14 =	sor.u32 s15, s14  }
0xf: {  	s16 =	smax.u32 s16, $0x1;
	s0 =	sadd.s32 s8, s0;
	s8 =	sadd.s32 s30, s2  }
0x10: {  	s9 =	sadd.s32 $0x4000, s8;
	s10 =	sadd.s32 $0x8000, s8;
	s11 =	sadd.s32 $0xC000, s8  }
0x11: {  	v0 =	vimm.f32 $0.0e+00;
	s12 =	sadd.s32 $0x10000, s8;
	s15 =	sadd.s32 $0x3F400, s0;
	[dreg:$0x4] =	wrdreg s9  }
.LBB2_1:
0x12: {  	s0 =	simm.s32 $0x0;
	s3 =	simm.s32 $0x200  }
.LBB2_2:
0x13: {  	p0 =	sne.s32 s3, $0xFE00;
	[tilespmem:s0+$0x1870] =	vst v0  }
0x14: {  	[tilespmem:s0+$0x1800] =	vst v0  }
0x15: {  	[tilespmem:s0+$0x1810] =	vst v0  }
.Ltmp0:
0x16: {  	[tilespmem:s0+$0x1820] =	vst v0;
	(pc) =	sbr.rel @p0 .LBB2_2-.Ltmp0, $4  }
0x17: {  	[tilespmem:s0+$0x1830] =	vst v0  }
0x18: {  	[tilespmem:s0+$0x1840] =	vst v0  }
0x19: {  	[tilespmem:s0+$0x1850] =	vst v0  }
0x1a: {  	[tilespmem:s0+$0x1860] =	vst v0;
	s0 =	sshra.s32 s3, $0x2;
	s3 =	sadd.s32 $0x200, s3  }
0x1b: {  	[tilespmem:s0+$0x1870] =	vst v0  }
0x1c: {  	[tilespmem:s0+$0x1800] =	vst v0  }
0x1d: {  	[tilespmem:s0+$0x1810] =	vst v0  }
0x1e: {  	[tilespmem:s0+$0x1820] =	vst v0  }
0x1f: {  	[tilespmem:s0+$0x1830] =	vst v0  }
0x20: {  	[tilespmem:s0+$0x1840] =	vst v0  }
0x21: {  	[tilespmem:s0+$0x1850] =	vst v0  }
0x22: {  	[tilespmem:s0+$0x1860] =	vst v0  }
0x23: {  	[spmem:s8] =	stream.linear.scatter [tilespmem:s17], [sflag:$0x1], $0x4000, $0x38;
	[tilespmem:$0x1D800] =	vst v63  }
0x24: {  	_ =	swait.ge [sflag:s18], $0x4000  }
0x25: {  	[sflag:s18] =	ssyncset.done $0x0  }
0x26: {  	s31 =	rddreg [dreg:$0x4];
	[sflag:s18] =	ssyncadd.s32 $0xFFFFC000  }
0x27: {  	[spmem:s31] =	stream.linear.scatter [tilespmem:s17], [sflag:$0x1], $0x4000, $0x38;
	[tilespmem:$0x1D800] =	vst v63  }
0x28: {  	_ =	swait.ge [sflag:s18], $0x4000  }
0x29: {  	[sflag:s18] =	ssyncset.done $0x0  }
0x2a: {  	[sflag:s18] =	ssyncadd.s32 $0xFFFFC000  }
0x2b: {  	[spmem:s10] =	stream.linear.scatter [tilespmem:s17], [sflag:$0x1], $0x4000, $0x38;
	[tilespmem:$0x1D800] =	vst v63  }
0x2c: {  	_ =	swait.ge [sflag:s18], $0x4000  }
0x2d: {  	[sflag:s18] =	ssyncset.done $0x0  }
0x2e: {  	[sflag:s18] =	ssyncadd.s32 $0xFFFFC000  }
0x2f: {  	[spmem:s11] =	stream.linear.scatter [tilespmem:s17], [sflag:$0x1], $0x4000, $0x38;
	[tilespmem:$0x1D800] =	vst v63  }
0x30: {  	_ =	swait.ge [sflag:s18], $0x4000  }
0x31: {  	[sflag:s18] =	ssyncset.done $0x0  }
0x32: {  	[sflag:s18] =	ssyncadd.s32 $0xFFFFC000  }
0x33: {  	[spmem:s12] =	stream.linear.scatter [tilespmem:s17], [sflag:$0x1], $0x4000, $0x38;
	[tilespmem:$0x1D800] =	vst v63  }
0x34: {  	_ =	swait.ge [sflag:s18], $0x4000  }
0x35: {  	[sflag:s18] =	ssyncset.done $0x0  }
0x36: {  	[sflag:s18] =	ssyncadd.s32 $0xFFFFC000  }
0x37: {  	s25 =	simm.s32 $0x0;
	[bflag:$0x0] =	sbarrier.arrive $0xFFFF  }
.LBB2_4:
0x38: {  	s0 =	sshll.u32 s25, $0xB  }
0x39: {  	s0 =	sadd.s32 s13, s0  }
0x3a: {  	s0 =	sshrl.u32 s0, $0x3  }
0x3b: {  	s3 =	sadd.s32 s6, s0  }
0x3c: {  	[tilespmem:s24], [sflag:$0x1] =	stream.linear.gather [hbm4b:s3+s24], $0x800, $0x38;
	[tilespmem:$0x1D800] =	vst v63  }
0x3d: {  	_ =	swait.ge [sflag:s18], $0x800  }
0x3e: {  	[sflag:s18] =	ssyncset.done $0x0  }
0x3f: {  	s31 =	sshll.u32 s25, $0xE;
	s0 =	sadd.s32 s1, s0;
	[sflag:s18] =	ssyncadd.s32 $0xFFFFF800  }
0x40: {  	[tilespmem:s19], [sflag:$0x1] =	stream.linear.gather [hbm4b:s0+s24], $0x800, $0x38;
	[tilespmem:$0x1D800] =	vst v63  }
0x41: {  	s0 =	sadd.s32 s14, s31;
	_ =	swait.ge [sflag:s18], $0x800  }
0x42: {  	s0 =	sshrl.u32 s0, $0x3;
	[sflag:s18] =	ssyncset.done $0x0  }
0x43: {  	s0 =	sadd.s32 s7, s0;
	[sflag:s18] =	ssyncadd.s32 $0xFFFFF800  }
0x44: {  	[tilespmem:s22], [sflag:$0x1] =	stream.strided.gather [hbm4b:s0+s20], $0x800, s21, s20, $0x38;
	[tilespmem:$0x1D800] =	vst v63  }
0x45: {  	_ =	swait.ge [sflag:s18], $0x800  }
0x46: {  	[sflag:s18] =	ssyncset.done $0x0  }
0x47: {  	s26 =	simm.s32 $0x0;
	s28 =	simm.s32 $0x0;
	[sflag:s18] =	ssyncadd.s32 $0xFFFFF800  }
.LBB2_5:
0x48: {  	s0 =	sadd.s32 $0xFFFFFFFE, s26  }
0x49: {  	s3 =	sadd.s32 $0x2, s0  }
0x4a: {  	v1 =	vmov s3  }
0x4b: {  	v1 =	vand.u32 $0xFFFFFFFE, v1  }
0x4c: {  	s29 =	sshll.u32 s28, $0x7;
	v1 =	vbroadcast v1, $0x0  }
0x4d: {  	[tilespmem:s17], [sflag:$0x1] =	stream.indirect.gather [hbm4b:s5+s20], $0x80, s29, s20, $0xb8;
	[tilespmem:$0x1D800] =	vst v63  }
0x4e: {  	_ =	swait.ge [sflag:s18], $0x4000  }
0x4f: {  	[sflag:s18] =	ssyncset.done $0x0  }
0x50: {  	s30 =	simm.s32 $0x1880;
	[sflag:s18] =	ssyncadd.s32 $0xFFFFC000  }
0x51: {  	v2 =	vld [tilespmem:s30+$0xFFFFFF80]  }
0x52: {  	v1 =	vld.idx.msk [tilespmem:v1+s22+$0x0], $0xffff;
	_ =	sdelay $0x4  }
0x53: {  	v2 =	vmul.f32 v2, v1  }
0x54: {  	s31 =	simm.s32 $0x5880  }
0x55: {  	[tilespmem:s31+$0xFFFFFF80] =	vst v2  }
0x56: {  	v2 =	vld [tilespmem:s30+$0xFFFFFF90];
	_ =	sdelay $0x4  }
0x57: {  	v2 =	vmul.f32 v2, v1;
	_ =	sdelay $0x1  }
0x58: {  	[tilespmem:s31+$0xFFFFFF90] =	vst v2  }
0x59: {  	v2 =	vld [tilespmem:s30+$0xFFFFFFA0];
	_ =	sdelay $0x4  }
0x5a: {  	v2 =	vmul.f32 v2, v1;
	_ =	sdelay $0x1  }
0x5b: {  	[tilespmem:s31+$0xFFFFFFA0] =	vst v2  }
0x5c: {  	v2 =	vld [tilespmem:s30+$0xFFFFFFB0];
	_ =	sdelay $0x4  }
0x5d: {  	v2 =	vmul.f32 v2, v1;
	_ =	sdelay $0x1  }
0x5e: {  	[tilespmem:s31+$0xFFFFFFB0] =	vst v2  }
0x5f: {  	v2 =	vld [tilespmem:s30+$0xFFFFFFC0];
	_ =	sdelay $0x4  }
0x60: {  	v2 =	vmul.f32 v2, v1;
	_ =	sdelay $0x1  }
0x61: {  	[tilespmem:s31+$0xFFFFFFC0] =	vst v2  }
0x62: {  	v2 =	vld [tilespmem:s30+$0xFFFFFFD0];
	_ =	sdelay $0x4  }
0x63: {  	v2 =	vmul.f32 v2, v1;
	_ =	sdelay $0x1  }
0x64: {  	[tilespmem:s31+$0xFFFFFFD0] =	vst v2  }
0x65: {  	v2 =	vld [tilespmem:s30+$0xFFFFFFE0];
	_ =	sdelay $0x4  }
0x66: {  	v2 =	vmul.f32 v2, v1;
	_ =	sdelay $0x1  }
0x67: {  	[tilespmem:s31+$0xFFFFFFE0] =	vst v2  }
0x68: {  	v2 =	vld [tilespmem:s30+$0xFFFFFFF0];
	_ =	sdelay $0x1  }
0x69: {  	s0 =	sadd.s32 $0x3, s0  }
0x6a: {  	v3 =	vmov s0;
	_ =	sdelay $0x1  }
0x6b: {  	v1 =	vmul.f32 v2, v1;
	_ =	sdelay $0x1  }
0x6c: {  	[tilespmem:s31+$0xFFFFFFF0] =	vst v1  }
0x6d: {  	v1 =	vld.idx.msk [tilespmem:v3+s22+$0x0], $0xffff  }
0x6e: {  	v2 =	vld [tilespmem:s30+$0x0];
	_ =	sdelay $0x4  }
0x6f: {  	v2 =	vmul.f32 v2, v1;
	_ =	sdelay $0x1  }
0x70: {  	[tilespmem:s31+$0x0] =	vst v2  }
0x71: {  	v2 =	vld [tilespmem:s30+$0x10];
	_ =	sdelay $0x4  }
0x72: {  	v2 =	vmul.f32 v2, v1;
	_ =	sdelay $0x1  }
0x73: {  	[tilespmem:s31+$0x10] =	vst v2  }
0x74: {  	v2 =	vld [tilespmem:s30+$0x20];
	_ =	sdelay $0x4  }
0x75: {  	v2 =	vmul.f32 v2, v1;
	_ =	sdelay $0x1  }
0x76: {  	[tilespmem:s31+$0x20] =	vst v2  }
0x77: {  	v2 =	vld [tilespmem:s30+$0x30];
	_ =	sdelay $0x4  }
0x78: {  	v2 =	vmul.f32 v2, v1;
	_ =	sdelay $0x1  }
0x79: {  	[tilespmem:s31+$0x30] =	vst v2  }
0x7a: {  	v2 =	vld [tilespmem:s30+$0x40];
	_ =	sdelay $0x4  }
0x7b: {  	v2 =	vmul.f32 v2, v1;
	_ =	sdelay $0x1  }
0x7c: {  	[tilespmem:s31+$0x40] =	vst v2  }
0x7d: {  	v2 =	vld [tilespmem:s30+$0x50];
	_ =	sdelay $0x4  }
0x7e: {  	v2 =	vmul.f32 v2, v1;
	_ =	sdelay $0x1  }
0x7f: {  	[tilespmem:s31+$0x50] =	vst v2  }
0x80: {  	v2 =	vld [tilespmem:s30+$0x60];
	_ =	sdelay $0x4  }
0x81: {  	s0 =	simm.s32 $0x0;
	v2 =	vmul.f32 v2, v1  }
.LBB2_6:
0x82: {  	s3 =	sadd.s32 s0, s26;
	s0 =	sadd.s32 $0x2, s0  }
0x83: {  	s9 =	sadd.s32 $0x2, s3;
	p0 =	slt.u32 s0, $0x7E;
	[tilespmem:s31+$0x60] =	vst v2  }
0x84: {  	v2 =	vmov s9;
	v3 =	vld [tilespmem:s30+$0x70]  }
0x85: {  	v2 =	vand.u32 $0xFFFFFFFE, v2  }
0x86: {  	v2 =	vbroadcast v2, $0x0;
	_ =	sdelay $0x2  }
0x87: {  	v1 =	vmul.f32 v3, v1;
	_ =	sdelay $0x1  }
0x88: {  	[tilespmem:s31+$0x70] =	vst v1  }
0x89: {  	s30 =	sadd.s32 $0x100, s30;
	v1 =	vld.idx.msk [tilespmem:v2+s22+$0x0], $0xffff  }
0x8a: {  	v2 =	vld [tilespmem:s30+$0xFFFFFF80];
	_ =	sdelay $0x4  }
0x8b: {  	v2 =	vmul.f32 v2, v1  }
0x8c: {  	s31 =	sadd.s32 $0x100, s31  }
0x8d: {  	[tilespmem:s31+$0xFFFFFF80] =	vst v2  }
0x8e: {  	v2 =	vld [tilespmem:s30+$0xFFFFFF90];
	_ =	sdelay $0x4  }
0x8f: {  	v2 =	vmul.f32 v2, v1;
	_ =	sdelay $0x1  }
0x90: {  	[tilespmem:s31+$0xFFFFFF90] =	vst v2  }
0x91: {  	v2 =	vld [tilespmem:s30+$0xFFFFFFA0];
	_ =	sdelay $0x4  }
0x92: {  	v2 =	vmul.f32 v2, v1;
	_ =	sdelay $0x1  }
0x93: {  	[tilespmem:s31+$0xFFFFFFA0] =	vst v2  }
0x94: {  	v2 =	vld [tilespmem:s30+$0xFFFFFFB0];
	_ =	sdelay $0x4  }
0x95: {  	v2 =	vmul.f32 v2, v1;
	_ =	sdelay $0x1  }
0x96: {  	[tilespmem:s31+$0xFFFFFFB0] =	vst v2  }
0x97: {  	v2 =	vld [tilespmem:s30+$0xFFFFFFC0];
	_ =	sdelay $0x4  }
0x98: {  	v2 =	vmul.f32 v2, v1;
	_ =	sdelay $0x1  }
0x99: {  	[tilespmem:s31+$0xFFFFFFC0] =	vst v2  }
0x9a: {  	v2 =	vld [tilespmem:s30+$0xFFFFFFD0];
	_ =	sdelay $0x4  }
0x9b: {  	v2 =	vmul.f32 v2, v1;
	_ =	sdelay $0x1  }
0x9c: {  	[tilespmem:s31+$0xFFFFFFD0] =	vst v2  }
0x9d: {  	v2 =	vld [tilespmem:s30+$0xFFFFFFE0];
	_ =	sdelay $0x4  }
0x9e: {  	v2 =	vmul.f32 v2, v1;
	_ =	sdelay $0x1  }
0x9f: {  	[tilespmem:s31+$0xFFFFFFE0] =	vst v2  }
0xa0: {  	v2 =	vld [tilespmem:s30+$0xFFFFFFF0];
	_ =	sdelay $0x1  }
0xa1: {  	s3 =	sadd.s32 $0x3, s3  }
0xa2: {  	v3 =	vmov s3;
	_ =	sdelay $0x1  }
0xa3: {  	v1 =	vmul.f32 v2, v1;
	_ =	sdelay $0x1  }
0xa4: {  	[tilespmem:s31+$0xFFFFFFF0] =	vst v1  }
0xa5: {  	v1 =	vld.idx.msk [tilespmem:v3+s22+$0x0], $0xffff  }
0xa6: {  	v2 =	vld [tilespmem:s30+$0x0];
	_ =	sdelay $0x4  }
0xa7: {  	v2 =	vmul.f32 v2, v1;
	_ =	sdelay $0x1  }
0xa8: {  	[tilespmem:s31+$0x0] =	vst v2  }
0xa9: {  	v2 =	vld [tilespmem:s30+$0x10];
	_ =	sdelay $0x4  }
0xaa: {  	v2 =	vmul.f32 v2, v1;
	_ =	sdelay $0x1  }
0xab: {  	[tilespmem:s31+$0x10] =	vst v2  }
0xac: {  	v2 =	vld [tilespmem:s30+$0x20];
	_ =	sdelay $0x4  }
0xad: {  	v2 =	vmul.f32 v2, v1;
	_ =	sdelay $0x1  }
0xae: {  	[tilespmem:s31+$0x20] =	vst v2  }
0xaf: {  	v2 =	vld [tilespmem:s30+$0x30];
	_ =	sdelay $0x4  }
0xb0: {  	v2 =	vmul.f32 v2, v1;
	_ =	sdelay $0x1  }
0xb1: {  	[tilespmem:s31+$0x30] =	vst v2  }
0xb2: {  	v2 =	vld [tilespmem:s30+$0x40];
	_ =	sdelay $0x4  }
0xb3: {  	v2 =	vmul.f32 v2, v1;
	_ =	sdelay $0x1  }
0xb4: {  	[tilespmem:s31+$0x40] =	vst v2  }
0xb5: {  	v2 =	vld [tilespmem:s30+$0x50];
	_ =	sdelay $0x4  }
0xb6: {  	v2 =	vmul.f32 v2, v1;
	_ =	sdelay $0x1  }
0xb7: {  	[tilespmem:s31+$0x50] =	vst v2  }
0xb8: {  	v2 =	vld [tilespmem:s30+$0x60]  }
.Ltmp1:
0xb9: {  	(pc) =	sbr.rel @p0 .LBB2_6-.Ltmp1, $2  }
0xba: {  	_ =	sdelay $0x2  }
0xbb: {  	v2 =	vmul.f32 v2, v1  }
0xbc: {  	_ = 	snop  }
0xbd: {  	[tilespmem:s31+$0x60] =	vst v2  }
0xbe: {  	v2 =	vld [tilespmem:s30+$0x70];
	_ =	sdelay $0x4  }
0xbf: {  	s28 =	sadd.s32 $0x1, s28;
	v1 =	vmul.f32 v2, v1  }
0xc0: {  	p0 =	sne.s32 s28, $0x10  }
.Ltmp2:
0xc1: {  	s0 =	sadd.s32 $0x800, s29;
	[tilespmem:s31+$0x70] =	vst v1;
	(pc) =	sbr.rel @p0 .LBB2_5-.Ltmp2, $4  }
0xc2: {  	[spmem:s2] =	stream.indirect.scatter.add.f32 [tilespmem:s23], [sflag:$0x1], $0x80, s0, s20, $0xb8;
	[tilespmem:$0x1D800] =	vst v63  }
0xc3: {  	_ =	swait.ge [sflag:s18], $0x4000  }
0xc4: {  	[sflag:s18] =	ssyncset.done $0x0  }
0xc5: {  	s26 =	sadd.s32 $0x80, s26;
	[sflag:s18] =	ssyncadd.s32 $0xFFFFC000  }
0xc6: {  	s25 =	sadd.s32 $0x1, s25  }
0xc7: {  	p0 =	sne.s32 s25, $0x5  }
.Ltmp3:
0xc8: {  	_ = 	snop;
	(pc) =	sbr.rel @p0 .LBB2_4-.Ltmp3, $1  }
0xc9: {  	_ =	sdelay $0x3  }
0xca: {  	s0 =	stileid.u32;
	s4 =	sadd.s32 $0x1, s4  }
0xcb: {  	[bflag:$0x0] =	sbarrier.arrive $0xFFFF;
	s0 =	sshll.u32 s0, $0x6;
	p0 =	sne.s32 s4, s16  }
.Ltmp4:
0xcc: {  	s3 =	sshrl.u32 s8, $0x3;
	s0 =	sor.u32 $0x1C01, s0;
	(pc) =	sbr.rel @p0 .LBB2_1-.Ltmp4, $4  }
0xcd: {  	[hbm:s15], [sflag:s0] =	dma.local [spmem:s3], $0x2800  }
0xce: {  	_ =	swait.ge [sflag:s18], $0x2800  }
0xcf: {  	[sflag:s18] =	ssyncset.done $0x0  }
0xd0: {  	[sflag:s18] =	ssyncadd.s32 $0xFFFFD800  }
0xd1: {  	_ =	sfence.sel $0x180000  }
0xd2: {  	[bflag:$0x0] =	sbarrier.arrive $0xFFFF  }
0xd3: {  	_ =	strace $0x9000004A  }
0xd4: {  	s0 =	stileid.u32;
	[bflag:$0x2] =	sbarrier.arrive $0xFFFF  }
0xd5: {  	p0 =	sne.s32 s0, $0x0;
	s0 =	rddreg [dreg:$0x3]  }
0xd6: {  	s0 =	sadd.s32 @!p0 $0x100000, s0  }
0xd7: {  	[sflag:s0] =	ssyncadd.tile.s32 @!p0 $0x1;
	_ =	shalt  }
.Lfunc_end2:
_tile_overlayer_lowered:
.L_overlay_start_2:
0xd8: {  	(tag) =	ssettag $0x2  }
0xd9: {  	s0 =	rddreg [dreg:$0x0];
	s2 =	stileid.u32  }
0xda: {  	s1 =	rddreg [dreg:$0x1];
	p0 =	sne.s32 s2, $0x0  }
0xdb: {  	s3 =	rddreg [dreg:$0x2];
	[bflag:$0x3] =	sbarrier.arrive $0xFFFF;
	s2 =	simm.s32 @!p0 $0x1C01  }
0xdc: {  	[timem:s3], [sflag:s2] =	dma.local @!p0 [hbm:s0], s1  }
0xdd: {  	s0 =	simm.s32 @!p0 $0x1  }
0xde: {  	_ =	swait.ge @!p0 [sflag:s0], s1  }
0xdf: {  	s1 =	ssub.s32 @!p0 $0x0, s1;
	[sflag:s0] =	ssyncset.done @!p0 $0x0  }
0xe0: {  	[sflag:s0] =	ssyncadd.s32 @!p0 s1  }
0xe1: {  	[bflag:$0x3] =	sbarrier.arrive $0xFFFF  }
0xe2: {  	_ =	shalt  }

// kernel: kernel.16.cloned.1.call-start
scs
__scs_entry_jumppad:
0x0: {  	(pc) =	sbr.rel $0x88, $3  }
0x1: {  	(tag) =	ssettag $0x0;
	lr =	simm.s32 $0x1  }
0x2: {  	[smem:$0x3F98] =	sst lr;
	_ =	strace $0xD0000000  }
0x3: {  	_ = 	snop  }
0x4: {  	_ = 	snop  }
0x5: {  	_ = 	snop  }
0x6: {  	_ = 	snop  }
0x7: {  	_ = 	snop  }
__scs_overlays_trampoline_lowered:
0x8: {  	[smem:$0x3FA7] =	sst s0  }
0x9: {  	[smem:$0x3FA8] =	sst s1  }
0xa: {  	[smem:$0x3FA9] =	sst s2  }
0xb: {  	[smem:$0x3FAA] =	sst s3  }
0xc: {  	[smem:$0x3FAB] =	sst s4  }
0xd: {  	[smem:$0x3FAC] =	sst s5  }
0xe: {  	[smem:$0x3FAD] =	sst s6  }
0xf: {  	[smem:$0x3FAE] =	sst s7  }
0x10: {  	[smem:$0x3FAF] =	sst s8  }
0x11: {  	[smem:$0x3FB0] =	sst s9;
	s0 =	simm.s32 @!p0 $0x0  }
0x12: {  	s1 =	sld [smem:$0x3F96];
	s0 =	simm.s32 @p0 $0x1  }
0x13: {  	[smem:$0x3FB1] =	sst s0;
	s0 =	simm.s32 @!p1 $0x0  }
0x14: {  	s2 =	sld [smem:$0x3F95];
	s0 =	simm.s32 @p1 $0x1  }
0x15: {  	[smem:$0x3FB2] =	sst s0;
	s0 =	simm.s32 @!p2 $0x0  }
0x16: {  	s3 =	sld [smem:$0x3FDB];
	s0 =	simm.s32 @p2 $0x1  }
0x17: {  	s4 =	simm.s32 $0x1BF5;
	[smem:$0x3FB4] =	sst s0  }
0x18: {  	s0 =	sld [smem:$0x3F97];
	_ =	swait.ge [sflag:s4], $0x0  }
0x19: {  	s7 =	sld [smem:$0x3F98]  }
0x1a: {  	s8 =	sadd.s32 $0xFFFFE003, lr  }
0x1b: {  	s9 =	sadd.s32 $0xFFFFFEF7, lr;
	s5 =	simm.s32 $0xFFFFFFFF;
	p2 =	slt.u32 s8, $0xFFFFF086  }
0x1c: {  	p1 =	slt.u32 s9, $0xF7A;
	s5 =	simm.s32 @!p2 $0x0  }
0x1d: {  	s5 =	simm.s32 @p1 $0x1;
	p0 =	seq.s32 s7, s2  }
0x1e: {  	s7 =	smul.u32 @!p0 $0xF7A, s2;
	p2 =	seq.s32 @!p0 s5, $0x0  }
0x1f: {  	s9 =	smul.u32 $0xF7A, s1;
	s8 =	simm.s32 @!p0 $0x1BF5;
	p2 =	por !p2, p0  }
0x20: {  	[sflag:s8] =	ssyncset.s32 @!p0 $0xFFFFF086;
	s6 =	sadd.s32 @!p0 s3, s7;
	s7 =	simm.s32 @!p0 $0x108  }
0x21: {  	s3 =	sadd.s32 s3, s9;
	s6 =	sadd.s32 @!p0 $0x88, s6;
	s7 =	simm.s32 @p2 $0x1082  }
0x22: {  	[simem:s7], [sflag:s8] =	dma.local @!p0 [hbm:s6], $0xF7A  }
0x23: {  	s9 =	sor.u32 $0xD0000000, s2;
	s6 =	simm.s32 $0x108;
	_ =	swait.ge @!p0 [sflag:s8], $0x0  }
0x24: {  	s3 =	sadd.s32 $0x88, s3;
	s6 =	simm.s32 @!p1 $0x1082;
	[sflag:s4] =	ssyncset.s32 $0xFFFFF086  }
0x25: {  	[simem:s6], [sflag:s4] =	dma.local [hbm:s3], $0xF7A  }
0x26: {  	[smem:$0x3F98] =	sst s1;
	(tag) =	ssettag s2;
	_ =	strace s9  }
0x27: {  	s1 =	sld [smem:$0x3FA8]  }
0x28: {  	s2 =	sld [smem:$0x3FA9]  }
0x29: {  	s4 =	sld [smem:$0x3FAB]  }
0x2a: {  	p0 =	seq.s32 s5, $0x0;
	s5 =	sld [smem:$0x3FAC]  }
0x2b: {  	s6 =	sld [smem:$0x3FAD]  }
0x2c: {  	s7 =	sld [smem:$0x3FAE]  }
0x2d: {  	s3 =	simm.s32 $0x108;
	s8 =	sld [smem:$0x3FAF]  }
0x2e: {  	s3 =	simm.s32 @!p0 $0x1082;
	s9 =	sld [smem:$0x3FB0]  }
0x2f: {  	lr =	sadd.s32 s0, s3;
	s0 =	sld [smem:$0x3FA7]  }
0x30: {  	s3 =	sld [smem:$0x3FAA]  }
0x31: {  	[smem:$0x3FB3] =	sst s10  }
0x32: {  	s10 =	sld [smem:$0x3FB1];
	_ =	sdelay $0x3  }
0x33: {  	p0 =	seq.s32 s10, $0x1;
	s10 =	sld [smem:$0x3FB3];
	_ =	sdelay $0x3  }
0x34: {  	[smem:$0x3FB3] =	sst s10  }
0x35: {  	s10 =	sld [smem:$0x3FB2];
	_ =	sdelay $0x3  }
0x36: {  	p1 =	seq.s32 s10, $0x1;
	s10 =	sld [smem:$0x3FB3];
	_ =	sdelay $0x3  }
0x37: {  	[smem:$0x3FB3] =	sst s10  }
0x38: {  	s10 =	sld [smem:$0x3FB4]  }
0x39: {  	_ = 	snop;
	(pc) =	sbr.ind lr, $3  }
0x3a: {  	_ = 	snop  }
0x3b: {  	_ = 	snop  }
0x3c: {  	p2 =	seq.s32 s10, $0x1;
	s10 =	sld [smem:$0x3FB3]  }
0x3d: {  	_ =	shalt  }
0x3e: {  	_ =	shalt  }
0x3f: {  	_ =	shalt  }
0x40: {  	_ =	shalt  }
0x41: {  	_ =	shalt  }
0x42: {  	_ =	shalt  }
0x43: {  	_ =	shalt  }
0x44: {  	_ =	shalt  }
0x45: {  	_ =	shalt  }
0x46: {  	_ =	shalt  }
0x47: {  	_ =	shalt  }
0x48: {  	_ =	shalt  }
0x49: {  	_ =	shalt  }
0x4a: {  	_ =	shalt  }
0x4b: {  	_ =	shalt  }
0x4c: {  	_ =	shalt  }
0x4d: {  	_ =	shalt  }
0x4e: {  	_ =	shalt  }
0x4f: {  	_ =	shalt  }
0x50: {  	_ =	shalt  }
0x51: {  	_ =	shalt  }
0x52: {  	_ =	shalt  }
0x53: {  	_ =	shalt  }
0x54: {  	_ =	shalt  }
0x55: {  	_ =	shalt  }
0x56: {  	_ =	shalt  }
0x57: {  	_ =	shalt  }
0x58: {  	_ =	shalt  }
0x59: {  	_ =	shalt  }
0x5a: {  	_ =	shalt  }
0x5b: {  	_ =	shalt  }
0x5c: {  	_ =	shalt  }
0x5d: {  	_ =	shalt  }
0x5e: {  	_ =	shalt  }
0x5f: {  	_ =	shalt  }
0x60: {  	_ =	shalt  }
0x61: {  	_ =	shalt  }
0x62: {  	_ =	shalt  }
0x63: {  	_ =	shalt  }
0x64: {  	_ =	shalt  }
0x65: {  	_ =	shalt  }
0x66: {  	_ =	shalt  }
0x67: {  	_ =	shalt  }
0x68: {  	_ =	shalt  }
0x69: {  	_ =	shalt  }
0x6a: {  	_ =	shalt  }
0x6b: {  	_ =	shalt  }
0x6c: {  	_ =	shalt  }
0x6d: {  	_ =	shalt  }
0x6e: {  	_ =	shalt  }
0x6f: {  	_ =	shalt  }
0x70: {  	_ =	shalt  }
0x71: {  	_ =	shalt  }
0x72: {  	_ =	shalt  }
0x73: {  	_ =	shalt  }
0x74: {  	_ =	shalt  }
0x75: {  	_ =	shalt  }
0x76: {  	_ =	shalt  }
0x77: {  	_ =	shalt  }
0x78: {  	_ =	shalt  }
0x79: {  	_ =	shalt  }
0x7a: {  	_ =	shalt  }
0x7b: {  	_ =	shalt  }
0x7c: {  	_ =	shalt  }
0x7d: {  	_ =	shalt  }
0x7e: {  	_ =	shalt  }
0x7f: {  	_ =	shalt  }
0x80: {  	_ =	shalt  }
0x81: {  	_ =	shalt  }
0x82: {  	_ =	shalt  }
0x83: {  	_ =	shalt  }
0x84: {  	_ =	shalt  }
0x85: {  	_ =	shalt  }
0x86: {  	_ =	shalt  }
0x87: {  	_ =	shalt  }
.Lfunc_end0:
.L_simem_size_0:
called_computation.2_lowered:
.L_overlay_start_0:
0x88: {  	s2 =	sld [smem:$0x3FD9]  }
0x89: {  	s3 =	sld [smem:$0x3FFE];
	_ =	sdelay $0x1  }
0x8a: {  	s1 =	srdreg.scid  }
0x8b: {  	s0 =	sand.u32 $0x1, s1  }
0x8c: {  	s17 =	sshll.u32 s0, $0xA;
	s2 =	sadd.s32 s3, s2  }
0x8d: {  	s2 =	sadd.s32 s2, s17  }
0x8e: {  	[smem:$0x3FBF] =	sst s2  }
0x8f: {  	_ = 	snop  }
0x90: {  	s2 =	sld [smem:$0x3FD0];
	(tm) =	ssettm $0x1  }
0x91: {  	s18 =	sld [smem:$0x3FFB];
	_ =	sdelay $0x3  }
0x92: {  	_ =	strace s18  }
0x93: {  	s3 =	sld [smem:$0x3FFC];
	_ =	sdelay $0x3  }
0x94: {  	_ =	strace s3  }
0x95: {  	s3 =	sld [smem:$0x3FFD];
	_ =	sdelay $0x3  }
0x96: {  	_ =	strace s3  }
0x97: {  	_ =	strace $0x8FFFFFFF  }
0x98: {  	s19 =	sld [smem:$0x3FDB];
	_ =	sdelay $0x1  }
0x99: {  	s4 =	simm.s32 $_scs_section_size  }
0x9a: {  	s5 =	simm.s32 $_size__tile_overlayer_lowered;
	s6 =	simm.s32 $_tile_overlayer_lowered  }
0x9b: {  	s22 =	simm.s32 $0x1BFF;
	s21 =	sshll.u32 s6, $0x1;
	s3 =	sadd.s32 s4, s19  }
0x9c: {  	s7 =	simm.s32 $0x0;
	s20 =	sshll.u32 s5, $0x1;
	s5 =	sadd.s32 s21, s3  }
0x9d: {  	[timem:s7], [sflag:s22] =	dma.local [hbm:s5], s20  }
0x9e: {  	_ =	swait.ge [sflag:s22], s20  }
0x9f: {  	s4 =	ssub.s32 $0x0, s20;
	[sflag:s22] =	ssyncset.done $0x0  }
0xa0: {  	[sflag:s22] =	ssyncadd.s32 s4;
	_ =	sdelay $0x1  }
0xa1: {  	s23 =	simm.s32 $0x1B8B  }
0xa2: {  	_ =	swait.ge [sflag:s23], $0x1  }
0xa3: {  	[sflag:s23] =	ssyncset.done $0x0  }
0xa4: {  	s25 =	simm.s32 $0x1B8E;
	s24 =	sld [smem:$0x3FFE];
	[sflag:s23] =	ssyncadd.s32 $0xFFFFFFFF  }
0xa5: {  	s26 =	simm.s32 $execute0_lowered;
	[smem:$0x3FD2] =	sst s25  }
0xa6: {  	s5 =	sshll.u32 s26, $0x1;
	_ =	strace $0x8000004C;
	[dreg:$0x1] =	wrdreg $0xFFFFFFFF  }
0xa7: {  	s28 =	simm.s32 $_size_execute0_lowered;
	s3 =	sadd.s32 s3, s5;
	[dreg:$0x0] =	wrdreg $0x0  }
0xa8: {  	s5 =	sshll.u32 s28, $0x1;
	[dreg:$0x2] =	wrdreg s3  }
0xa9: {  	[dreg:$0x3] =	wrdreg s5  }
0xaa: {  	[dreg:$0x4] =	wrdreg $0xC0  }
0xab: {  	_ =	task [dreg:s7], $0x5FFFF  }
0xac: {  	[dreg:$0x1] =	wrdreg $0xFFFFFFFF  }
0xad: {  	[dreg:$0x0] =	wrdreg $0x60  }
0xae: {  	[dreg:$0x2] =	wrdreg s24  }
0xaf: {  	[dreg:$0x3] =	wrdreg s2  }
0xb0: {  	[dreg:$0x4] =	wrdreg $0x98000  }
0xb1: {  	[dreg:$0x5] =	wrdreg $0x9  }
0xb2: {  	_ =	task.clear_ibuf [dreg:s7], $0x6FFFF;
	_ =	strace $0x9000004C  }
0xb3: {  	s29 =	simm.s32 $0x9;
	_ =	strace $0x8000004E  }
0xb4: {  	_ =	swait.ge [sflag:s29], $0x1  }
0xb5: {  	[sflag:s29] =	ssyncadd.s32 $0xFFFFFFFF  }
0xb6: {  	_ =	strace $0x9000004E  }
0xb7: {  	_ =	sfence  }
0xb8: {  	s30 =	sld [smem:$0x0];
	_ =	sdelay $0x2  }
0xb9: {  	s31 =	sshll.u32 s1, $0xD;
	s1 =	sshrl.u32 s1, $0x2  }
0xba: {  	s3 =	sand.u32 $0x4000, s31;
	s1 =	sadd.s32 s1, s30  }
0xbb: {  	s0 =	sor.u32 s3, s0;
	s1 =	sshll.u32 s1, $0x11  }
0xbc: {  	s0 =	sor.u32 s1, s0  }
0xbd: {  	s0 =	sadd.s32 $0x8F2B, s0  }
0xbe: {  	[sflag:s0] =	ssyncadd.remote.s32 $0x1  }
0xbf: {  	_ =	sfence.sel $0xFFFF  }
0xc0: {  	[dreg:$0x0] =	wrdreg $0xFFFFFFFF;
	(pc) =	sbr.abs _section_cstart, $3  }
0xc1: {  	[dreg:$0x1] =	wrdreg $0xFFFFFFFF  }
0xc2: {  	_ =	task.clear_ibuf [dreg:s7], $0x2FFFF;
	_ =	strace $0x9FFFFFFF  }
0xc3: {  	(tm) =	ssettm $0x7FFFFFFF  }
tec
execute0_lowered:
.L_overlay_start_1:
0x0: {  	(tag) =	ssettag $0x1  }
0x1: {  	s0 =	rddreg [dreg:$0x0]  }
0x2: {  	s1 =	rddreg [dreg:$0x1]  }
0x3: {  	s2 =	rddreg [dreg:$0x2];
	s3 =	srdreg.scid  }
0x4: {  	s4 =	simm.s32 $0x0;
	s11 =	stileid.u32;
	s17 =	simm.s32 $0x1800  }
0x5: {  	s18 =	simm.s32 $0x1;
	s19 =	simm.s32 $0x800;
	s20 =	simm.s32 $0x80  }
0x6: {  	s21 =	simm.s32 $0x400;
	s22 =	simm.s32 $0x1000;
	s23 =	simm.s32 $0x5800  }
0x7: {  	s24 =	simm.s32 $0x0;
	s3 =	sand.u32 $0x1, s3;
	[smem:$0x7FF] =	sst s4  }
0x8: {  	s8 =	smul.u32 $0x14000, s11;
	s5 =	sadd.s32 $0x17400, s0;
	s6 =	sadd.s32 $0xD400, s0  }
0x9: {  	s10 =	smul.u32 $0x50000, s11;
	s29 =	sshll.u32 s11, $0x1;
	s31 =	sshrl.u32 s11, $0x2  }
0xa: {  	s7 =	smul.u32 $0x140000, s3;
	_ =	strace $0x8000004D;
	s9 =	ssub.s32 $0x2, s3  }
0xb: {  	s3 =	sor.u32 s3, s29;
	s14 =	smul.u32 $0x14000, s31;
	s28 =	sshrl.u32 s9, $0x1  }
0xc: {  	s30 =	sshrl.u32 s10, $0x2;
	s12 =	sshll.u32 s3, $0x7;
	s13 =	smul.u32 $0x2800, s3  }
0xd: {  	s7 =	sadd.s32 s8, s7;
	s16 =	ssub.s32 s9, s28;
	s15 =	sand.u32 $0x380, s12  }
0xe: {  	s8 =	sshrl.u32 s7, $0x3;
	s7 =	sadd.s32 $0x3400, s0;
	s14 =	sor.u32 s15, s14  }
0xf: {  	s16 =	smax.u32 s16, $0x1;
	s0 =	sadd.s32 s8, s0;
	s8 =	sadd.s32 s30, s2  }
0x10: {  	s9 =	sadd.s32 $0x4000, s8;
	s10 =	sadd.s32 $0x8000, s8;
	s11 =	sadd.s32 $0xC000, s8  }
0x11: {  	v0 =	vimm.f32 $0.0e+00;
	s12 =	sadd.s32 $0x10000, s8;
	s15 =	sadd.s32 $0x3F400, s0;
	[dreg:$0x4] =	wrdreg s9  }
.LBB2_1:
0x12: {  	s0 =	simm.s32 $0x0;
	s3 =	simm.s32 $0x200  }
.LBB2_2:
0x13: {  	p0 =	sne.s32 s3, $0xFE00;
	[tilespmem:s0+$0x1870] =	vst v0  }
0x14: {  	[tilespmem:s0+$0x1800] =	vst v0  }
0x15: {  	[tilespmem:s0+$0x1810] =	vst v0  }
.Ltmp0:
0x16: {  	[tilespmem:s0+$0x1820] =	vst v0;
	(pc) =	sbr.rel @p0 .LBB2_2-.Ltmp0, $4  }
0x17: {  	[tilespmem:s0+$0x1830] =	vst v0  }
0x18: {  	[tilespmem:s0+$0x1840] =	vst v0  }
0x19: {  	[tilespmem:s0+$0x1850] =	vst v0  }
0x1a: {  	[tilespmem:s0+$0x1860] =	vst v0;
	s0 =	sshra.s32 s3, $0x2;
	s3 =	sadd.s32 $0x200, s3  }
0x1b: {  	[tilespmem:s0+$0x1870] =	vst v0  }
0x1c: {  	[tilespmem:s0+$0x1800] =	vst v0  }
0x1d: {  	[tilespmem:s0+$0x1810] =	vst v0  }
0x1e: {  	[tilespmem:s0+$0x1820] =	vst v0  }
0x1f: {  	[tilespmem:s0+$0x1830] =	vst v0  }
0x20: {  	[tilespmem:s0+$0x1840] =	vst v0  }
0x21: {  	[tilespmem:s0+$0x1850] =	vst v0  }
0x22: {  	[tilespmem:s0+$0x1860] =	vst v0  }
0x23: {  	[spmem:s8] =	stream.linear.scatter [tilespmem:s17], [sflag:$0x1], $0x4000, $0x38;
	[tilespmem:$0x1D800] =	vst v63  }
0x24: {  	_ =	swait.ge [sflag:s18], $0x4000  }
0x25: {  	[sflag:s18] =	ssyncset.done $0x0  }
0x26: {  	s31 =	rddreg [dreg:$0x4];
	[sflag:s18] =	ssyncadd.s32 $0xFFFFC000  }
0x27: {  	[spmem:s31] =	stream.linear.scatter [tilespmem:s17], [sflag:$0x1], $0x4000, $0x38;
	[tilespmem:$0x1D800] =	vst v63  }
0x28: {  	_ =	swait.ge [sflag:s18], $0x4000  }
0x29: {  	[sflag:s18] =	ssyncset.done $0x0  }
0x2a: {  	[sflag:s18] =	ssyncadd.s32 $0xFFFFC000  }
0x2b: {  	[spmem:s10] =	stream.linear.scatter [tilespmem:s17], [sflag:$0x1], $0x4000, $0x38;
	[tilespmem:$0x1D800] =	vst v63  }
0x2c: {  	_ =	swait.ge [sflag:s18], $0x4000  }
0x2d: {  	[sflag:s18] =	ssyncset.done $0x0  }
0x2e: {  	[sflag:s18] =	ssyncadd.s32 $0xFFFFC000  }
0x2f: {  	[spmem:s11] =	stream.linear.scatter [tilespmem:s17], [sflag:$0x1], $0x4000, $0x38;
	[tilespmem:$0x1D800] =	vst v63  }
0x30: {  	_ =	swait.ge [sflag:s18], $0x4000  }
0x31: {  	[sflag:s18] =	ssyncset.done $0x0  }
0x32: {  	[sflag:s18] =	ssyncadd.s32 $0xFFFFC000  }
0x33: {  	[spmem:s12] =	stream.linear.scatter [tilespmem:s17], [sflag:$0x1], $0x4000, $0x38;
	[tilespmem:$0x1D800] =	vst v63  }
0x34: {  	_ =	swait.ge [sflag:s18], $0x4000  }
0x35: {  	[sflag:s18] =	ssyncset.done $0x0  }
0x36: {  	[sflag:s18] =	ssyncadd.s32 $0xFFFFC000  }
0x37: {  	s25 =	simm.s32 $0x0;
	[bflag:$0x0] =	sbarrier.arrive $0xFFFF  }
.LBB2_4:
0x38: {  	s0 =	sshll.u32 s25, $0xB  }
0x39: {  	s0 =	sadd.s32 s13, s0  }
0x3a: {  	s0 =	sshrl.u32 s0, $0x3  }
0x3b: {  	s3 =	sadd.s32 s6, s0  }
0x3c: {  	[tilespmem:s24], [sflag:$0x1] =	stream.linear.gather [hbm4b:s3+s24], $0x800, $0x38;
	[tilespmem:$0x1D800] =	vst v63  }
0x3d: {  	_ =	swait.ge [sflag:s18], $0x800  }
0x3e: {  	[sflag:s18] =	ssyncset.done $0x0  }
0x3f: {  	s31 =	sshll.u32 s25, $0xE;
	s0 =	sadd.s32 s1, s0;
	[sflag:s18] =	ssyncadd.s32 $0xFFFFF800  }
0x40: {  	[tilespmem:s19], [sflag:$0x1] =	stream.linear.gather [hbm4b:s0+s24], $0x800, $0x38;
	[tilespmem:$0x1D800] =	vst v63  }
0x41: {  	s0 =	sadd.s32 s14, s31;
	_ =	swait.ge [sflag:s18], $0x800  }
0x42: {  	s0 =	sshrl.u32 s0, $0x3;
	[sflag:s18] =	ssyncset.done $0x0  }
0x43: {  	s0 =	sadd.s32 s7, s0;
	[sflag:s18] =	ssyncadd.s32 $0xFFFFF800  }
0x44: {  	[tilespmem:s22], [sflag:$0x1] =	stream.strided.gather [hbm4b:s0+s20], $0x800, s21, s20, $0x38;
	[tilespmem:$0x1D800] =	vst v63  }
0x45: {  	_ =	swait.ge [sflag:s18], $0x800  }
0x46: {  	[sflag:s18] =	ssyncset.done $0x0  }
0x47: {  	s26 =	simm.s32 $0x0;
	s28 =	simm.s32 $0x0;
	[sflag:s18] =	ssyncadd.s32 $0xFFFFF800  }
.LBB2_5:
0x48: {  	s0 =	sadd.s32 $0xFFFFFFFE, s26  }
0x49: {  	s3 =	sadd.s32 $0x2, s0  }
0x4a: {  	v1 =	vmov s3  }
0x4b: {  	v1 =	vand.u32 $0xFFFFFFFE, v1  }
0x4c: {  	s29 =	sshll.u32 s28, $0x7;
	v1 =	vbroadcast v1, $0x0  }
0x4d: {  	[tilespmem:s17], [sflag:$0x1] =	stream.indirect.gather [hbm4b:s5+s20], $0x80, s29, s20, $0xb8;
	[tilespmem:$0x1D800] =	vst v63  }
0x4e: {  	_ =	swait.ge [sflag:s18], $0x4000  }
0x4f: {  	[sflag:s18] =	ssyncset.done $0x0  }
0x50: {  	s30 =	simm.s32 $0x1880;
	[sflag:s18] =	ssyncadd.s32 $0xFFFFC000  }
0x51: {  	v2 =	vld [tilespmem:s30+$0xFFFFFF80]  }
0x52: {  	v1 =	vld.idx.msk [tilespmem:v1+s22+$0x0], $0xffff;
	_ =	sdelay $0x4  }
0x53: {  	v2 =	vmul.f32 v2, v1  }
0x54: {  	s31 =	simm.s32 $0x5880  }
0x55: {  	[tilespmem:s31+$0xFFFFFF80] =	vst v2  }
0x56: {  	v2 =	vld [tilespmem:s30+$0xFFFFFF90];
	_ =	sdelay $0x4  }
0x57: {  	v2 =	vmul.f32 v2, v1;
	_ =	sdelay $0x1  }
0x58: {  	[tilespmem:s31+$0xFFFFFF90] =	vst v2  }
0x59: {  	v2 =	vld [tilespmem:s30+$0xFFFFFFA0];
	_ =	sdelay $0x4  }
0x5a: {  	v2 =	vmul.f32 v2, v1;
	_ =	sdelay $0x1  }
0x5b: {  	[tilespmem:s31+$0xFFFFFFA0] =	vst v2  }
0x5c: {  	v2 =	vld [tilespmem:s30+$0xFFFFFFB0];
	_ =	sdelay $0x4  }
0x5d: {  	v2 =	vmul.f32 v2, v1;
	_ =	sdelay $0x1  }
0x5e: {  	[tilespmem:s31+$0xFFFFFFB0] =	vst v2  }
0x5f: {  	v2 =	vld [tilespmem:s30+$0xFFFFFFC0];
	_ =	sdelay $0x4  }
0x60: {  	v2 =	vmul.f32 v2, v1;
	_ =	sdelay $0x1  }
0x61: {  	[tilespmem:s31+$0xFFFFFFC0] =	vst v2  }
0x62: {  	v2 =	vld [tilespmem:s30+$0xFFFFFFD0];
	_ =	sdelay $0x4  }
0x63: {  	v2 =	vmul.f32 v2, v1;
	_ =	sdelay $0x1  }
0x64: {  	[tilespmem:s31+$0xFFFFFFD0] =	vst v2  }
0x65: {  	v2 =	vld [tilespmem:s30+$0xFFFFFFE0];
	_ =	sdelay $0x4  }
0x66: {  	v2 =	vmul.f32 v2, v1;
	_ =	sdelay $0x1  }
0x67: {  	[tilespmem:s31+$0xFFFFFFE0] =	vst v2  }
0x68: {  	v2 =	vld [tilespmem:s30+$0xFFFFFFF0];
	_ =	sdelay $0x1  }
0x69: {  	s0 =	sadd.s32 $0x3, s0  }
0x6a: {  	v3 =	vmov s0;
	_ =	sdelay $0x1  }
0x6b: {  	v1 =	vmul.f32 v2, v1;
	_ =	sdelay $0x1  }
0x6c: {  	[tilespmem:s31+$0xFFFFFFF0] =	vst v1  }
0x6d: {  	v1 =	vld.idx.msk [tilespmem:v3+s22+$0x0], $0xffff  }
0x6e: {  	v2 =	vld [tilespmem:s30+$0x0];
	_ =	sdelay $0x4  }
0x6f: {  	v2 =	vmul.f32 v2, v1;
	_ =	sdelay $0x1  }
0x70: {  	[tilespmem:s31+$0x0] =	vst v2  }
0x71: {  	v2 =	vld [tilespmem:s30+$0x10];
	_ =	sdelay $0x4  }
0x72: {  	v2 =	vmul.f32 v2, v1;
	_ =	sdelay $0x1  }
0x73: {  	[tilespmem:s31+$0x10] =	vst v2  }
0x74: {  	v2 =	vld [tilespmem:s30+$0x20];
	_ =	sdelay $0x4  }
0x75: {  	v2 =	vmul.f32 v2, v1;
	_ =	sdelay $0x1  }
0x76: {  	[tilespmem:s31+$0x20] =	vst v2  }
0x77: {  	v2 =	vld [tilespmem:s30+$0x30];
	_ =	sdelay $0x4  }
0x78: {  	v2 =	vmul.f32 v2, v1;
	_ =	sdelay $0x1  }
0x79: {  	[tilespmem:s31+$0x30] =	vst v2  }
0x7a: {  	v2 =	vld [tilespmem:s30+$0x40];
	_ =	sdelay $0x4  }
0x7b: {  	v2 =	vmul.f32 v2, v1;
	_ =	sdelay $0x1  }
0x7c: {  	[tilespmem:s31+$0x40] =	vst v2  }
0x7d: {  	v2 =	vld [tilespmem:s30+$0x50];
	_ =	sdelay $0x4  }
0x7e: {  	v2 =	vmul.f32 v2, v1;
	_ =	sdelay $0x1  }
0x7f: {  	[tilespmem:s31+$0x50] =	vst v2  }
0x80: {  	v2 =	vld [tilespmem:s30+$0x60];
	_ =	sdelay $0x4  }
0x81: {  	s0 =	simm.s32 $0x0;
	v2 =	vmul.f32 v2, v1  }
.LBB2_6:
0x82: {  	s3 =	sadd.s32 s0, s26;
	s0 =	sadd.s32 $0x2, s0  }
0x83: {  	s9 =	sadd.s32 $0x2, s3;
	p0 =	slt.u32 s0, $0x7E;
	[tilespmem:s31+$0x60] =	vst v2  }
0x84: {  	v2 =	vmov s9;
	v3 =	vld [tilespmem:s30+$0x70]  }
0x85: {  	v2 =	vand.u32 $0xFFFFFFFE, v2  }
0x86: {  	v2 =	vbroadcast v2, $0x0;
	_ =	sdelay $0x2  }
0x87: {  	v1 =	vmul.f32 v3, v1;
	_ =	sdelay $0x1  }
0x88: {  	[tilespmem:s31+$0x70] =	vst v1  }
0x89: {  	s30 =	sadd.s32 $0x100, s30;
	v1 =	vld.idx.msk [tilespmem:v2+s22+$0x0], $0xffff  }
0x8a: {  	v2 =	vld [tilespmem:s30+$0xFFFFFF80];
	_ =	sdelay $0x4  }
0x8b: {  	v2 =	vmul.f32 v2, v1  }
0x8c: {  	s31 =	sadd.s32 $0x100, s31  }
0x8d: {  	[tilespmem:s31+$0xFFFFFF80] =	vst v2  }
0x8e: {  	v2 =	vld [tilespmem:s30+$0xFFFFFF90];
	_ =	sdelay $0x4  }
0x8f: {  	v2 =	vmul.f32 v2, v1;
	_ =	sdelay $0x1  }
0x90: {  	[tilespmem:s31+$0xFFFFFF90] =	vst v2  }
0x91: {  	v2 =	vld [tilespmem:s30+$0xFFFFFFA0];
	_ =	sdelay $0x4  }
0x92: {  	v2 =	vmul.f32 v2, v1;
	_ =	sdelay $0x1  }
0x93: {  	[tilespmem:s31+$0xFFFFFFA0] =	vst v2  }
0x94: {  	v2 =	vld [tilespmem:s30+$0xFFFFFFB0];
	_ =	sdelay $0x4  }
0x95: {  	v2 =	vmul.f32 v2, v1;
	_ =	sdelay $0x1  }
0x96: {  	[tilespmem:s31+$0xFFFFFFB0] =	vst v2  }
0x97: {  	v2 =	vld [tilespmem:s30+$0xFFFFFFC0];
	_ =	sdelay $0x4  }
0x98: {  	v2 =	vmul.f32 v2, v1;
	_ =	sdelay $0x1  }
0x99: {  	[tilespmem:s31+$0xFFFFFFC0] =	vst v2  }
0x9a: {  	v2 =	vld [tilespmem:s30+$0xFFFFFFD0];
	_ =	sdelay $0x4  }
0x9b: {  	v2 =	vmul.f32 v2, v1;
	_ =	sdelay $0x1  }
0x9c: {  	[tilespmem:s31+$0xFFFFFFD0] =	vst v2  }
0x9d: {  	v2 =	vld [tilespmem:s30+$0xFFFFFFE0];
	_ =	sdelay $0x4  }
0x9e: {  	v2 =	vmul.f32 v2, v1;
	_ =	sdelay $0x1  }
0x9f: {  	[tilespmem:s31+$0xFFFFFFE0] =	vst v2  }
0xa0: {  	v2 =	vld [tilespmem:s30+$0xFFFFFFF0];
	_ =	sdelay $0x1  }
0xa1: {  	s3 =	sadd.s32 $0x3, s3  }
0xa2: {  	v3 =	vmov s3;
	_ =	sdelay $0x1  }
0xa3: {  	v1 =	vmul.f32 v2, v1;
	_ =	sdelay $0x1  }
0xa4: {  	[tilespmem:s31+$0xFFFFFFF0] =	vst v1  }
0xa5: {  	v1 =	vld.idx.msk [tilespmem:v3+s22+$0x0], $0xffff  }
0xa6: {  	v2 =	vld [tilespmem:s30+$0x0];
	_ =	sdelay $0x4  }
0xa7: {  	v2 =	vmul.f32 v2, v1;
	_ =	sdelay $0x1  }
0xa8: {  	[tilespmem:s31+$0x0] =	vst v2  }
0xa9: {  	v2 =	vld [tilespmem:s30+$0x10];
	_ =	sdelay $0x4  }
0xaa: {  	v2 =	vmul.f32 v2, v1;
	_ =	sdelay $0x1  }
0xab: {  	[tilespmem:s31+$0x10] =	vst v2  }
0xac: {  	v2 =	vld [tilespmem:s30+$0x20];
	_ =	sdelay $0x4  }
0xad: {  	v2 =	vmul.f32 v2, v1;
	_ =	sdelay $0x1  }
0xae: {  	[tilespmem:s31+$0x20] =	vst v2  }
0xaf: {  	v2 =	vld [tilespmem:s30+$0x30];
	_ =	sdelay $0x4  }
0xb0: {  	v2 =	vmul.f32 v2, v1;
	_ =	sdelay $0x1  }
0xb1: {  	[tilespmem:s31+$0x30] =	vst v2  }
0xb2: {  	v2 =	vld [tilespmem:s30+$0x40];
	_ =	sdelay $0x4  }
0xb3: {  	v2 =	vmul.f32 v2, v1;
	_ =	sdelay $0x1  }
0xb4: {  	[tilespmem:s31+$0x40] =	vst v2  }
0xb5: {  	v2 =	vld [tilespmem:s30+$0x50];
	_ =	sdelay $0x4  }
0xb6: {  	v2 =	vmul.f32 v2, v1;
	_ =	sdelay $0x1  }
0xb7: {  	[tilespmem:s31+$0x50] =	vst v2  }
0xb8: {  	v2 =	vld [tilespmem:s30+$0x60]  }
.Ltmp1:
0xb9: {  	(pc) =	sbr.rel @p0 .LBB2_6-.Ltmp1, $2  }
0xba: {  	_ =	sdelay $0x2  }
0xbb: {  	v2 =	vmul.f32 v2, v1  }
0xbc: {  	_ = 	snop  }
0xbd: {  	[tilespmem:s31+$0x60] =	vst v2  }
0xbe: {  	v2 =	vld [tilespmem:s30+$0x70];
	_ =	sdelay $0x4  }
0xbf: {  	s28 =	sadd.s32 $0x1, s28;
	v1 =	vmul.f32 v2, v1  }
0xc0: {  	p0 =	sne.s32 s28, $0x10  }
.Ltmp2:
0xc1: {  	s0 =	sadd.s32 $0x800, s29;
	[tilespmem:s31+$0x70] =	vst v1;
	(pc) =	sbr.rel @p0 .LBB2_5-.Ltmp2, $4  }
0xc2: {  	[spmem:s2] =	stream.indirect.scatter.add.f32 [tilespmem:s23], [sflag:$0x1], $0x80, s0, s20, $0xb8;
	[tilespmem:$0x1D800] =	vst v63  }
0xc3: {  	_ =	swait.ge [sflag:s18], $0x4000  }
0xc4: {  	[sflag:s18] =	ssyncset.done $0x0  }
0xc5: {  	s26 =	sadd.s32 $0x80, s26;
	[sflag:s18] =	ssyncadd.s32 $0xFFFFC000  }
0xc6: {  	s25 =	sadd.s32 $0x1, s25  }
0xc7: {  	p0 =	sne.s32 s25, $0x5  }
.Ltmp3:
0xc8: {  	_ = 	snop;
	(pc) =	sbr.rel @p0 .LBB2_4-.Ltmp3, $1  }
0xc9: {  	_ =	sdelay $0x3  }
0xca: {  	s0 =	stileid.u32;
	s4 =	sadd.s32 $0x1, s4  }
0xcb: {  	[bflag:$0x0] =	sbarrier.arrive $0xFFFF;
	s0 =	sshll.u32 s0, $0x6;
	p0 =	sne.s32 s4, s16  }
.Ltmp4:
0xcc: {  	s3 =	sshrl.u32 s8, $0x3;
	s0 =	sor.u32 $0x1C01, s0;
	(pc) =	sbr.rel @p0 .LBB2_1-.Ltmp4, $4  }
0xcd: {  	[hbm:s15], [sflag:s0] =	dma.local [spmem:s3], $0x2800  }
0xce: {  	_ =	swait.ge [sflag:s18], $0x2800  }
0xcf: {  	[sflag:s18] =	ssyncset.done $0x0  }
0xd0: {  	[sflag:s18] =	ssyncadd.s32 $0xFFFFD800  }
0xd1: {  	_ =	sfence.sel $0x180000  }
0xd2: {  	[bflag:$0x0] =	sbarrier.arrive $0xFFFF  }
0xd3: {  	_ =	strace $0x9000004D  }
0xd4: {  	s0 =	stileid.u32;
	[bflag:$0x2] =	sbarrier.arrive $0xFFFF  }
0xd5: {  	p0 =	sne.s32 s0, $0x0;
	s0 =	rddreg [dreg:$0x3]  }
0xd6: {  	s0 =	sadd.s32 @!p0 $0x100000, s0  }
0xd7: {  	[sflag:s0] =	ssyncadd.tile.s32 @!p0 $0x1;
	_ =	shalt  }
.Lfunc_end2:
_tile_overlayer_lowered:
.L_overlay_start_2:
0xd8: {  	(tag) =	ssettag $0x2  }
0xd9: {  	s0 =	rddreg [dreg:$0x0];
	s2 =	stileid.u32  }
0xda: {  	s1 =	rddreg [dreg:$0x1];
	p0 =	sne.s32 s2, $0x0  }
0xdb: {  	s3 =	rddreg [dreg:$0x2];
	[bflag:$0x3] =	sbarrier.arrive $0xFFFF;
	s2 =	simm.s32 @!p0 $0x1C01  }
0xdc: {  	[timem:s3], [sflag:s2] =	dma.local @!p0 [hbm:s0], s1  }
0xdd: {  	s0 =	simm.s32 @!p0 $0x1  }
0xde: {  	_ =	swait.ge @!p0 [sflag:s0], s1  }
0xdf: {  	s1 =	ssub.s32 @!p0 $0x0, s1;
	[sflag:s0] =	ssyncset.done @!p0 $0x0  }
0xe0: {  	[sflag:s0] =	ssyncadd.s32 @!p0 s1  }
0xe1: {  	[bflag:$0x3] =	sbarrier.arrive $0xFFFF  }
0xe2: {  	_ =	shalt  }

// kernel: kernel.19.cloned.1.call-start
scs
__scs_entry_jumppad:
0x0: {  	(pc) =	sbr.rel $0x88, $3  }
0x1: {  	(tag) =	ssettag $0x0;
	lr =	simm.s32 $0x1  }
0x2: {  	[smem:$0x3F98] =	sst lr;
	_ =	strace $0xD0000000  }
0x3: {  	_ = 	snop  }
0x4: {  	_ = 	snop  }
0x5: {  	_ = 	snop  }
0x6: {  	_ = 	snop  }
0x7: {  	_ = 	snop  }
__scs_overlays_trampoline_lowered:
0x8: {  	[smem:$0x3FA7] =	sst s0  }
0x9: {  	[smem:$0x3FA8] =	sst s1  }
0xa: {  	[smem:$0x3FA9] =	sst s2  }
0xb: {  	[smem:$0x3FAA] =	sst s3  }
0xc: {  	[smem:$0x3FAB] =	sst s4  }
0xd: {  	[smem:$0x3FAC] =	sst s5  }
0xe: {  	[smem:$0x3FAD] =	sst s6  }
0xf: {  	[smem:$0x3FAE] =	sst s7  }
0x10: {  	[smem:$0x3FAF] =	sst s8  }
0x11: {  	[smem:$0x3FB0] =	sst s9;
	s0 =	simm.s32 @!p0 $0x0  }
0x12: {  	s1 =	sld [smem:$0x3F96];
	s0 =	simm.s32 @p0 $0x1  }
0x13: {  	[smem:$0x3FB1] =	sst s0;
	s0 =	simm.s32 @!p1 $0x0  }
0x14: {  	s2 =	sld [smem:$0x3F95];
	s0 =	simm.s32 @p1 $0x1  }
0x15: {  	[smem:$0x3FB2] =	sst s0;
	s0 =	simm.s32 @!p2 $0x0  }
0x16: {  	s3 =	sld [smem:$0x3FDB];
	s0 =	simm.s32 @p2 $0x1  }
0x17: {  	s4 =	simm.s32 $0x1BF5;
	[smem:$0x3FB4] =	sst s0  }
0x18: {  	s0 =	sld [smem:$0x3F97];
	_ =	swait.ge [sflag:s4], $0x0  }
0x19: {  	s7 =	sld [smem:$0x3F98]  }
0x1a: {  	s8 =	sadd.s32 $0xFFFFE003, lr  }
0x1b: {  	s9 =	sadd.s32 $0xFFFFFEF7, lr;
	s5 =	simm.s32 $0xFFFFFFFF;
	p2 =	slt.u32 s8, $0xFFFFF086  }
0x1c: {  	p1 =	slt.u32 s9, $0xF7A;
	s5 =	simm.s32 @!p2 $0x0  }
0x1d: {  	s5 =	simm.s32 @p1 $0x1;
	p0 =	seq.s32 s7, s2  }
0x1e: {  	s7 =	smul.u32 @!p0 $0xF7A, s2;
	p2 =	seq.s32 @!p0 s5, $0x0  }
0x1f: {  	s9 =	smul.u32 $0xF7A, s1;
	s8 =	simm.s32 @!p0 $0x1BF5;
	p2 =	por !p2, p0  }
0x20: {  	[sflag:s8] =	ssyncset.s32 @!p0 $0xFFFFF086;
	s6 =	sadd.s32 @!p0 s3, s7;
	s7 =	simm.s32 @!p0 $0x108  }
0x21: {  	s3 =	sadd.s32 s3, s9;
	s6 =	sadd.s32 @!p0 $0x88, s6;
	s7 =	simm.s32 @p2 $0x1082  }
0x22: {  	[simem:s7], [sflag:s8] =	dma.local @!p0 [hbm:s6], $0xF7A  }
0x23: {  	s9 =	sor.u32 $0xD0000000, s2;
	s6 =	simm.s32 $0x108;
	_ =	swait.ge @!p0 [sflag:s8], $0x0  }
0x24: {  	s3 =	sadd.s32 $0x88, s3;
	s6 =	simm.s32 @!p1 $0x1082;
	[sflag:s4] =	ssyncset.s32 $0xFFFFF086  }
0x25: {  	[simem:s6], [sflag:s4] =	dma.local [hbm:s3], $0xF7A  }
0x26: {  	[smem:$0x3F98] =	sst s1;
	(tag) =	ssettag s2;
	_ =	strace s9  }
0x27: {  	s1 =	sld [smem:$0x3FA8]  }
0x28: {  	s2 =	sld [smem:$0x3FA9]  }
0x29: {  	s4 =	sld [smem:$0x3FAB]  }
0x2a: {  	p0 =	seq.s32 s5, $0x0;
	s5 =	sld [smem:$0x3FAC]  }
0x2b: {  	s6 =	sld [smem:$0x3FAD]  }
0x2c: {  	s7 =	sld [smem:$0x3FAE]  }
0x2d: {  	s3 =	simm.s32 $0x108;
	s8 =	sld [smem:$0x3FAF]  }
0x2e: {  	s3 =	simm.s32 @!p0 $0x1082;
	s9 =	sld [smem:$0x3FB0]  }
0x2f: {  	lr =	sadd.s32 s0, s3;
	s0 =	sld [smem:$0x3FA7]  }
0x30: {  	s3 =	sld [smem:$0x3FAA]  }
0x31: {  	[smem:$0x3FB3] =	sst s10  }
0x32: {  	s10 =	sld [smem:$0x3FB1];
	_ =	sdelay $0x3  }
0x33: {  	p0 =	seq.s32 s10, $0x1;
	s10 =	sld [smem:$0x3FB3];
	_ =	sdelay $0x3  }
0x34: {  	[smem:$0x3FB3] =	sst s10  }
0x35: {  	s10 =	sld [smem:$0x3FB2];
	_ =	sdelay $0x3  }
0x36: {  	p1 =	seq.s32 s10, $0x1;
	s10 =	sld [smem:$0x3FB3];
	_ =	sdelay $0x3  }
0x37: {  	[smem:$0x3FB3] =	sst s10  }
0x38: {  	s10 =	sld [smem:$0x3FB4]  }
0x39: {  	_ = 	snop;
	(pc) =	sbr.ind lr, $3  }
0x3a: {  	_ = 	snop  }
0x3b: {  	_ = 	snop  }
0x3c: {  	p2 =	seq.s32 s10, $0x1;
	s10 =	sld [smem:$0x3FB3]  }
0x3d: {  	_ =	shalt  }
0x3e: {  	_ =	shalt  }
0x3f: {  	_ =	shalt  }
0x40: {  	_ =	shalt  }
0x41: {  	_ =	shalt  }
0x42: {  	_ =	shalt  }
0x43: {  	_ =	shalt  }
0x44: {  	_ =	shalt  }
0x45: {  	_ =	shalt  }
0x46: {  	_ =	shalt  }
0x47: {  	_ =	shalt  }
0x48: {  	_ =	shalt  }
0x49: {  	_ =	shalt  }
0x4a: {  	_ =	shalt  }
0x4b: {  	_ =	shalt  }
0x4c: {  	_ =	shalt  }
0x4d: {  	_ =	shalt  }
0x4e: {  	_ =	shalt  }
0x4f: {  	_ =	shalt  }
0x50: {  	_ =	shalt  }
0x51: {  	_ =	shalt  }
0x52: {  	_ =	shalt  }
0x53: {  	_ =	shalt  }
0x54: {  	_ =	shalt  }
0x55: {  	_ =	shalt  }
0x56: {  	_ =	shalt  }
0x57: {  	_ =	shalt  }
0x58: {  	_ =	shalt  }
0x59: {  	_ =	shalt  }
0x5a: {  	_ =	shalt  }
0x5b: {  	_ =	shalt  }
0x5c: {  	_ =	shalt  }
0x5d: {  	_ =	shalt  }
0x5e: {  	_ =	shalt  }
0x5f: {  	_ =	shalt  }
0x60: {  	_ =	shalt  }
0x61: {  	_ =	shalt  }
0x62: {  	_ =	shalt  }
0x63: {  	_ =	shalt  }
0x64: {  	_ =	shalt  }
0x65: {  	_ =	shalt  }
0x66: {  	_ =	shalt  }
0x67: {  	_ =	shalt  }
0x68: {  	_ =	shalt  }
0x69: {  	_ =	shalt  }
0x6a: {  	_ =	shalt  }
0x6b: {  	_ =	shalt  }
0x6c: {  	_ =	shalt  }
0x6d: {  	_ =	shalt  }
0x6e: {  	_ =	shalt  }
0x6f: {  	_ =	shalt  }
0x70: {  	_ =	shalt  }
0x71: {  	_ =	shalt  }
0x72: {  	_ =	shalt  }
0x73: {  	_ =	shalt  }
0x74: {  	_ =	shalt  }
0x75: {  	_ =	shalt  }
0x76: {  	_ =	shalt  }
0x77: {  	_ =	shalt  }
0x78: {  	_ =	shalt  }
0x79: {  	_ =	shalt  }
0x7a: {  	_ =	shalt  }
0x7b: {  	_ =	shalt  }
0x7c: {  	_ =	shalt  }
0x7d: {  	_ =	shalt  }
0x7e: {  	_ =	shalt  }
0x7f: {  	_ =	shalt  }
0x80: {  	_ =	shalt  }
0x81: {  	_ =	shalt  }
0x82: {  	_ =	shalt  }
0x83: {  	_ =	shalt  }
0x84: {  	_ =	shalt  }
0x85: {  	_ =	shalt  }
0x86: {  	_ =	shalt  }
0x87: {  	_ =	shalt  }
.Lfunc_end0:
.L_simem_size_0:
called_computation.3_lowered:
.L_overlay_start_0:
0x88: {  	s2 =	sld [smem:$0x3FD9]  }
0x89: {  	s3 =	sld [smem:$0x3FFE];
	_ =	sdelay $0x1  }
0x8a: {  	s1 =	srdreg.scid  }
0x8b: {  	s0 =	sand.u32 $0x1, s1  }
0x8c: {  	s17 =	sshll.u32 s0, $0xA;
	s2 =	sadd.s32 s3, s2  }
0x8d: {  	s2 =	sadd.s32 s2, s17  }
0x8e: {  	[smem:$0x3FBF] =	sst s2  }
0x8f: {  	_ = 	snop  }
0x90: {  	s2 =	sld [smem:$0x3FD0];
	(tm) =	ssettm $0x1  }
0x91: {  	s18 =	sld [smem:$0x3FFB];
	_ =	sdelay $0x3  }
0x92: {  	_ =	strace s18  }
0x93: {  	s3 =	sld [smem:$0x3FFC];
	_ =	sdelay $0x3  }
0x94: {  	_ =	strace s3  }
0x95: {  	s3 =	sld [smem:$0x3FFD];
	_ =	sdelay $0x3  }
0x96: {  	_ =	strace s3  }
0x97: {  	_ =	strace $0x8FFFFFFF  }
0x98: {  	s19 =	sld [smem:$0x3FDB];
	_ =	sdelay $0x1  }
0x99: {  	s4 =	simm.s32 $_scs_section_size  }
0x9a: {  	s5 =	simm.s32 $_size__tile_overlayer_lowered;
	s6 =	simm.s32 $_tile_overlayer_lowered  }
0x9b: {  	s22 =	simm.s32 $0x1BFF;
	s21 =	sshll.u32 s6, $0x1;
	s3 =	sadd.s32 s4, s19  }
0x9c: {  	s7 =	simm.s32 $0x0;
	s20 =	sshll.u32 s5, $0x1;
	s5 =	sadd.s32 s21, s3  }
0x9d: {  	[timem:s7], [sflag:s22] =	dma.local [hbm:s5], s20  }
0x9e: {  	_ =	swait.ge [sflag:s22], s20  }
0x9f: {  	s4 =	ssub.s32 $0x0, s20;
	[sflag:s22] =	ssyncset.done $0x0  }
0xa0: {  	[sflag:s22] =	ssyncadd.s32 s4;
	_ =	sdelay $0x1  }
0xa1: {  	s23 =	simm.s32 $0x1B8B  }
0xa2: {  	_ =	swait.ge [sflag:s23], $0x1  }
0xa3: {  	[sflag:s23] =	ssyncset.done $0x0  }
0xa4: {  	s25 =	simm.s32 $0x1B8E;
	s24 =	sld [smem:$0x3FFE];
	[sflag:s23] =	ssyncadd.s32 $0xFFFFFFFF  }
0xa5: {  	s26 =	simm.s32 $execute0_lowered;
	[smem:$0x3FD2] =	sst s25  }
0xa6: {  	s5 =	sshll.u32 s26, $0x1;
	_ =	strace $0x8000004F;
	[dreg:$0x1] =	wrdreg $0xFFFFFFFF  }
0xa7: {  	s28 =	simm.s32 $_size_execute0_lowered;
	s3 =	sadd.s32 s3, s5;
	[dreg:$0x0] =	wrdreg $0x0  }
0xa8: {  	s5 =	sshll.u32 s28, $0x1;
	[dreg:$0x2] =	wrdreg s3  }
0xa9: {  	[dreg:$0x3] =	wrdreg s5  }
0xaa: {  	[dreg:$0x4] =	wrdreg $0xC0  }
0xab: {  	_ =	task [dreg:s7], $0x5FFFF  }
0xac: {  	[dreg:$0x1] =	wrdreg $0xFFFFFFFF  }
0xad: {  	[dreg:$0x0] =	wrdreg $0x60  }
0xae: {  	[dreg:$0x2] =	wrdreg s24  }
0xaf: {  	[dreg:$0x3] =	wrdreg s2  }
0xb0: {  	[dreg:$0x4] =	wrdreg $0x98000  }
0xb1: {  	[dreg:$0x5] =	wrdreg $0x9  }
0xb2: {  	_ =	task.clear_ibuf [dreg:s7], $0x6FFFF;
	_ =	strace $0x9000004F  }
0xb3: {  	s29 =	simm.s32 $0x9;
	_ =	strace $0x80000051  }
0xb4: {  	_ =	swait.ge [sflag:s29], $0x1  }
0xb5: {  	[sflag:s29] =	ssyncadd.s32 $0xFFFFFFFF  }
0xb6: {  	_ =	strace $0x90000051  }
0xb7: {  	_ =	sfence  }
0xb8: {  	s30 =	sld [smem:$0x0];
	_ =	sdelay $0x2  }
0xb9: {  	s31 =	sshll.u32 s1, $0xD;
	s1 =	sshrl.u32 s1, $0x2  }
0xba: {  	s3 =	sand.u32 $0x4000, s31;
	s1 =	sadd.s32 s1, s30  }
0xbb: {  	s0 =	sor.u32 s3, s0;
	s1 =	sshll.u32 s1, $0x11  }
0xbc: {  	s0 =	sor.u32 s1, s0  }
0xbd: {  	s0 =	sadd.s32 $0x8F2B, s0  }
0xbe: {  	[sflag:s0] =	ssyncadd.remote.s32 $0x1  }
0xbf: {  	_ =	sfence.sel $0xFFFF  }
0xc0: {  	[dreg:$0x0] =	wrdreg $0xFFFFFFFF;
	(pc) =	sbr.abs _section_cstart, $3  }
0xc1: {  	[dreg:$0x1] =	wrdreg $0xFFFFFFFF  }
0xc2: {  	_ =	task.clear_ibuf [dreg:s7], $0x2FFFF;
	_ =	strace $0x9FFFFFFF  }
0xc3: {  	(tm) =	ssettm $0x7FFFFFFF  }
tec
execute0_lowered:
.L_overlay_start_1:
0x0: {  	(tag) =	ssettag $0x1  }
0x1: {  	s0 =	rddreg [dreg:$0x0]  }
0x2: {  	s1 =	rddreg [dreg:$0x1]  }
0x3: {  	s2 =	rddreg [dreg:$0x2];
	s3 =	srdreg.scid  }
0x4: {  	s4 =	simm.s32 $0x0;
	s11 =	stileid.u32;
	s17 =	simm.s32 $0x1800  }
0x5: {  	s18 =	simm.s32 $0x1;
	s19 =	simm.s32 $0x800;
	s20 =	simm.s32 $0x80  }
0x6: {  	s21 =	simm.s32 $0x400;
	s22 =	simm.s32 $0x1000;
	s23 =	simm.s32 $0x5800  }
0x7: {  	s24 =	simm.s32 $0x0;
	s3 =	sand.u32 $0x1, s3;
	[smem:$0x7FF] =	sst s4  }
0x8: {  	s8 =	smul.u32 $0x14000, s11;
	s5 =	sadd.s32 $0x17400, s0;
	s6 =	sadd.s32 $0xD400, s0  }
0x9: {  	s10 =	smul.u32 $0x50000, s11;
	s29 =	sshll.u32 s11, $0x1;
	s31 =	sshrl.u32 s11, $0x2  }
0xa: {  	s7 =	smul.u32 $0x140000, s3;
	_ =	strace $0x80000050;
	s9 =	ssub.s32 $0x2, s3  }
0xb: {  	s3 =	sor.u32 s3, s29;
	s14 =	smul.u32 $0x14000, s31;
	s28 =	sshrl.u32 s9, $0x1  }
0xc: {  	s30 =	sshrl.u32 s10, $0x2;
	s12 =	sshll.u32 s3, $0x7;
	s13 =	smul.u32 $0x2800, s3  }
0xd: {  	s7 =	sadd.s32 s8, s7;
	s16 =	ssub.s32 s9, s28;
	s15 =	sand.u32 $0x380, s12  }
0xe: {  	s8 =	sshrl.u32 s7, $0x3;
	s7 =	sadd.s32 $0x3400, s0;
	s14 =	sor.u32 s15, s14  }
0xf: {  	s16 =	smax.u32 s16, $0x1;
	s0 =	sadd.s32 s8, s0;
	s8 =	sadd.s32 s30, s2  }
0x10: {  	s9 =	sadd.s32 $0x4000, s8;
	s10 =	sadd.s32 $0x8000, s8;
	s11 =	sadd.s32 $0xC000, s8  }
0x11: {  	v0 =	vimm.f32 $0.0e+00;
	s12 =	sadd.s32 $0x10000, s8;
	s15 =	sadd.s32 $0x3F400, s0;
	[dreg:$0x4] =	wrdreg s9  }
.LBB2_1:
0x12: {  	s0 =	simm.s32 $0x0;
	s3 =	simm.s32 $0x200  }
.LBB2_2:
0x13: {  	p0 =	sne.s32 s3, $0xFE00;
	[tilespmem:s0+$0x1870] =	vst v0  }
0x14: {  	[tilespmem:s0+$0x1800] =	vst v0  }
0x15: {  	[tilespmem:s0+$0x1810] =	vst v0  }
.Ltmp0:
0x16: {  	[tilespmem:s0+$0x1820] =	vst v0;
	(pc) =	sbr.rel @p0 .LBB2_2-.Ltmp0, $4  }
0x17: {  	[tilespmem:s0+$0x1830] =	vst v0  }
0x18: {  	[tilespmem:s0+$0x1840] =	vst v0  }
0x19: {  	[tilespmem:s0+$0x1850] =	vst v0  }
0x1a: {  	[tilespmem:s0+$0x1860] =	vst v0;
	s0 =	sshra.s32 s3, $0x2;
	s3 =	sadd.s32 $0x200, s3  }
0x1b: {  	[tilespmem:s0+$0x1870] =	vst v0  }
0x1c: {  	[tilespmem:s0+$0x1800] =	vst v0  }
0x1d: {  	[tilespmem:s0+$0x1810] =	vst v0  }
0x1e: {  	[tilespmem:s0+$0x1820] =	vst v0  }
0x1f: {  	[tilespmem:s0+$0x1830] =	vst v0  }
0x20: {  	[tilespmem:s0+$0x1840] =	vst v0  }
0x21: {  	[tilespmem:s0+$0x1850] =	vst v0  }
0x22: {  	[tilespmem:s0+$0x1860] =	vst v0  }
0x23: {  	[spmem:s8] =	stream.linear.scatter [tilespmem:s17], [sflag:$0x1], $0x4000, $0x38;
	[tilespmem:$0x1D800] =	vst v63  }
0x24: {  	_ =	swait.ge [sflag:s18], $0x4000  }
0x25: {  	[sflag:s18] =	ssyncset.done $0x0  }
0x26: {  	s31 =	rddreg [dreg:$0x4];
	[sflag:s18] =	ssyncadd.s32 $0xFFFFC000  }
0x27: {  	[spmem:s31] =	stream.linear.scatter [tilespmem:s17], [sflag:$0x1], $0x4000, $0x38;
	[tilespmem:$0x1D800] =	vst v63  }
0x28: {  	_ =	swait.ge [sflag:s18], $0x4000  }
0x29: {  	[sflag:s18] =	ssyncset.done $0x0  }
0x2a: {  	[sflag:s18] =	ssyncadd.s32 $0xFFFFC000  }
0x2b: {  	[spmem:s10] =	stream.linear.scatter [tilespmem:s17], [sflag:$0x1], $0x4000, $0x38;
	[tilespmem:$0x1D800] =	vst v63  }
0x2c: {  	_ =	swait.ge [sflag:s18], $0x4000  }
0x2d: {  	[sflag:s18] =	ssyncset.done $0x0  }
0x2e: {  	[sflag:s18] =	ssyncadd.s32 $0xFFFFC000  }
0x2f: {  	[spmem:s11] =	stream.linear.scatter [tilespmem:s17], [sflag:$0x1], $0x4000, $0x38;
	[tilespmem:$0x1D800] =	vst v63  }
0x30: {  	_ =	swait.ge [sflag:s18], $0x4000  }
0x31: {  	[sflag:s18] =	ssyncset.done $0x0  }
0x32: {  	[sflag:s18] =	ssyncadd.s32 $0xFFFFC000  }
0x33: {  	[spmem:s12] =	stream.linear.scatter [tilespmem:s17], [sflag:$0x1], $0x4000, $0x38;
	[tilespmem:$0x1D800] =	vst v63  }
0x34: {  	_ =	swait.ge [sflag:s18], $0x4000  }
0x35: {  	[sflag:s18] =	ssyncset.done $0x0  }
0x36: {  	[sflag:s18] =	ssyncadd.s32 $0xFFFFC000  }
0x37: {  	s25 =	simm.s32 $0x0;
	[bflag:$0x0] =	sbarrier.arrive $0xFFFF  }
.LBB2_4:
0x38: {  	s0 =	sshll.u32 s25, $0xB  }
0x39: {  	s0 =	sadd.s32 s13, s0  }
0x3a: {  	s0 =	sshrl.u32 s0, $0x3  }
0x3b: {  	s3 =	sadd.s32 s6, s0  }
0x3c: {  	[tilespmem:s24], [sflag:$0x1] =	stream.linear.gather [hbm4b:s3+s24], $0x800, $0x38;
	[tilespmem:$0x1D800] =	vst v63  }
0x3d: {  	_ =	swait.ge [sflag:s18], $0x800  }
0x3e: {  	[sflag:s18] =	ssyncset.done $0x0  }
0x3f: {  	s31 =	sshll.u32 s25, $0xE;
	s0 =	sadd.s32 s1, s0;
	[sflag:s18] =	ssyncadd.s32 $0xFFFFF800  }
0x40: {  	[tilespmem:s19], [sflag:$0x1] =	stream.linear.gather [hbm4b:s0+s24], $0x800, $0x38;
	[tilespmem:$0x1D800] =	vst v63  }
0x41: {  	s0 =	sadd.s32 s14, s31;
	_ =	swait.ge [sflag:s18], $0x800  }
0x42: {  	s0 =	sshrl.u32 s0, $0x3;
	[sflag:s18] =	ssyncset.done $0x0  }
0x43: {  	s0 =	sadd.s32 s7, s0;
	[sflag:s18] =	ssyncadd.s32 $0xFFFFF800  }
0x44: {  	[tilespmem:s22], [sflag:$0x1] =	stream.strided.gather [hbm4b:s0+s20], $0x800, s21, s20, $0x38;
	[tilespmem:$0x1D800] =	vst v63  }
0x45: {  	_ =	swait.ge [sflag:s18], $0x800  }
0x46: {  	[sflag:s18] =	ssyncset.done $0x0  }
0x47: {  	s26 =	simm.s32 $0x0;
	s28 =	simm.s32 $0x0;
	[sflag:s18] =	ssyncadd.s32 $0xFFFFF800  }
.LBB2_5:
0x48: {  	s0 =	sadd.s32 $0xFFFFFFFE, s26  }
0x49: {  	s3 =	sadd.s32 $0x2, s0  }
0x4a: {  	v1 =	vmov s3  }
0x4b: {  	v1 =	vand.u32 $0xFFFFFFFE, v1  }
0x4c: {  	s29 =	sshll.u32 s28, $0x7;
	v1 =	vbroadcast v1, $0x0  }
0x4d: {  	[tilespmem:s17], [sflag:$0x1] =	stream.indirect.gather [hbm4b:s5+s20], $0x80, s29, s20, $0xb8;
	[tilespmem:$0x1D800] =	vst v63  }
0x4e: {  	_ =	swait.ge [sflag:s18], $0x4000  }
0x4f: {  	[sflag:s18] =	ssyncset.done $0x0  }
0x50: {  	s30 =	simm.s32 $0x1880;
	[sflag:s18] =	ssyncadd.s32 $0xFFFFC000  }
0x51: {  	v2 =	vld [tilespmem:s30+$0xFFFFFF80]  }
0x52: {  	v1 =	vld.idx.msk [tilespmem:v1+s22+$0x0], $0xffff;
	_ =	sdelay $0x4  }
0x53: {  	v2 =	vmul.f32 v2, v1  }
0x54: {  	s31 =	simm.s32 $0x5880  }
0x55: {  	[tilespmem:s31+$0xFFFFFF80] =	vst v2  }
0x56: {  	v2 =	vld [tilespmem:s30+$0xFFFFFF90];
	_ =	sdelay $0x4  }
0x57: {  	v2 =	vmul.f32 v2, v1;
	_ =	sdelay $0x1  }
0x58: {  	[tilespmem:s31+$0xFFFFFF90] =	vst v2  }
0x59: {  	v2 =	vld [tilespmem:s30+$0xFFFFFFA0];
	_ =	sdelay $0x4  }
0x5a: {  	v2 =	vmul.f32 v2, v1;
	_ =	sdelay $0x1  }
0x5b: {  	[tilespmem:s31+$0xFFFFFFA0] =	vst v2  }
0x5c: {  	v2 =	vld [tilespmem:s30+$0xFFFFFFB0];
	_ =	sdelay $0x4  }
0x5d: {  	v2 =	vmul.f32 v2, v1;
	_ =	sdelay $0x1  }
0x5e: {  	[tilespmem:s31+$0xFFFFFFB0] =	vst v2  }
0x5f: {  	v2 =	vld [tilespmem:s30+$0xFFFFFFC0];
	_ =	sdelay $0x4  }
0x60: {  	v2 =	vmul.f32 v2, v1;
	_ =	sdelay $0x1  }
0x61: {  	[tilespmem:s31+$0xFFFFFFC0] =	vst v2  }
0x62: {  	v2 =	vld [tilespmem:s30+$0xFFFFFFD0];
	_ =	sdelay $0x4  }
0x63: {  	v2 =	vmul.f32 v2, v1;
	_ =	sdelay $0x1  }
0x64: {  	[tilespmem:s31+$0xFFFFFFD0] =	vst v2  }
0x65: {  	v2 =	vld [tilespmem:s30+$0xFFFFFFE0];
	_ =	sdelay $0x4  }
0x66: {  	v2 =	vmul.f32 v2, v1;
	_ =	sdelay $0x1  }
0x67: {  	[tilespmem:s31+$0xFFFFFFE0] =	vst v2  }
0x68: {  	v2 =	vld [tilespmem:s30+$0xFFFFFFF0];
	_ =	sdelay $0x1  }
0x69: {  	s0 =	sadd.s32 $0x3, s0  }
0x6a: {  	v3 =	vmov s0;
	_ =	sdelay $0x1  }
0x6b: {  	v1 =	vmul.f32 v2, v1;
	_ =	sdelay $0x1  }
0x6c: {  	[tilespmem:s31+$0xFFFFFFF0] =	vst v1  }
0x6d: {  	v1 =	vld.idx.msk [tilespmem:v3+s22+$0x0], $0xffff  }
0x6e: {  	v2 =	vld [tilespmem:s30+$0x0];
	_ =	sdelay $0x4  }
0x6f: {  	v2 =	vmul.f32 v2, v1;
	_ =	sdelay $0x1  }
0x70: {  	[tilespmem:s31+$0x0] =	vst v2  }
0x71: {  	v2 =	vld [tilespmem:s30+$0x10];
	_ =	sdelay $0x4  }
0x72: {  	v2 =	vmul.f32 v2, v1;
	_ =	sdelay $0x1  }
0x73: {  	[tilespmem:s31+$0x10] =	vst v2  }
0x74: {  	v2 =	vld [tilespmem:s30+$0x20];
	_ =	sdelay $0x4  }
0x75: {  	v2 =	vmul.f32 v2, v1;
	_ =	sdelay $0x1  }
0x76: {  	[tilespmem:s31+$0x20] =	vst v2  }
0x77: {  	v2 =	vld [tilespmem:s30+$0x30];
	_ =	sdelay $0x4  }
0x78: {  	v2 =	vmul.f32 v2, v1;
	_ =	sdelay $0x1  }
0x79: {  	[tilespmem:s31+$0x30] =	vst v2  }
0x7a: {  	v2 =	vld [tilespmem:s30+$0x40];
	_ =	sdelay $0x4  }
0x7b: {  	v2 =	vmul.f32 v2, v1;
	_ =	sdelay $0x1  }
0x7c: {  	[tilespmem:s31+$0x40] =	vst v2  }
0x7d: {  	v2 =	vld [tilespmem:s30+$0x50];
	_ =	sdelay $0x4  }
0x7e: {  	v2 =	vmul.f32 v2, v1;
	_ =	sdelay $0x1  }
0x7f: {  	[tilespmem:s31+$0x50] =	vst v2  }
0x80: {  	v2 =	vld [tilespmem:s30+$0x60];
	_ =	sdelay $0x4  }
0x81: {  	s0 =	simm.s32 $0x0;
	v2 =	vmul.f32 v2, v1  }
.LBB2_6:
0x82: {  	s3 =	sadd.s32 s0, s26;
	s0 =	sadd.s32 $0x2, s0  }
0x83: {  	s9 =	sadd.s32 $0x2, s3;
	p0 =	slt.u32 s0, $0x7E;
	[tilespmem:s31+$0x60] =	vst v2  }
0x84: {  	v2 =	vmov s9;
	v3 =	vld [tilespmem:s30+$0x70]  }
0x85: {  	v2 =	vand.u32 $0xFFFFFFFE, v2  }
0x86: {  	v2 =	vbroadcast v2, $0x0;
	_ =	sdelay $0x2  }
0x87: {  	v1 =	vmul.f32 v3, v1;
	_ =	sdelay $0x1  }
0x88: {  	[tilespmem:s31+$0x70] =	vst v1  }
0x89: {  	s30 =	sadd.s32 $0x100, s30;
	v1 =	vld.idx.msk [tilespmem:v2+s22+$0x0], $0xffff  }
0x8a: {  	v2 =	vld [tilespmem:s30+$0xFFFFFF80];
	_ =	sdelay $0x4  }
0x8b: {  	v2 =	vmul.f32 v2, v1  }
0x8c: {  	s31 =	sadd.s32 $0x100, s31  }
0x8d: {  	[tilespmem:s31+$0xFFFFFF80] =	vst v2  }
0x8e: {  	v2 =	vld [tilespmem:s30+$0xFFFFFF90];
	_ =	sdelay $0x4  }
0x8f: {  	v2 =	vmul.f32 v2, v1;
	_ =	sdelay $0x1  }
0x90: {  	[tilespmem:s31+$0xFFFFFF90] =	vst v2  }
0x91: {  	v2 =	vld [tilespmem:s30+$0xFFFFFFA0];
	_ =	sdelay $0x4  }
0x92: {  	v2 =	vmul.f32 v2, v1;
	_ =	sdelay $0x1  }
0x93: {  	[tilespmem:s31+$0xFFFFFFA0] =	vst v2  }
0x94: {  	v2 =	vld [tilespmem:s30+$0xFFFFFFB0];
	_ =	sdelay $0x4  }
0x95: {  	v2 =	vmul.f32 v2, v1;
	_ =	sdelay $0x1  }
0x96: {  	[tilespmem:s31+$0xFFFFFFB0] =	vst v2  }
0x97: {  	v2 =	vld [tilespmem:s30+$0xFFFFFFC0];
	_ =	sdelay $0x4  }
0x98: {  	v2 =	vmul.f32 v2, v1;
	_ =	sdelay $0x1  }
0x99: {  	[tilespmem:s31+$0xFFFFFFC0] =	vst v2  }
0x9a: {  	v2 =	vld [tilespmem:s30+$0xFFFFFFD0];
	_ =	sdelay $0x4  }
0x9b: {  	v2 =	vmul.f32 v2, v1;
	_ =	sdelay $0x1  }
0x9c: {  	[tilespmem:s31+$0xFFFFFFD0] =	vst v2  }
0x9d: {  	v2 =	vld [tilespmem:s30+$0xFFFFFFE0];
	_ =	sdelay $0x4  }
0x9e: {  	v2 =	vmul.f32 v2, v1;
	_ =	sdelay $0x1  }
0x9f: {  	[tilespmem:s31+$0xFFFFFFE0] =	vst v2  }
0xa0: {  	v2 =	vld [tilespmem:s30+$0xFFFFFFF0];
	_ =	sdelay $0x1  }
0xa1: {  	s3 =	sadd.s32 $0x3, s3  }
0xa2: {  	v3 =	vmov s3;
	_ =	sdelay $0x1  }
0xa3: {  	v1 =	vmul.f32 v2, v1;
	_ =	sdelay $0x1  }
0xa4: {  	[tilespmem:s31+$0xFFFFFFF0] =	vst v1  }
0xa5: {  	v1 =	vld.idx.msk [tilespmem:v3+s22+$0x0], $0xffff  }
0xa6: {  	v2 =	vld [tilespmem:s30+$0x0];
	_ =	sdelay $0x4  }
0xa7: {  	v2 =	vmul.f32 v2, v1;
	_ =	sdelay $0x1  }
0xa8: {  	[tilespmem:s31+$0x0] =	vst v2  }
0xa9: {  	v2 =	vld [tilespmem:s30+$0x10];
	_ =	sdelay $0x4  }
0xaa: {  	v2 =	vmul.f32 v2, v1;
	_ =	sdelay $0x1  }
0xab: {  	[tilespmem:s31+$0x10] =	vst v2  }
0xac: {  	v2 =	vld [tilespmem:s30+$0x20];
	_ =	sdelay $0x4  }
0xad: {  	v2 =	vmul.f32 v2, v1;
	_ =	sdelay $0x1  }
0xae: {  	[tilespmem:s31+$0x20] =	vst v2  }
0xaf: {  	v2 =	vld [tilespmem:s30+$0x30];
	_ =	sdelay $0x4  }
0xb0: {  	v2 =	vmul.f32 v2, v1;
	_ =	sdelay $0x1  }
0xb1: {  	[tilespmem:s31+$0x30] =	vst v2  }
0xb2: {  	v2 =	vld [tilespmem:s30+$0x40];
	_ =	sdelay $0x4  }
0xb3: {  	v2 =	vmul.f32 v2, v1;
	_ =	sdelay $0x1  }
0xb4: {  	[tilespmem:s31+$0x40] =	vst v2  }
0xb5: {  	v2 =	vld [tilespmem:s30+$0x50];
	_ =	sdelay $0x4  }
0xb6: {  	v2 =	vmul.f32 v2, v1;
	_ =	sdelay $0x1  }
0xb7: {  	[tilespmem:s31+$0x50] =	vst v2  }
0xb8: {  	v2 =	vld [tilespmem:s30+$0x60]  }
.Ltmp1:
0xb9: {  	(pc) =	sbr.rel @p0 .LBB2_6-.Ltmp1, $2  }
0xba: {  	_ =	sdelay $0x2  }
0xbb: {  	v2 =	vmul.f32 v2, v1  }
0xbc: {  	_ = 	snop  }
0xbd: {  	[tilespmem:s31+$0x60] =	vst v2  }
0xbe: {  	v2 =	vld [tilespmem:s30+$0x70];
	_ =	sdelay $0x4  }
0xbf: {  	s28 =	sadd.s32 $0x1, s28;
	v1 =	vmul.f32 v2, v1  }
0xc0: {  	p0 =	sne.s32 s28, $0x10  }
.Ltmp2:
0xc1: {  	s0 =	sadd.s32 $0x800, s29;
	[tilespmem:s31+$0x70] =	vst v1;
	(pc) =	sbr.rel @p0 .LBB2_5-.Ltmp2, $4  }
0xc2: {  	[spmem:s2] =	stream.indirect.scatter.add.f32 [tilespmem:s23], [sflag:$0x1], $0x80, s0, s20, $0xb8;
	[tilespmem:$0x1D800] =	vst v63  }
0xc3: {  	_ =	swait.ge [sflag:s18], $0x4000  }
0xc4: {  	[sflag:s18] =	ssyncset.done $0x0  }
0xc5: {  	s26 =	sadd.s32 $0x80, s26;
	[sflag:s18] =	ssyncadd.s32 $0xFFFFC000  }
0xc6: {  	s25 =	sadd.s32 $0x1, s25  }
0xc7: {  	p0 =	sne.s32 s25, $0x5  }
.Ltmp3:
0xc8: {  	_ = 	snop;
	(pc) =	sbr.rel @p0 .LBB2_4-.Ltmp3, $1  }
0xc9: {  	_ =	sdelay $0x3  }
0xca: {  	s0 =	stileid.u32;
	s4 =	sadd.s32 $0x1, s4  }
0xcb: {  	[bflag:$0x0] =	sbarrier.arrive $0xFFFF;
	s0 =	sshll.u32 s0, $0x6;
	p0 =	sne.s32 s4, s16  }
.Ltmp4:
0xcc: {  	s3 =	sshrl.u32 s8, $0x3;
	s0 =	sor.u32 $0x1C01, s0;
	(pc) =	sbr.rel @p0 .LBB2_1-.Ltmp4, $4  }
0xcd: {  	[hbm:s15], [sflag:s0] =	dma.local [spmem:s3], $0x2800  }
0xce: {  	_ =	swait.ge [sflag:s18], $0x2800  }
0xcf: {  	[sflag:s18] =	ssyncset.done $0x0  }
0xd0: {  	[sflag:s18] =	ssyncadd.s32 $0xFFFFD800  }
0xd1: {  	_ =	sfence.sel $0x180000  }
0xd2: {  	[bflag:$0x0] =	sbarrier.arrive $0xFFFF  }
0xd3: {  	_ =	strace $0x90000050  }
0xd4: {  	s0 =	stileid.u32;
	[bflag:$0x2] =	sbarrier.arrive $0xFFFF  }
0xd5: {  	p0 =	sne.s32 s0, $0x0;
	s0 =	rddreg [dreg:$0x3]  }
0xd6: {  	s0 =	sadd.s32 @!p0 $0x100000, s0  }
0xd7: {  	[sflag:s0] =	ssyncadd.tile.s32 @!p0 $0x1;
	_ =	shalt  }
.Lfunc_end2:
_tile_overlayer_lowered:
.L_overlay_start_2:
0xd8: {  	(tag) =	ssettag $0x2  }
0xd9: {  	s0 =	rddreg [dreg:$0x0];
	s2 =	stileid.u32  }
0xda: {  	s1 =	rddreg [dreg:$0x1];
	p0 =	sne.s32 s2, $0x0  }
0xdb: {  	s3 =	rddreg [dreg:$0x2];
	[bflag:$0x3] =	sbarrier.arrive $0xFFFF;
	s2 =	simm.s32 @!p0 $0x1C01  }
0xdc: {  	[timem:s3], [sflag:s2] =	dma.local @!p0 [hbm:s0], s1  }
0xdd: {  	s0 =	simm.s32 @!p0 $0x1  }
0xde: {  	_ =	swait.ge @!p0 [sflag:s0], s1  }
0xdf: {  	s1 =	ssub.s32 @!p0 $0x0, s1;
	[sflag:s0] =	ssyncset.done @!p0 $0x0  }
0xe0: {  	[sflag:s0] =	ssyncadd.s32 @!p0 s1  }
0xe1: {  	[bflag:$0x3] =	sbarrier.arrive $0xFFFF  }
0xe2: {  	_ =	shalt  }

</sc_bundles>
